<compile_context>
chip_gen: v7x
topology: tpu7x:2x2x1
jax: 0.10.2.dev20260603
libtpu: 0.0.44.dev20260713+nightly
codegen_flags: <defaults>
</compile_context>

<pallas_src>
import jax
import jax.numpy as jnp
from jax import lax
from jax.experimental import pallas as pl
from jax.experimental.pallas import tpu as pltpu
from jax.experimental.pallas import tpu_sc as plsc

_D = 32
_G = 128
_NI = 16384
_NJ = 50
_NW = 32
_SI = _NI // _NW
_C = 256
_NCHUNK = _NJ * (_SI // _C)


def _body(table4, idx_hbm, out3, idxblk, gidx0, gidx1, obuf0, obuf1,
          gath0, gath1, ost0, ost1, gsem0, gsem1, osem0, osem1):
    wid = lax.axis_index("s") * 2 + lax.axis_index("c")
    i0 = wid * _SI

    pltpu.sync_copy(idx_hbm.at[pl.ds(i0 * _NJ, _SI * _NJ)], idxblk)

    gidx = (gidx0, gidx1)
    obuf = (obuf0, obuf1)
    gath = (gath0, gath1)
    ost = (ost0, ost1)
    gsem = (gsem0, gsem1)
    osem = (osem0, osem1)

    riota = lax.iota(jnp.int32, 16)

    def prep_and_fire(k, b):
        j = k // 2
        h = k % 2
        jvec = jnp.full((16,), j, dtype=jnp.int32)

        @plsc.parallel_loop(0, _C // 16, unroll=4)
        def _(m):
            ivec = riota + (h * _C + 16 * m)
            raw = plsc.load_gather(idxblk, [ivec * _NJ + jvec])
            gidx[b][pl.ds(16 * m, 16)] = lax.shift_right_logical(raw, 2)
            obuf[b][pl.ds(16 * m, 16)] = (raw & 3) * _D

        for q in range(_C // 128):
            pltpu.async_copy(
                table4.at[gidx[b].at[pl.ds(q * 128, 128)]],
                gath[b].at[pl.ds(q * 128, 128)], gsem[b])

    def drain_gather(b):
        for q in range(_C // 128):
            pltpu.make_async_copy(
                table4.at[gidx[b].at[pl.ds(q * 128, 128)]],
                gath[b].at[pl.ds(q * 128, 128)], gsem[b]).wait()

    def store_dma(k, b):
        j = k // 2
        h = k % 2
        return pltpu.make_async_copy(
            ost[b], out3.at[j, :, pl.ds(i0 + h * _C, _C)], osem[b])

    def extract(b):
        @plsc.parallel_loop(0, _C // 16, unroll=2)
        def _(m):
            pvec = riota + 16 * m
            ovec = obuf[b][pl.ds(16 * m, 16)]
            for c in range(_D):
                val = plsc.load_gather(gath[b], [pvec, ovec + c])
                ost[b][c, pl.ds(16 * m, 16)] = val

    prep_and_fire(0, 0)

    def step(g, carry):
        for b in range(2):
            k = 2 * g + b
            nb = 1 - b

            @pl.when(k + 1 < _NCHUNK)
            def _():
                prep_and_fire(k + 1, nb)

            drain_gather(b)

            @pl.when(k >= 2)
            def _():
                store_dma(k - 2, b).wait()

            extract(b)

            pltpu.async_copy(
                ost[b], out3.at[k // 2, :, pl.ds(i0 + (k % 2) * _C, _C)],
                osem[b])
        return carry

    lax.fori_loop(0, _NCHUNK // 2, step, 0)

    store_dma(_NCHUNK - 2, 0).wait()
    store_dma(_NCHUNK - 1, 1).wait()


@jax.jit
def kernel(input, index):
    table4 = input.reshape(input.shape[0] * _D // _G, _G)
    idx = index.astype(jnp.int32).reshape(-1)
    mesh = plsc.VectorSubcoreMesh(core_axis_name="c", subcore_axis_name="s")
    out3 = pl.kernel(
        _body,
        mesh=mesh,
        out_type=jax.ShapeDtypeStruct((_NJ, _D, _NI), jnp.float32),
        scratch_types=[
            pltpu.VMEM((_SI * _NJ,), jnp.int32),
            pltpu.VMEM((_C,), jnp.int32),
            pltpu.VMEM((_C,), jnp.int32),
            pltpu.VMEM((_C,), jnp.int32),
            pltpu.VMEM((_C,), jnp.int32),
            pltpu.VMEM((_C, _G), jnp.float32),
            pltpu.VMEM((_C, _G), jnp.float32),
            pltpu.VMEM((_D, _C), jnp.float32),
            pltpu.VMEM((_D, _C), jnp.float32),
            pltpu.SemaphoreType.DMA,
            pltpu.SemaphoreType.DMA,
            pltpu.SemaphoreType.DMA,
            pltpu.SemaphoreType.DMA,
        ],
        compiler_params=pltpu.CompilerParams(needs_layout_passes=False),
    )(table4, idx)
    return jnp.transpose(out3, (2, 0, 1))

# --- scband reference (transcript-rebuilt; emitter-appended) ---
"""Pipeline reference for scband-deephi-index-8710193676841 (READ-ONLY COPY).

The authoritative reference and input builder live on the scoring server;
editing this copy changes nothing except your own understanding.
"""

import jax, jax.numpy as jnp
import numpy as np

def setup_inputs(seed: int = 0) -> dict:
    key = jax.random.key(seed)
    k1, k2 = jax.random.split(key)
    inp = jax.random.normal(k1, (1000000, 32), dtype=jnp.float32)
    index = jax.random.randint(k2, (16384, 50), 0, 1000000, dtype=jnp.int64)
    return {"input": inp, "index": index}

def reference(input, index):
    # deephi_Index.forward: index is a plain tensor -> output = input[index]
    output = jnp.take(input, index, axis=0)
    return output

if __name__ == "__main__":
    import jax
    _d = setup_inputs()
    print(jax.jit(kernel)(*tuple(_d.values())))

</pallas_src>

<mosaic_0001>
#map = affine_map<(d0, d1) -> (0, 0)>
#map1 = affine_map<(d0, d1) -> (0)>
#map2 = affine_map<(d0, d1) -> (0, 0, 0)>
module attributes {stable_mosaic.version = 14 : i64} {
  func.func @_body(%arg0: i32, %arg1: i32, %arg2: memref<250000x128xf32, #tpu.memory_space<hbm>>, %arg3: memref<819200xi32, #tpu.memory_space<hbm>>, %arg4: memref<50x32x16384xf32, #tpu.memory_space<hbm>>, %arg5: memref<25600xi32, #tpu.memory_space<vmem>>, %arg6: memref<256xi32, #tpu.memory_space<vmem>>, %arg7: memref<256xi32, #tpu.memory_space<vmem>>, %arg8: memref<256xi32, #tpu.memory_space<vmem>>, %arg9: memref<256xi32, #tpu.memory_space<vmem>>, %arg10: memref<256x128xf32, #tpu.memory_space<vmem>>, %arg11: memref<256x128xf32, #tpu.memory_space<vmem>>, %arg12: memref<32x256xf32, #tpu.memory_space<vmem>>, %arg13: memref<32x256xf32, #tpu.memory_space<vmem>>, %arg14: memref<!tpu.dma_semaphore, #tpu.memory_space<semaphore_mem>>, %arg15: memref<!tpu.dma_semaphore, #tpu.memory_space<semaphore_mem>>, %arg16: memref<!tpu.dma_semaphore, #tpu.memory_space<semaphore_mem>>, %arg17: memref<!tpu.dma_semaphore, #tpu.memory_space<semaphore_mem>>) attributes {dimension_semantics = [#tpu.dimension_semantics<core_parallel>, #tpu.dimension_semantics<subcore_parallel>], iteration_bounds = array<i64: 2, 16>, scalar_prefetch = 0 : i64, scratch_operands = 13 : i64, tpu.core_type = #tpu.core_type<sc_vector_subcore>, window_params = [{transform_indices = #map}, {transform_indices = #map1}, {transform_indices = #map2}]} {
    %mul3A = arith.constant 2 : i32
    %mul3A_0 = arith.muli %arg1, %mul3A : i32
    %add3A = arith.addi %mul3A_0, %arg0 : i32
    %mul3A_1 = arith.constant 512 : i32
    %mul3A_2 = arith.muli %add3A, %mul3A_1 : i32
    %mul3A_3 = arith.constant 50 : i32
    %mul3A_4 = arith.muli %mul3A_2, %mul3A_3 : i32
    "tpu.region"() ({
      %run_scoped3A = tpu.sem_alloc : memref<!tpu.dma_semaphore, #tpu.memory_space<semaphore_mem>>
      %dma_start3A_45 = tpu.memref_slice %arg3[%mul3A_4] : memref<819200xi32, #tpu.memory_space<hbm>> -> memref<25600xi32, #tpu.memory_space<hbm>>
      %dma_start3A_46 = tpu.memref_slice %arg3[%mul3A_4] : memref<819200xi32, #tpu.memory_space<hbm>> -> memref<25600xi32, #tpu.memory_space<hbm>>
      tpu.enqueue_dma source(%dma_start3A_46 : memref<25600xi32, #tpu.memory_space<hbm>>) target(%arg5 : memref<25600xi32, #tpu.memory_space<vmem>>) target_semaphore(%run_scoped3A : memref<!tpu.dma_semaphore, #tpu.memory_space<semaphore_mem>>)
      %dma_wait3A_47 = tpu.memref_slice %arg3[%mul3A_4] : memref<819200xi32, #tpu.memory_space<hbm>> -> memref<25600xi32, #tpu.memory_space<hbm>>
      %dma_wait3A_48 = tpu.memref_slice %arg3[%mul3A_4] : memref<819200xi32, #tpu.memory_space<hbm>> -> memref<25600xi32, #tpu.memory_space<hbm>>
      tpu.wait_dma2 semaphore(%run_scoped3A : memref<!tpu.dma_semaphore, #tpu.memory_space<semaphore_mem>>) src(%dma_wait3A_48 : memref<25600xi32, #tpu.memory_space<hbm>>) dst(%arg5 : memref<25600xi32, #tpu.memory_space<vmem>>)
      tpu.yield
    }) : () -> ()
    %iota3A = tpu.iota {dimensions = array<i32: 0>} : vector<16xi32>
    %broadcast_in_dim3A = arith.constant 0 : i32
    %broadcast_in_dim3A_5 = vector.broadcast %broadcast_in_dim3A : i32 to vector<16xi32>
    %parallel_loop3A = arith.constant 0 : i32
    %parallel_loop3A_6 = arith.constant 16 : i32
    %parallel_loop3A_7 = arith.constant 1 : i32
    scf.for %parallel_loop3A_45 = %parallel_loop3A to %parallel_loop3A_6 step %parallel_loop3A_7  : i32 {
      %parallel_loop3A_46 = arith.constant 16 : i32
      %parallel_loop3A_47 = arith.muli %parallel_loop3A_46, %parallel_loop3A_45 : i32
      %parallel_loop3A_48 = arith.constant 0 : i32
      %parallel_loop3A_49 = arith.addi %parallel_loop3A_48, %parallel_loop3A_47 : i32
      %parallel_loop3A_50 = vector.broadcast %parallel_loop3A_49 : i32 to vector<16xi32>
      %parallel_loop3A_51 = arith.addi %iota3A, %parallel_loop3A_50 : vector<16xi32>
      %parallel_loop3A_52 = arith.constant 50 : i32
      %parallel_loop3A_53 = vector.broadcast %parallel_loop3A_52 : i32 to vector<16xi32>
      %parallel_loop3A_54 = arith.muli %parallel_loop3A_51, %parallel_loop3A_53 : vector<16xi32>
      %parallel_loop3A_55 = arith.addi %parallel_loop3A_54, %broadcast_in_dim3A_5 : vector<16xi32>
      %parallel_loop3A_56 = tpu.vector_load_idx %arg5[%parallel_loop3A_55] : memref<25600xi32, #tpu.memory_space<vmem>>[vector<16xi32>], vector<16xi32>,
      %parallel_loop3A_57 = arith.constant 2 : i32
      %parallel_loop3A_58 = vector.broadcast %parallel_loop3A_57 : i32 to vector<16xi32>
      %parallel_loop3A_59 = arith.shrui %parallel_loop3A_56, %parallel_loop3A_58 : vector<16xi32>
      %parallel_loop3A_60 = arith.constant 16 : i32
      %parallel_loop3A_61 = arith.muli %parallel_loop3A_60, %parallel_loop3A_45 : i32
      %parallel_loop3A_62 = arith.index_cast %parallel_loop3A_61 : i32 to index
      %parallel_loop3A_63 = tpu.vector_load %arg6[%parallel_loop3A_62] {strides = array<i32>} : memref<256xi32, #tpu.memory_space<vmem>>, vector<16xi32>,
      tpu.vector_store %arg6[%parallel_loop3A_62], %parallel_loop3A_59 {strides = array<i32>} : memref<256xi32, #tpu.memory_space<vmem>>, vector<16xi32>,
      %parallel_loop3A_64 = arith.constant 3 : i32
      %parallel_loop3A_65 = vector.broadcast %parallel_loop3A_64 : i32 to vector<16xi32>
      %parallel_loop3A_66 = arith.andi %parallel_loop3A_56, %parallel_loop3A_65 : vector<16xi32>
      %parallel_loop3A_67 = arith.constant 32 : i32
      %parallel_loop3A_68 = vector.broadcast %parallel_loop3A_67 : i32 to vector<16xi32>
      %parallel_loop3A_69 = arith.muli %parallel_loop3A_66, %parallel_loop3A_68 : vector<16xi32>
      %parallel_loop3A_70 = arith.constant 16 : i32
      %parallel_loop3A_71 = arith.muli %parallel_loop3A_70, %parallel_loop3A_45 : i32
      %parallel_loop3A_72 = arith.index_cast %parallel_loop3A_71 : i32 to index
      %parallel_loop3A_73 = tpu.vector_load %arg8[%parallel_loop3A_72] {strides = array<i32>} : memref<256xi32, #tpu.memory_space<vmem>>, vector<16xi32>,
      tpu.vector_store %arg8[%parallel_loop3A_72], %parallel_loop3A_69 {strides = array<i32>} : memref<256xi32, #tpu.memory_space<vmem>>, vector<16xi32>,
    } {sc.loop_unroll_factor = 4 : i64, sc.parallel_access}
    %dma_start3A = arith.constant 0 : i32
    %dma_start3A_8 = arith.constant 0 : i32
    %dma_start3A_9 = tpu.memref_slice %arg10[%dma_start3A, %dma_start3A_8] : memref<256x128xf32, #tpu.memory_space<vmem>> -> memref<128x128xf32, #tpu.memory_space<vmem>>
    %dma_start3A_10 = arith.constant 0 : i32
    %dma_start3A_11 = tpu.memref_slice %arg6[%dma_start3A_10] : memref<256xi32, #tpu.memory_space<vmem>> -> memref<128xi32, #tpu.memory_space<vmem>>
    %dma_start3A_12 = arith.constant 0 : i32
    %dma_start3A_13 = arith.constant 0 : i32
    %dma_start3A_14 = tpu.memref_slice %arg2[%dma_start3A_12, %dma_start3A_13] : memref<250000x128xf32, #tpu.memory_space<hbm>> -> memref<250000x128xf32, #tpu.memory_space<hbm>>
    tpu.enqueue_indirect_dma source(%dma_start3A_14 : memref<250000x128xf32, #tpu.memory_space<hbm>>) target(%dma_start3A_9 : memref<128x128xf32, #tpu.memory_space<vmem>>) offsets(%dma_start3A_11 : memref<128xi32, #tpu.memory_space<vmem>>) semaphore(%arg14 : memref<!tpu.dma_semaphore, #tpu.memory_space<semaphore_mem>>)
    %dma_start3A_15 = arith.constant 128 : i32
    %dma_start3A_16 = arith.constant 0 : i32
    %dma_start3A_17 = tpu.memref_slice %arg10[%dma_start3A_15, %dma_start3A_16] : memref<256x128xf32, #tpu.memory_space<vmem>> -> memref<128x128xf32, #tpu.memory_space<vmem>>
    %dma_start3A_18 = arith.constant 128 : i32
    %dma_start3A_19 = tpu.memref_slice %arg6[%dma_start3A_18] : memref<256xi32, #tpu.memory_space<vmem>> -> memref<128xi32, #tpu.memory_space<vmem>>
    %dma_start3A_20 = arith.constant 0 : i32
    %dma_start3A_21 = arith.constant 0 : i32
    %dma_start3A_22 = tpu.memref_slice %arg2[%dma_start3A_20, %dma_start3A_21] : memref<250000x128xf32, #tpu.memory_space<hbm>> -> memref<250000x128xf32, #tpu.memory_space<hbm>>
    tpu.enqueue_indirect_dma source(%dma_start3A_22 : memref<250000x128xf32, #tpu.memory_space<hbm>>) target(%dma_start3A_17 : memref<128x128xf32, #tpu.memory_space<vmem>>) offsets(%dma_start3A_19 : memref<128xi32, #tpu.memory_space<vmem>>) semaphore(%arg14 : memref<!tpu.dma_semaphore, #tpu.memory_space<semaphore_mem>>)
    %scan3A = arith.constant 0 : i32
    %scan3A_23 = arith.constant 0 : i32
    %scan3A_24 = arith.constant 50 : i32
    %scan3A_25 = arith.addi %scan3A_23, %scan3A_24 : i32
    %scan3A_26 = arith.constant 1 : i32
    scf.for %scan3A_45 = %scan3A_23 to %scan3A_25 step %scan3A_26  : i32 {
      %mul3A_46 = arith.constant 2 : i32
      %mul3A_47 = arith.muli %mul3A_46, %scan3A_45 : i32
      %add3A_48 = arith.constant 0 : i32
      %add3A_49 = arith.addi %mul3A_47, %add3A_48 : i32
      %add3A_50 = arith.constant 1 : i32
      %add3A_51 = arith.addi %add3A_49, %add3A_50 : i32
      %lt3A = arith.constant 100 : i32
      %lt3A_52 = arith.cmpi slt, %add3A_51, %lt3A : i32
      %convert_element_type3A = arith.extui %lt3A_52 : i1 to i32
      %cond3A = arith.constant 0 : i32
      %cond3A_53 = arith.cmpi ne, %convert_element_type3A, %cond3A : i32
      scf.if %cond3A_53 {
        %add3A_201 = arith.constant 1 : i32
        %add3A_202 = arith.addi %add3A_49, %add3A_201 : i32
        %jit3A_203 = arith.constant 2 : i32
        %div3A_204 = arith.divsi %add3A_202, %jit3A_203 : i32
        %sign3A_205 = arith.constant 0 : i32
        %sign3A_206 = arith.cmpi sgt, %add3A_202, %sign3A_205 : i32
        %sign3A_207 = arith.extui %sign3A_206 : i1 to i32
        %sign3A_208 = arith.constant 0 : i32
        %sign3A_209 = arith.cmpi slt, %add3A_202, %sign3A_208 : i32
        %sign3A_210 = arith.extui %sign3A_209 : i1 to i32
        %sign3A_211 = arith.subi %sign3A_207, %sign3A_210 : i32
        %sign3A_212 = arith.constant 0 : i32
        %sign3A_213 = arith.cmpi sgt, %jit3A_203, %sign3A_212 : i32
        %sign3A_214 = arith.extui %sign3A_213 : i1 to i32
        %sign3A_215 = arith.constant 0 : i32
        %sign3A_216 = arith.cmpi slt, %jit3A_203, %sign3A_215 : i32
        %sign3A_217 = arith.extui %sign3A_216 : i1 to i32
        %sign3A_218 = arith.subi %sign3A_214, %sign3A_217 : i32
        %ne3A_219 = arith.cmpi ne, %sign3A_211, %sign3A_218 : i32
        %rem3A_220 = arith.remsi %add3A_202, %jit3A_203 : i32
        %ne3A_221 = arith.constant 0 : i32
        %ne3A_222 = arith.cmpi ne, %rem3A_220, %ne3A_221 : i32
        %and3A_223 = arith.andi %ne3A_219, %ne3A_222 : i1
        %sub3A_224 = arith.constant 1 : i32
        %sub3A_225 = arith.subi %div3A_204, %sub3A_224 : i32
        %select_n3A_226 = arith.select %and3A_223, %sub3A_225, %div3A_204 : i32
        %jit3A_227 = arith.constant 2 : i32
        %eq3A_228 = arith.constant 0 : i32
        %eq3A_229 = arith.cmpi eq, %jit3A_227, %eq3A_228 : i32
        %jit3A_230 = arith.constant 1 : i32
        %select_n3A_231 = arith.select %eq3A_229, %jit3A_230, %jit3A_227 : i32
        %rem3A_232 = arith.remsi %add3A_202, %select_n3A_231 : i32
        %ne3A_233 = arith.constant 0 : i32
        %ne3A_234 = arith.cmpi ne, %rem3A_232, %ne3A_233 : i32
        %lt3A_235 = arith.constant 0 : i32
        %lt3A_236 = arith.cmpi slt, %rem3A_232, %lt3A_235 : i32
        %lt3A_237 = arith.constant 0 : i32
        %lt3A_238 = arith.cmpi slt, %select_n3A_231, %lt3A_237 : i32
        %ne3A_239 = arith.xori %lt3A_236, %lt3A_238 : i1
        %and3A_240 = arith.andi %ne3A_239, %ne3A_234 : i1
        %add3A_241 = arith.addi %rem3A_232, %select_n3A_231 : i32
        %select_n3A_242 = arith.select %and3A_240, %add3A_241, %rem3A_232 : i32
        %broadcast_in_dim3A_243 = vector.broadcast %select_n3A_226 : i32 to vector<16xi32>
        %parallel_loop3A_244 = arith.constant 0 : i32
        %parallel_loop3A_245 = arith.constant 16 : i32
        %parallel_loop3A_246 = arith.constant 1 : i32
        scf.for %parallel_loop3A_263 = %parallel_loop3A_244 to %parallel_loop3A_245 step %parallel_loop3A_246  : i32 {
          %parallel_loop3A_264 = arith.constant 256 : i32
          %parallel_loop3A_265 = arith.muli %select_n3A_242, %parallel_loop3A_264 : i32
          %parallel_loop3A_266 = arith.constant 16 : i32
          %parallel_loop3A_267 = arith.muli %parallel_loop3A_266, %parallel_loop3A_263 : i32
          %parallel_loop3A_268 = arith.addi %parallel_loop3A_265, %parallel_loop3A_267 : i32
          %parallel_loop3A_269 = vector.broadcast %parallel_loop3A_268 : i32 to vector<16xi32>
          %parallel_loop3A_270 = arith.addi %iota3A, %parallel_loop3A_269 : vector<16xi32>
          %parallel_loop3A_271 = arith.constant 50 : i32
          %parallel_loop3A_272 = vector.broadcast %parallel_loop3A_271 : i32 to vector<16xi32>
          %parallel_loop3A_273 = arith.muli %parallel_loop3A_270, %parallel_loop3A_272 : vector<16xi32>
          %parallel_loop3A_274 = arith.addi %parallel_loop3A_273, %broadcast_in_dim3A_243 : vector<16xi32>
          %parallel_loop3A_275 = tpu.vector_load_idx %arg5[%parallel_loop3A_274] : memref<25600xi32, #tpu.memory_space<vmem>>[vector<16xi32>], vector<16xi32>,
          %parallel_loop3A_276 = arith.constant 2 : i32
          %parallel_loop3A_277 = vector.broadcast %parallel_loop3A_276 : i32 to vector<16xi32>
          %parallel_loop3A_278 = arith.shrui %parallel_loop3A_275, %parallel_loop3A_277 : vector<16xi32>
          %parallel_loop3A_279 = arith.constant 16 : i32
          %parallel_loop3A_280 = arith.muli %parallel_loop3A_279, %parallel_loop3A_263 : i32
          %parallel_loop3A_281 = arith.index_cast %parallel_loop3A_280 : i32 to index
          %parallel_loop3A_282 = tpu.vector_load %arg7[%parallel_loop3A_281] {strides = array<i32>} : memref<256xi32, #tpu.memory_space<vmem>>, vector<16xi32>,
          tpu.vector_store %arg7[%parallel_loop3A_281], %parallel_loop3A_278 {strides = array<i32>} : memref<256xi32, #tpu.memory_space<vmem>>, vector<16xi32>,
          %parallel_loop3A_283 = arith.constant 3 : i32
          %parallel_loop3A_284 = vector.broadcast %parallel_loop3A_283 : i32 to vector<16xi32>
          %parallel_loop3A_285 = arith.andi %parallel_loop3A_275, %parallel_loop3A_284 : vector<16xi32>
          %parallel_loop3A_286 = arith.constant 32 : i32
          %parallel_loop3A_287 = vector.broadcast %parallel_loop3A_286 : i32 to vector<16xi32>
          %parallel_loop3A_288 = arith.muli %parallel_loop3A_285, %parallel_loop3A_287 : vector<16xi32>
          %parallel_loop3A_289 = arith.constant 16 : i32
          %parallel_loop3A_290 = arith.muli %parallel_loop3A_289, %parallel_loop3A_263 : i32
          %parallel_loop3A_291 = arith.index_cast %parallel_loop3A_290 : i32 to index
          %parallel_loop3A_292 = tpu.vector_load %arg9[%parallel_loop3A_291] {strides = array<i32>} : memref<256xi32, #tpu.memory_space<vmem>>, vector<16xi32>,
          tpu.vector_store %arg9[%parallel_loop3A_291], %parallel_loop3A_288 {strides = array<i32>} : memref<256xi32, #tpu.memory_space<vmem>>, vector<16xi32>,
        } {sc.loop_unroll_factor = 4 : i64, sc.parallel_access}
        %dma_start3A_247 = arith.constant 0 : i32
        %dma_start3A_248 = arith.constant 0 : i32
        %dma_start3A_249 = tpu.memref_slice %arg11[%dma_start3A_247, %dma_start3A_248] : memref<256x128xf32, #tpu.memory_space<vmem>> -> memref<128x128xf32, #tpu.memory_space<vmem>>
        %dma_start3A_250 = arith.constant 0 : i32
        %dma_start3A_251 = tpu.memref_slice %arg7[%dma_start3A_250] : memref<256xi32, #tpu.memory_space<vmem>> -> memref<128xi32, #tpu.memory_space<vmem>>
        %dma_start3A_252 = arith.constant 0 : i32
        %dma_start3A_253 = arith.constant 0 : i32
        %dma_start3A_254 = tpu.memref_slice %arg2[%dma_start3A_252, %dma_start3A_253] : memref<250000x128xf32, #tpu.memory_space<hbm>> -> memref<250000x128xf32, #tpu.memory_space<hbm>>
        tpu.enqueue_indirect_dma source(%dma_start3A_254 : memref<250000x128xf32, #tpu.memory_space<hbm>>) target(%dma_start3A_249 : memref<128x128xf32, #tpu.memory_space<vmem>>) offsets(%dma_start3A_251 : memref<128xi32, #tpu.memory_space<vmem>>) semaphore(%arg15 : memref<!tpu.dma_semaphore, #tpu.memory_space<semaphore_mem>>)
        %dma_start3A_255 = arith.constant 128 : i32
        %dma_start3A_256 = arith.constant 0 : i32
        %dma_start3A_257 = tpu.memref_slice %arg11[%dma_start3A_255, %dma_start3A_256] : memref<256x128xf32, #tpu.memory_space<vmem>> -> memref<128x128xf32, #tpu.memory_space<vmem>>
        %dma_start3A_258 = arith.constant 128 : i32
        %dma_start3A_259 = tpu.memref_slice %arg7[%dma_start3A_258] : memref<256xi32, #tpu.memory_space<vmem>> -> memref<128xi32, #tpu.memory_space<vmem>>
        %dma_start3A_260 = arith.constant 0 : i32
        %dma_start3A_261 = arith.constant 0 : i32
        %dma_start3A_262 = tpu.memref_slice %arg2[%dma_start3A_260, %dma_start3A_261] : memref<250000x128xf32, #tpu.memory_space<hbm>> -> memref<250000x128xf32, #tpu.memory_space<hbm>>
        tpu.enqueue_indirect_dma source(%dma_start3A_262 : memref<250000x128xf32, #tpu.memory_space<hbm>>) target(%dma_start3A_257 : memref<128x128xf32, #tpu.memory_space<vmem>>) offsets(%dma_start3A_259 : memref<128xi32, #tpu.memory_space<vmem>>) semaphore(%arg15 : memref<!tpu.dma_semaphore, #tpu.memory_space<semaphore_mem>>)
      } else {
      }
      %dma_wait3A_54 = arith.constant 0 : i32
      %dma_wait3A_55 = arith.constant 0 : i32
      %dma_wait3A_56 = tpu.memref_slice %arg10[%dma_wait3A_54, %dma_wait3A_55] : memref<256x128xf32, #tpu.memory_space<vmem>> -> memref<128x128xf32, #tpu.memory_space<vmem>>
      %dma_wait3A_57 = arith.constant 0 : i32
      %dma_wait3A_58 = tpu.memref_slice %arg6[%dma_wait3A_57] : memref<256xi32, #tpu.memory_space<vmem>> -> memref<128xi32, #tpu.memory_space<vmem>>
      %dma_wait3A_59 = arith.constant 0 : i32
      %dma_wait3A_60 = arith.constant 0 : i32
      %dma_wait3A_61 = tpu.memref_slice %arg2[%dma_wait3A_59, %dma_wait3A_60] : memref<250000x128xf32, #tpu.memory_space<hbm>> -> memref<250000x128xf32, #tpu.memory_space<hbm>>
      tpu.wait_indirect_dma semaphore(%arg14 : memref<!tpu.dma_semaphore, #tpu.memory_space<semaphore_mem>>) src(%dma_wait3A_61 : memref<250000x128xf32, #tpu.memory_space<hbm>>) dst(%dma_wait3A_56 : memref<128x128xf32, #tpu.memory_space<vmem>>)
      %dma_wait3A_62 = arith.constant 128 : i32
      %dma_wait3A_63 = arith.constant 0 : i32
      %dma_wait3A_64 = tpu.memref_slice %arg10[%dma_wait3A_62, %dma_wait3A_63] : memref<256x128xf32, #tpu.memory_space<vmem>> -> memref<128x128xf32, #tpu.memory_space<vmem>>
      %dma_wait3A_65 = arith.constant 128 : i32
      %dma_wait3A_66 = tpu.memref_slice %arg6[%dma_wait3A_65] : memref<256xi32, #tpu.memory_space<vmem>> -> memref<128xi32, #tpu.memory_space<vmem>>
      %dma_wait3A_67 = arith.constant 0 : i32
      %dma_wait3A_68 = arith.constant 0 : i32
      %dma_wait3A_69 = tpu.memref_slice %arg2[%dma_wait3A_67, %dma_wait3A_68] : memref<250000x128xf32, #tpu.memory_space<hbm>> -> memref<250000x128xf32, #tpu.memory_space<hbm>>
      tpu.wait_indirect_dma semaphore(%arg14 : memref<!tpu.dma_semaphore, #tpu.memory_space<semaphore_mem>>) src(%dma_wait3A_69 : memref<250000x128xf32, #tpu.memory_space<hbm>>) dst(%dma_wait3A_64 : memref<128x128xf32, #tpu.memory_space<vmem>>)
      %ge3A = arith.constant 2 : i32
      %ge3A_70 = arith.cmpi sge, %add3A_49, %ge3A : i32
      %convert_element_type3A_71 = arith.extui %ge3A_70 : i1 to i32
      %cond3A_72 = arith.constant 0 : i32
      %cond3A_73 = arith.cmpi ne, %convert_element_type3A_71, %cond3A_72 : i32
      scf.if %cond3A_73 {
        %sub3A_201 = arith.constant 2 : i32
        %sub3A_202 = arith.subi %add3A_49, %sub3A_201 : i32
        %jit3A_203 = arith.constant 2 : i32
        %div3A_204 = arith.divsi %sub3A_202, %jit3A_203 : i32
        %sign3A_205 = arith.constant 0 : i32
        %sign3A_206 = arith.cmpi sgt, %sub3A_202, %sign3A_205 : i32
        %sign3A_207 = arith.extui %sign3A_206 : i1 to i32
        %sign3A_208 = arith.constant 0 : i32
        %sign3A_209 = arith.cmpi slt, %sub3A_202, %sign3A_208 : i32
        %sign3A_210 = arith.extui %sign3A_209 : i1 to i32
        %sign3A_211 = arith.subi %sign3A_207, %sign3A_210 : i32
        %sign3A_212 = arith.constant 0 : i32
        %sign3A_213 = arith.cmpi sgt, %jit3A_203, %sign3A_212 : i32
        %sign3A_214 = arith.extui %sign3A_213 : i1 to i32
        %sign3A_215 = arith.constant 0 : i32
        %sign3A_216 = arith.cmpi slt, %jit3A_203, %sign3A_215 : i32
        %sign3A_217 = arith.extui %sign3A_216 : i1 to i32
        %sign3A_218 = arith.subi %sign3A_214, %sign3A_217 : i32
        %ne3A_219 = arith.cmpi ne, %sign3A_211, %sign3A_218 : i32
        %rem3A_220 = arith.remsi %sub3A_202, %jit3A_203 : i32
        %ne3A_221 = arith.constant 0 : i32
        %ne3A_222 = arith.cmpi ne, %rem3A_220, %ne3A_221 : i32
        %and3A_223 = arith.andi %ne3A_219, %ne3A_222 : i1
        %sub3A_224 = arith.constant 1 : i32
        %sub3A_225 = arith.subi %div3A_204, %sub3A_224 : i32
        %select_n3A_226 = arith.select %and3A_223, %sub3A_225, %div3A_204 : i32
        %jit3A_227 = arith.constant 2 : i32
        %eq3A_228 = arith.constant 0 : i32
        %eq3A_229 = arith.cmpi eq, %jit3A_227, %eq3A_228 : i32
        %jit3A_230 = arith.constant 1 : i32
        %select_n3A_231 = arith.select %eq3A_229, %jit3A_230, %jit3A_227 : i32
        %rem3A_232 = arith.remsi %sub3A_202, %select_n3A_231 : i32
        %ne3A_233 = arith.constant 0 : i32
        %ne3A_234 = arith.cmpi ne, %rem3A_232, %ne3A_233 : i32
        %lt3A_235 = arith.constant 0 : i32
        %lt3A_236 = arith.cmpi slt, %rem3A_232, %lt3A_235 : i32
        %lt3A_237 = arith.constant 0 : i32
        %lt3A_238 = arith.cmpi slt, %select_n3A_231, %lt3A_237 : i32
        %ne3A_239 = arith.xori %lt3A_236, %lt3A_238 : i1
        %and3A_240 = arith.andi %ne3A_239, %ne3A_234 : i1
        %add3A_241 = arith.addi %rem3A_232, %select_n3A_231 : i32
        %select_n3A_242 = arith.select %and3A_240, %add3A_241, %rem3A_232 : i32
        %mul3A_243 = arith.constant 256 : i32
        %mul3A_244 = arith.muli %select_n3A_242, %mul3A_243 : i32
        %add3A_245 = arith.addi %mul3A_2, %mul3A_244 : i32
        %dma_wait3A_246 = arith.constant 0 : i32
        %dma_wait3A_247 = tpu.memref_slice %arg4[%select_n3A_226, %dma_wait3A_246, %add3A_245] : memref<50x32x16384xf32, #tpu.memory_space<hbm>> -> memref<1x32x256xf32, #tpu.memory_space<hbm>>
        %dma_wait3A_248 = tpu.memref_squeeze %dma_wait3A_247 : memref<1x32x256xf32, #tpu.memory_space<hbm>> -> memref<32x256xf32, #tpu.memory_space<hbm>>
        %dma_wait3A_249 = arith.constant 0 : i32
        %dma_wait3A_250 = tpu.memref_slice %arg4[%select_n3A_226, %dma_wait3A_249, %add3A_245] : memref<50x32x16384xf32, #tpu.memory_space<hbm>> -> memref<1x32x256xf32, #tpu.memory_space<hbm>>
        %dma_wait3A_251 = tpu.memref_squeeze %dma_wait3A_250 : memref<1x32x256xf32, #tpu.memory_space<hbm>> -> memref<32x256xf32, #tpu.memory_space<hbm>>
        tpu.wait_dma2 semaphore(%arg16 : memref<!tpu.dma_semaphore, #tpu.memory_space<semaphore_mem>>) src(%arg12 : memref<32x256xf32, #tpu.memory_space<vmem>>) dst(%dma_wait3A_251 : memref<32x256xf32, #tpu.memory_space<hbm>>)
      } else {
      }
      %parallel_loop3A_74 = arith.constant 0 : i32
      %parallel_loop3A_75 = arith.constant 16 : i32
      %parallel_loop3A_76 = arith.constant 1 : i32
      scf.for %parallel_loop3A_201 = %parallel_loop3A_74 to %parallel_loop3A_75 step %parallel_loop3A_76  : i32 {
        %parallel_loop3A_202 = arith.constant 16 : i32
        %parallel_loop3A_203 = arith.muli %parallel_loop3A_202, %parallel_loop3A_201 : i32
        %parallel_loop3A_204 = vector.broadcast %parallel_loop3A_203 : i32 to vector<16xi32>
        %parallel_loop3A_205 = arith.addi %iota3A, %parallel_loop3A_204 : vector<16xi32>
        %parallel_loop3A_206 = arith.constant 16 : i32
        %parallel_loop3A_207 = arith.muli %parallel_loop3A_206, %parallel_loop3A_201 : i32
        %parallel_loop3A_208 = arith.index_cast %parallel_loop3A_207 : i32 to index
        %parallel_loop3A_209 = tpu.vector_load %arg8[%parallel_loop3A_208] {strides = array<i32>} : memref<256xi32, #tpu.memory_space<vmem>>, vector<16xi32>,
        %parallel_loop3A_210 = arith.constant 0 : i32
        %parallel_loop3A_211 = vector.broadcast %parallel_loop3A_210 : i32 to vector<16xi32>
        %parallel_loop3A_212 = arith.addi %parallel_loop3A_209, %parallel_loop3A_211 : vector<16xi32>
        %parallel_loop3A_213 = tpu.vector_load_idx %arg10[%parallel_loop3A_205, %parallel_loop3A_212] : memref<256x128xf32, #tpu.memory_space<vmem>>[vector<16xi32>, vector<16xi32>], vector<16xf32>,
        %parallel_loop3A_214 = arith.constant 16 : i32
        %parallel_loop3A_215 = arith.muli %parallel_loop3A_214, %parallel_loop3A_201 : i32
        %parallel_loop3A_216 = arith.constant 0 : i32
        %parallel_loop3A_217 = arith.index_cast %parallel_loop3A_216 : i32 to index
        %parallel_loop3A_218 = arith.index_cast %parallel_loop3A_215 : i32 to index
        %parallel_loop3A_219 = tpu.vector_load %arg12[%parallel_loop3A_217, %parallel_loop3A_218] {strides = array<i32>} : memref<32x256xf32, #tpu.memory_space<vmem>>, vector<16xf32>,
        tpu.vector_store %arg12[%parallel_loop3A_217, %parallel_loop3A_218], %parallel_loop3A_213 {strides = array<i32>} : memref<32x256xf32, #tpu.memory_space<vmem>>, vector<16xf32>,
        %parallel_loop3A_220 = arith.constant 1 : i32
        %parallel_loop3A_221 = vector.broadcast %parallel_loop3A_220 : i32 to vector<16xi32>
        %parallel_loop3A_222 = arith.addi %parallel_loop3A_209, %parallel_loop3A_221 : vector<16xi32>
        %parallel_loop3A_223 = tpu.vector_load_idx %arg10[%parallel_loop3A_205, %parallel_loop3A_222] : memref<256x128xf32, #tpu.memory_space<vmem>>[vector<16xi32>, vector<16xi32>], vector<16xf32>,
        %parallel_loop3A_224 = arith.constant 16 : i32
        %parallel_loop3A_225 = arith.muli %parallel_loop3A_224, %parallel_loop3A_201 : i32
        %parallel_loop3A_226 = arith.constant 1 : i32
        %parallel_loop3A_227 = arith.index_cast %parallel_loop3A_226 : i32 to index
        %parallel_loop3A_228 = arith.index_cast %parallel_loop3A_225 : i32 to index
        %parallel_loop3A_229 = tpu.vector_load %arg12[%parallel_loop3A_227, %parallel_loop3A_228] {strides = array<i32>} : memref<32x256xf32, #tpu.memory_space<vmem>>, vector<16xf32>,
        tpu.vector_store %arg12[%parallel_loop3A_227, %parallel_loop3A_228], %parallel_loop3A_223 {strides = array<i32>} : memref<32x256xf32, #tpu.memory_space<vmem>>, vector<16xf32>,
        %parallel_loop3A_230 = arith.constant 2 : i32
        %parallel_loop3A_231 = vector.broadcast %parallel_loop3A_230 : i32 to vector<16xi32>
        %parallel_loop3A_232 = arith.addi %parallel_loop3A_209, %parallel_loop3A_231 : vector<16xi32>
        %parallel_loop3A_233 = tpu.vector_load_idx %arg10[%parallel_loop3A_205, %parallel_loop3A_232] : memref<256x128xf32, #tpu.memory_space<vmem>>[vector<16xi32>, vector<16xi32>], vector<16xf32>,
        %parallel_loop3A_234 = arith.constant 16 : i32
        %parallel_loop3A_235 = arith.muli %parallel_loop3A_234, %parallel_loop3A_201 : i32
        %parallel_loop3A_236 = arith.constant 2 : i32
        %parallel_loop3A_237 = arith.index_cast %parallel_loop3A_236 : i32 to index
        %parallel_loop3A_238 = arith.index_cast %parallel_loop3A_235 : i32 to index
        %parallel_loop3A_239 = tpu.vector_load %arg12[%parallel_loop3A_237, %parallel_loop3A_238] {strides = array<i32>} : memref<32x256xf32, #tpu.memory_space<vmem>>, vector<16xf32>,
        tpu.vector_store %arg12[%parallel_loop3A_237, %parallel_loop3A_238], %parallel_loop3A_233 {strides = array<i32>} : memref<32x256xf32, #tpu.memory_space<vmem>>, vector<16xf32>,
        %parallel_loop3A_240 = arith.constant 3 : i32
        %parallel_loop3A_241 = vector.broadcast %parallel_loop3A_240 : i32 to vector<16xi32>
        %parallel_loop3A_242 = arith.addi %parallel_loop3A_209, %parallel_loop3A_241 : vector<16xi32>
        %parallel_loop3A_243 = tpu.vector_load_idx %arg10[%parallel_loop3A_205, %parallel_loop3A_242] : memref<256x128xf32, #tpu.memory_space<vmem>>[vector<16xi32>, vector<16xi32>], vector<16xf32>,
        %parallel_loop3A_244 = arith.constant 16 : i32
        %parallel_loop3A_245 = arith.muli %parallel_loop3A_244, %parallel_loop3A_201 : i32
        %parallel_loop3A_246 = arith.constant 3 : i32
        %parallel_loop3A_247 = arith.index_cast %parallel_loop3A_246 : i32 to index
        %parallel_loop3A_248 = arith.index_cast %parallel_loop3A_245 : i32 to index
        %parallel_loop3A_249 = tpu.vector_load %arg12[%parallel_loop3A_247, %parallel_loop3A_248] {strides = array<i32>} : memref<32x256xf32, #tpu.memory_space<vmem>>, vector<16xf32>,
        tpu.vector_store %arg12[%parallel_loop3A_247, %parallel_loop3A_248], %parallel_loop3A_243 {strides = array<i32>} : memref<32x256xf32, #tpu.memory_space<vmem>>, vector<16xf32>,
        %parallel_loop3A_250 = arith.constant 4 : i32
        %parallel_loop3A_251 = vector.broadcast %parallel_loop3A_250 : i32 to vector<16xi32>
        %parallel_loop3A_252 = arith.addi %parallel_loop3A_209, %parallel_loop3A_251 : vector<16xi32>
        %parallel_loop3A_253 = tpu.vector_load_idx %arg10[%parallel_loop3A_205, %parallel_loop3A_252] : memref<256x128xf32, #tpu.memory_space<vmem>>[vector<16xi32>, vector<16xi32>], vector<16xf32>,
        %parallel_loop3A_254 = arith.constant 16 : i32
        %parallel_loop3A_255 = arith.muli %parallel_loop3A_254, %parallel_loop3A_201 : i32
        %parallel_loop3A_256 = arith.constant 4 : i32
        %parallel_loop3A_257 = arith.index_cast %parallel_loop3A_256 : i32 to index
        %parallel_loop3A_258 = arith.index_cast %parallel_loop3A_255 : i32 to index
        %parallel_loop3A_259 = tpu.vector_load %arg12[%parallel_loop3A_257, %parallel_loop3A_258] {strides = array<i32>} : memref<32x256xf32, #tpu.memory_space<vmem>>, vector<16xf32>,
        tpu.vector_store %arg12[%parallel_loop3A_257, %parallel_loop3A_258], %parallel_loop3A_253 {strides = array<i32>} : memref<32x256xf32, #tpu.memory_space<vmem>>, vector<16xf32>,
        %parallel_loop3A_260 = arith.constant 5 : i32
        %parallel_loop3A_261 = vector.broadcast %parallel_loop3A_260 : i32 to vector<16xi32>
        %parallel_loop3A_262 = arith.addi %parallel_loop3A_209, %parallel_loop3A_261 : vector<16xi32>
        %parallel_loop3A_263 = tpu.vector_load_idx %arg10[%parallel_loop3A_205, %parallel_loop3A_262] : memref<256x128xf32, #tpu.memory_space<vmem>>[vector<16xi32>, vector<16xi32>], vector<16xf32>,
        %parallel_loop3A_264 = arith.constant 16 : i32
        %parallel_loop3A_265 = arith.muli %parallel_loop3A_264, %parallel_loop3A_201 : i32
        %parallel_loop3A_266 = arith.constant 5 : i32
        %parallel_loop3A_267 = arith.index_cast %parallel_loop3A_266 : i32 to index
        %parallel_loop3A_268 = arith.index_cast %parallel_loop3A_265 : i32 to index
        %parallel_loop3A_269 = tpu.vector_load %arg12[%parallel_loop3A_267, %parallel_loop3A_268] {strides = array<i32>} : memref<32x256xf32, #tpu.memory_space<vmem>>, vector<16xf32>,
        tpu.vector_store %arg12[%parallel_loop3A_267, %parallel_loop3A_268], %parallel_loop3A_263 {strides = array<i32>} : memref<32x256xf32, #tpu.memory_space<vmem>>, vector<16xf32>,
        %parallel_loop3A_270 = arith.constant 6 : i32
        %parallel_loop3A_271 = vector.broadcast %parallel_loop3A_270 : i32 to vector<16xi32>
        %parallel_loop3A_272 = arith.addi %parallel_loop3A_209, %parallel_loop3A_271 : vector<16xi32>
        %parallel_loop3A_273 = tpu.vector_load_idx %arg10[%parallel_loop3A_205, %parallel_loop3A_272] : memref<256x128xf32, #tpu.memory_space<vmem>>[vector<16xi32>, vector<16xi32>], vector<16xf32>,
        %parallel_loop3A_274 = arith.constant 16 : i32
        %parallel_loop3A_275 = arith.muli %parallel_loop3A_274, %parallel_loop3A_201 : i32
        %parallel_loop3A_276 = arith.constant 6 : i32
        %parallel_loop3A_277 = arith.index_cast %parallel_loop3A_276 : i32 to index
        %parallel_loop3A_278 = arith.index_cast %parallel_loop3A_275 : i32 to index
        %parallel_loop3A_279 = tpu.vector_load %arg12[%parallel_loop3A_277, %parallel_loop3A_278] {strides = array<i32>} : memref<32x256xf32, #tpu.memory_space<vmem>>, vector<16xf32>,
        tpu.vector_store %arg12[%parallel_loop3A_277, %parallel_loop3A_278], %parallel_loop3A_273 {strides = array<i32>} : memref<32x256xf32, #tpu.memory_space<vmem>>, vector<16xf32>,
        %parallel_loop3A_280 = arith.constant 7 : i32
        %parallel_loop3A_281 = vector.broadcast %parallel_loop3A_280 : i32 to vector<16xi32>
        %parallel_loop3A_282 = arith.addi %parallel_loop3A_209, %parallel_loop3A_281 : vector<16xi32>
        %parallel_loop3A_283 = tpu.vector_load_idx %arg10[%parallel_loop3A_205, %parallel_loop3A_282] : memref<256x128xf32, #tpu.memory_space<vmem>>[vector<16xi32>, vector<16xi32>], vector<16xf32>,
        %parallel_loop3A_284 = arith.constant 16 : i32
        %parallel_loop3A_285 = arith.muli %parallel_loop3A_284, %parallel_loop3A_201 : i32
        %parallel_loop3A_286 = arith.constant 7 : i32
        %parallel_loop3A_287 = arith.index_cast %parallel_loop3A_286 : i32 to index
        %parallel_loop3A_288 = arith.index_cast %parallel_loop3A_285 : i32 to index
        %parallel_loop3A_289 = tpu.vector_load %arg12[%parallel_loop3A_287, %parallel_loop3A_288] {strides = array<i32>} : memref<32x256xf32, #tpu.memory_space<vmem>>, vector<16xf32>,
        tpu.vector_store %arg12[%parallel_loop3A_287, %parallel_loop3A_288], %parallel_loop3A_283 {strides = array<i32>} : memref<32x256xf32, #tpu.memory_space<vmem>>, vector<16xf32>,
        %parallel_loop3A_290 = arith.constant 8 : i32
        %parallel_loop3A_291 = vector.broadcast %parallel_loop3A_290 : i32 to vector<16xi32>
        %parallel_loop3A_292 = arith.addi %parallel_loop3A_209, %parallel_loop3A_291 : vector<16xi32>
        %parallel_loop3A_293 = tpu.vector_load_idx %arg10[%parallel_loop3A_205, %parallel_loop3A_292] : memref<256x128xf32, #tpu.memory_space<vmem>>[vector<16xi32>, vector<16xi32>], vector<16xf32>,
        %parallel_loop3A_294 = arith.constant 16 : i32
        %parallel_loop3A_295 = arith.muli %parallel_loop3A_294, %parallel_loop3A_201 : i32
        %parallel_loop3A_296 = arith.constant 8 : i32
        %parallel_loop3A_297 = arith.index_cast %parallel_loop3A_296 : i32 to index
        %parallel_loop3A_298 = arith.index_cast %parallel_loop3A_295 : i32 to index
        %parallel_loop3A_299 = tpu.vector_load %arg12[%parallel_loop3A_297, %parallel_loop3A_298] {strides = array<i32>} : memref<32x256xf32, #tpu.memory_space<vmem>>, vector<16xf32>,
        tpu.vector_store %arg12[%parallel_loop3A_297, %parallel_loop3A_298], %parallel_loop3A_293 {strides = array<i32>} : memref<32x256xf32, #tpu.memory_space<vmem>>, vector<16xf32>,
        %parallel_loop3A_300 = arith.constant 9 : i32
        %parallel_loop3A_301 = vector.broadcast %parallel_loop3A_300 : i32 to vector<16xi32>
        %parallel_loop3A_302 = arith.addi %parallel_loop3A_209, %parallel_loop3A_301 : vector<16xi32>
        %parallel_loop3A_303 = tpu.vector_load_idx %arg10[%parallel_loop3A_205, %parallel_loop3A_302] : memref<256x128xf32, #tpu.memory_space<vmem>>[vector<16xi32>, vector<16xi32>], vector<16xf32>,
        %parallel_loop3A_304 = arith.constant 16 : i32
        %parallel_loop3A_305 = arith.muli %parallel_loop3A_304, %parallel_loop3A_201 : i32
        %parallel_loop3A_306 = arith.constant 9 : i32
        %parallel_loop3A_307 = arith.index_cast %parallel_loop3A_306 : i32 to index
        %parallel_loop3A_308 = arith.index_cast %parallel_loop3A_305 : i32 to index
        %parallel_loop3A_309 = tpu.vector_load %arg12[%parallel_loop3A_307, %parallel_loop3A_308] {strides = array<i32>} : memref<32x256xf32, #tpu.memory_space<vmem>>, vector<16xf32>,
        tpu.vector_store %arg12[%parallel_loop3A_307, %parallel_loop3A_308], %parallel_loop3A_303 {strides = array<i32>} : memref<32x256xf32, #tpu.memory_space<vmem>>, vector<16xf32>,
        %parallel_loop3A_310 = arith.constant 10 : i32
        %parallel_loop3A_311 = vector.broadcast %parallel_loop3A_310 : i32 to vector<16xi32>
        %parallel_loop3A_312 = arith.addi %parallel_loop3A_209, %parallel_loop3A_311 : vector<16xi32>
        %parallel_loop3A_313 = tpu.vector_load_idx %arg10[%parallel_loop3A_205, %parallel_loop3A_312] : memref<256x128xf32, #tpu.memory_space<vmem>>[vector<16xi32>, vector<16xi32>], vector<16xf32>,
        %parallel_loop3A_314 = arith.constant 16 : i32
        %parallel_loop3A_315 = arith.muli %parallel_loop3A_314, %parallel_loop3A_201 : i32
        %parallel_loop3A_316 = arith.constant 10 : i32
        %parallel_loop3A_317 = arith.index_cast %parallel_loop3A_316 : i32 to index
        %parallel_loop3A_318 = arith.index_cast %parallel_loop3A_315 : i32 to index
        %parallel_loop3A_319 = tpu.vector_load %arg12[%parallel_loop3A_317, %parallel_loop3A_318] {strides = array<i32>} : memref<32x256xf32, #tpu.memory_space<vmem>>, vector<16xf32>,
        tpu.vector_store %arg12[%parallel_loop3A_317, %parallel_loop3A_318], %parallel_loop3A_313 {strides = array<i32>} : memref<32x256xf32, #tpu.memory_space<vmem>>, vector<16xf32>,
        %parallel_loop3A_320 = arith.constant 11 : i32
        %parallel_loop3A_321 = vector.broadcast %parallel_loop3A_320 : i32 to vector<16xi32>
        %parallel_loop3A_322 = arith.addi %parallel_loop3A_209, %parallel_loop3A_321 : vector<16xi32>
        %parallel_loop3A_323 = tpu.vector_load_idx %arg10[%parallel_loop3A_205, %parallel_loop3A_322] : memref<256x128xf32, #tpu.memory_space<vmem>>[vector<16xi32>, vector<16xi32>], vector<16xf32>,
        %parallel_loop3A_324 = arith.constant 16 : i32
        %parallel_loop3A_325 = arith.muli %parallel_loop3A_324, %parallel_loop3A_201 : i32
        %parallel_loop3A_326 = arith.constant 11 : i32
        %parallel_loop3A_327 = arith.index_cast %parallel_loop3A_326 : i32 to index
        %parallel_loop3A_328 = arith.index_cast %parallel_loop3A_325 : i32 to index
        %parallel_loop3A_329 = tpu.vector_load %arg12[%parallel_loop3A_327, %parallel_loop3A_328] {strides = array<i32>} : memref<32x256xf32, #tpu.memory_space<vmem>>, vector<16xf32>,
        tpu.vector_store %arg12[%parallel_loop3A_327, %parallel_loop3A_328], %parallel_loop3A_323 {strides = array<i32>} : memref<32x256xf32, #tpu.memory_space<vmem>>, vector<16xf32>,
        %parallel_loop3A_330 = arith.constant 12 : i32
        %parallel_loop3A_331 = vector.broadcast %parallel_loop3A_330 : i32 to vector<16xi32>
        %parallel_loop3A_332 = arith.addi %parallel_loop3A_209, %parallel_loop3A_331 : vector<16xi32>
        %parallel_loop3A_333 = tpu.vector_load_idx %arg10[%parallel_loop3A_205, %parallel_loop3A_332] : memref<256x128xf32, #tpu.memory_space<vmem>>[vector<16xi32>, vector<16xi32>], vector<16xf32>,
        %parallel_loop3A_334 = arith.constant 16 : i32
        %parallel_loop3A_335 = arith.muli %parallel_loop3A_334, %parallel_loop3A_201 : i32
        %parallel_loop3A_336 = arith.constant 12 : i32
        %parallel_loop3A_337 = arith.index_cast %parallel_loop3A_336 : i32 to index
        %parallel_loop3A_338 = arith.index_cast %parallel_loop3A_335 : i32 to index
        %parallel_loop3A_339 = tpu.vector_load %arg12[%parallel_loop3A_337, %parallel_loop3A_338] {strides = array<i32>} : memref<32x256xf32, #tpu.memory_space<vmem>>, vector<16xf32>,
        tpu.vector_store %arg12[%parallel_loop3A_337, %parallel_loop3A_338], %parallel_loop3A_333 {strides = array<i32>} : memref<32x256xf32, #tpu.memory_space<vmem>>, vector<16xf32>,
        %parallel_loop3A_340 = arith.constant 13 : i32
        %parallel_loop3A_341 = vector.broadcast %parallel_loop3A_340 : i32 to vector<16xi32>
        %parallel_loop3A_342 = arith.addi %parallel_loop3A_209, %parallel_loop3A_341 : vector<16xi32>
        %parallel_loop3A_343 = tpu.vector_load_idx %arg10[%parallel_loop3A_205, %parallel_loop3A_342] : memref<256x128xf32, #tpu.memory_space<vmem>>[vector<16xi32>, vector<16xi32>], vector<16xf32>,
        %parallel_loop3A_344 = arith.constant 16 : i32
        %parallel_loop3A_345 = arith.muli %parallel_loop3A_344, %parallel_loop3A_201 : i32
        %parallel_loop3A_346 = arith.constant 13 : i32
        %parallel_loop3A_347 = arith.index_cast %parallel_loop3A_346 : i32 to index
        %parallel_loop3A_348 = arith.index_cast %parallel_loop3A_345 : i32 to index
        %parallel_loop3A_349 = tpu.vector_load %arg12[%parallel_loop3A_347, %parallel_loop3A_348] {strides = array<i32>} : memref<32x256xf32, #tpu.memory_space<vmem>>, vector<16xf32>,
        tpu.vector_store %arg12[%parallel_loop3A_347, %parallel_loop3A_348], %parallel_loop3A_343 {strides = array<i32>} : memref<32x256xf32, #tpu.memory_space<vmem>>, vector<16xf32>,
        %parallel_loop3A_350 = arith.constant 14 : i32
        %parallel_loop3A_351 = vector.broadcast %parallel_loop3A_350 : i32 to vector<16xi32>
        %parallel_loop3A_352 = arith.addi %parallel_loop3A_209, %parallel_loop3A_351 : vector<16xi32>
        %parallel_loop3A_353 = tpu.vector_load_idx %arg10[%parallel_loop3A_205, %parallel_loop3A_352] : memref<256x128xf32, #tpu.memory_space<vmem>>[vector<16xi32>, vector<16xi32>], vector<16xf32>,
        %parallel_loop3A_354 = arith.constant 16 : i32
        %parallel_loop3A_355 = arith.muli %parallel_loop3A_354, %parallel_loop3A_201 : i32
        %parallel_loop3A_356 = arith.constant 14 : i32
        %parallel_loop3A_357 = arith.index_cast %parallel_loop3A_356 : i32 to index
        %parallel_loop3A_358 = arith.index_cast %parallel_loop3A_355 : i32 to index
        %parallel_loop3A_359 = tpu.vector_load %arg12[%parallel_loop3A_357, %parallel_loop3A_358] {strides = array<i32>} : memref<32x256xf32, #tpu.memory_space<vmem>>, vector<16xf32>,
        tpu.vector_store %arg12[%parallel_loop3A_357, %parallel_loop3A_358], %parallel_loop3A_353 {strides = array<i32>} : memref<32x256xf32, #tpu.memory_space<vmem>>, vector<16xf32>,
        %parallel_loop3A_360 = arith.constant 15 : i32
        %parallel_loop3A_361 = vector.broadcast %parallel_loop3A_360 : i32 to vector<16xi32>
        %parallel_loop3A_362 = arith.addi %parallel_loop3A_209, %parallel_loop3A_361 : vector<16xi32>
        %parallel_loop3A_363 = tpu.vector_load_idx %arg10[%parallel_loop3A_205, %parallel_loop3A_362] : memref<256x128xf32, #tpu.memory_space<vmem>>[vector<16xi32>, vector<16xi32>], vector<16xf32>,
        %parallel_loop3A_364 = arith.constant 16 : i32
        %parallel_loop3A_365 = arith.muli %parallel_loop3A_364, %parallel_loop3A_201 : i32
        %parallel_loop3A_366 = arith.constant 15 : i32
        %parallel_loop3A_367 = arith.index_cast %parallel_loop3A_366 : i32 to index
        %parallel_loop3A_368 = arith.index_cast %parallel_loop3A_365 : i32 to index
        %parallel_loop3A_369 = tpu.vector_load %arg12[%parallel_loop3A_367, %parallel_loop3A_368] {strides = array<i32>} : memref<32x256xf32, #tpu.memory_space<vmem>>, vector<16xf32>,
        tpu.vector_store %arg12[%parallel_loop3A_367, %parallel_loop3A_368], %parallel_loop3A_363 {strides = array<i32>} : memref<32x256xf32, #tpu.memory_space<vmem>>, vector<16xf32>,
        %parallel_loop3A_370 = arith.constant 16 : i32
        %parallel_loop3A_371 = vector.broadcast %parallel_loop3A_370 : i32 to vector<16xi32>
        %parallel_loop3A_372 = arith.addi %parallel_loop3A_209, %parallel_loop3A_371 : vector<16xi32>
        %parallel_loop3A_373 = tpu.vector_load_idx %arg10[%parallel_loop3A_205, %parallel_loop3A_372] : memref<256x128xf32, #tpu.memory_space<vmem>>[vector<16xi32>, vector<16xi32>], vector<16xf32>,
        %parallel_loop3A_374 = arith.constant 16 : i32
        %parallel_loop3A_375 = arith.muli %parallel_loop3A_374, %parallel_loop3A_201 : i32
        %parallel_loop3A_376 = arith.constant 16 : i32
        %parallel_loop3A_377 = arith.index_cast %parallel_loop3A_376 : i32 to index
        %parallel_loop3A_378 = arith.index_cast %parallel_loop3A_375 : i32 to index
        %parallel_loop3A_379 = tpu.vector_load %arg12[%parallel_loop3A_377, %parallel_loop3A_378] {strides = array<i32>} : memref<32x256xf32, #tpu.memory_space<vmem>>, vector<16xf32>,
        tpu.vector_store %arg12[%parallel_loop3A_377, %parallel_loop3A_378], %parallel_loop3A_373 {strides = array<i32>} : memref<32x256xf32, #tpu.memory_space<vmem>>, vector<16xf32>,
        %parallel_loop3A_380 = arith.constant 17 : i32
        %parallel_loop3A_381 = vector.broadcast %parallel_loop3A_380 : i32 to vector<16xi32>
        %parallel_loop3A_382 = arith.addi %parallel_loop3A_209, %parallel_loop3A_381 : vector<16xi32>
        %parallel_loop3A_383 = tpu.vector_load_idx %arg10[%parallel_loop3A_205, %parallel_loop3A_382] : memref<256x128xf32, #tpu.memory_space<vmem>>[vector<16xi32>, vector<16xi32>], vector<16xf32>,
        %parallel_loop3A_384 = arith.constant 16 : i32
        %parallel_loop3A_385 = arith.muli %parallel_loop3A_384, %parallel_loop3A_201 : i32
        %parallel_loop3A_386 = arith.constant 17 : i32
        %parallel_loop3A_387 = arith.index_cast %parallel_loop3A_386 : i32 to index
        %parallel_loop3A_388 = arith.index_cast %parallel_loop3A_385 : i32 to index
        %parallel_loop3A_389 = tpu.vector_load %arg12[%parallel_loop3A_387, %parallel_loop3A_388] {strides = array<i32>} : memref<32x256xf32, #tpu.memory_space<vmem>>, vector<16xf32>,
        tpu.vector_store %arg12[%parallel_loop3A_387, %parallel_loop3A_388], %parallel_loop3A_383 {strides = array<i32>} : memref<32x256xf32, #tpu.memory_space<vmem>>, vector<16xf32>,
        %parallel_loop3A_390 = arith.constant 18 : i32
        %parallel_loop3A_391 = vector.broadcast %parallel_loop3A_390 : i32 to vector<16xi32>
        %parallel_loop3A_392 = arith.addi %parallel_loop3A_209, %parallel_loop3A_391 : vector<16xi32>
        %parallel_loop3A_393 = tpu.vector_load_idx %arg10[%parallel_loop3A_205, %parallel_loop3A_392] : memref<256x128xf32, #tpu.memory_space<vmem>>[vector<16xi32>, vector<16xi32>], vector<16xf32>,
        %parallel_loop3A_394 = arith.constant 16 : i32
        %parallel_loop3A_395 = arith.muli %parallel_loop3A_394, %parallel_loop3A_201 : i32
        %parallel_loop3A_396 = arith.constant 18 : i32
        %parallel_loop3A_397 = arith.index_cast %parallel_loop3A_396 : i32 to index
        %parallel_loop3A_398 = arith.index_cast %parallel_loop3A_395 : i32 to index
        %parallel_loop3A_399 = tpu.vector_load %arg12[%parallel_loop3A_397, %parallel_loop3A_398] {strides = array<i32>} : memref<32x256xf32, #tpu.memory_space<vmem>>, vector<16xf32>,
        tpu.vector_store %arg12[%parallel_loop3A_397, %parallel_loop3A_398], %parallel_loop3A_393 {strides = array<i32>} : memref<32x256xf32, #tpu.memory_space<vmem>>, vector<16xf32>,
        %parallel_loop3A_400 = arith.constant 19 : i32
        %parallel_loop3A_401 = vector.broadcast %parallel_loop3A_400 : i32 to vector<16xi32>
        %parallel_loop3A_402 = arith.addi %parallel_loop3A_209, %parallel_loop3A_401 : vector<16xi32>
        %parallel_loop3A_403 = tpu.vector_load_idx %arg10[%parallel_loop3A_205, %parallel_loop3A_402] : memref<256x128xf32, #tpu.memory_space<vmem>>[vector<16xi32>, vector<16xi32>], vector<16xf32>,
        %parallel_loop3A_404 = arith.constant 16 : i32
        %parallel_loop3A_405 = arith.muli %parallel_loop3A_404, %parallel_loop3A_201 : i32
        %parallel_loop3A_406 = arith.constant 19 : i32
        %parallel_loop3A_407 = arith.index_cast %parallel_loop3A_406 : i32 to index
        %parallel_loop3A_408 = arith.index_cast %parallel_loop3A_405 : i32 to index
        %parallel_loop3A_409 = tpu.vector_load %arg12[%parallel_loop3A_407, %parallel_loop3A_408] {strides = array<i32>} : memref<32x256xf32, #tpu.memory_space<vmem>>, vector<16xf32>,
        tpu.vector_store %arg12[%parallel_loop3A_407, %parallel_loop3A_408], %parallel_loop3A_403 {strides = array<i32>} : memref<32x256xf32, #tpu.memory_space<vmem>>, vector<16xf32>,
        %parallel_loop3A_410 = arith.constant 20 : i32
        %parallel_loop3A_411 = vector.broadcast %parallel_loop3A_410 : i32 to vector<16xi32>
        %parallel_loop3A_412 = arith.addi %parallel_loop3A_209, %parallel_loop3A_411 : vector<16xi32>
        %parallel_loop3A_413 = tpu.vector_load_idx %arg10[%parallel_loop3A_205, %parallel_loop3A_412] : memref<256x128xf32, #tpu.memory_space<vmem>>[vector<16xi32>, vector<16xi32>], vector<16xf32>,
        %parallel_loop3A_414 = arith.constant 16 : i32
        %parallel_loop3A_415 = arith.muli %parallel_loop3A_414, %parallel_loop3A_201 : i32
        %parallel_loop3A_416 = arith.constant 20 : i32
        %parallel_loop3A_417 = arith.index_cast %parallel_loop3A_416 : i32 to index
        %parallel_loop3A_418 = arith.index_cast %parallel_loop3A_415 : i32 to index
        %parallel_loop3A_419 = tpu.vector_load %arg12[%parallel_loop3A_417, %parallel_loop3A_418] {strides = array<i32>} : memref<32x256xf32, #tpu.memory_space<vmem>>, vector<16xf32>,
        tpu.vector_store %arg12[%parallel_loop3A_417, %parallel_loop3A_418], %parallel_loop3A_413 {strides = array<i32>} : memref<32x256xf32, #tpu.memory_space<vmem>>, vector<16xf32>,
        %parallel_loop3A_420 = arith.constant 21 : i32
        %parallel_loop3A_421 = vector.broadcast %parallel_loop3A_420 : i32 to vector<16xi32>
        %parallel_loop3A_422 = arith.addi %parallel_loop3A_209, %parallel_loop3A_421 : vector<16xi32>
        %parallel_loop3A_423 = tpu.vector_load_idx %arg10[%parallel_loop3A_205, %parallel_loop3A_422] : memref<256x128xf32, #tpu.memory_space<vmem>>[vector<16xi32>, vector<16xi32>], vector<16xf32>,
        %parallel_loop3A_424 = arith.constant 16 : i32
        %parallel_loop3A_425 = arith.muli %parallel_loop3A_424, %parallel_loop3A_201 : i32
        %parallel_loop3A_426 = arith.constant 21 : i32
        %parallel_loop3A_427 = arith.index_cast %parallel_loop3A_426 : i32 to index
        %parallel_loop3A_428 = arith.index_cast %parallel_loop3A_425 : i32 to index
        %parallel_loop3A_429 = tpu.vector_load %arg12[%parallel_loop3A_427, %parallel_loop3A_428] {strides = array<i32>} : memref<32x256xf32, #tpu.memory_space<vmem>>, vector<16xf32>,
        tpu.vector_store %arg12[%parallel_loop3A_427, %parallel_loop3A_428], %parallel_loop3A_423 {strides = array<i32>} : memref<32x256xf32, #tpu.memory_space<vmem>>, vector<16xf32>,
        %parallel_loop3A_430 = arith.constant 22 : i32
        %parallel_loop3A_431 = vector.broadcast %parallel_loop3A_430 : i32 to vector<16xi32>
        %parallel_loop3A_432 = arith.addi %parallel_loop3A_209, %parallel_loop3A_431 : vector<16xi32>
        %parallel_loop3A_433 = tpu.vector_load_idx %arg10[%parallel_loop3A_205, %parallel_loop3A_432] : memref<256x128xf32, #tpu.memory_space<vmem>>[vector<16xi32>, vector<16xi32>], vector<16xf32>,
        %parallel_loop3A_434 = arith.constant 16 : i32
        %parallel_loop3A_435 = arith.muli %parallel_loop3A_434, %parallel_loop3A_201 : i32
        %parallel_loop3A_436 = arith.constant 22 : i32
        %parallel_loop3A_437 = arith.index_cast %parallel_loop3A_436 : i32 to index
        %parallel_loop3A_438 = arith.index_cast %parallel_loop3A_435 : i32 to index
        %parallel_loop3A_439 = tpu.vector_load %arg12[%parallel_loop3A_437, %parallel_loop3A_438] {strides = array<i32>} : memref<32x256xf32, #tpu.memory_space<vmem>>, vector<16xf32>,
        tpu.vector_store %arg12[%parallel_loop3A_437, %parallel_loop3A_438], %parallel_loop3A_433 {strides = array<i32>} : memref<32x256xf32, #tpu.memory_space<vmem>>, vector<16xf32>,
        %parallel_loop3A_440 = arith.constant 23 : i32
        %parallel_loop3A_441 = vector.broadcast %parallel_loop3A_440 : i32 to vector<16xi32>
        %parallel_loop3A_442 = arith.addi %parallel_loop3A_209, %parallel_loop3A_441 : vector<16xi32>
        %parallel_loop3A_443 = tpu.vector_load_idx %arg10[%parallel_loop3A_205, %parallel_loop3A_442] : memref<256x128xf32, #tpu.memory_space<vmem>>[vector<16xi32>, vector<16xi32>], vector<16xf32>,
        %parallel_loop3A_444 = arith.constant 16 : i32
        %parallel_loop3A_445 = arith.muli %parallel_loop3A_444, %parallel_loop3A_201 : i32
        %parallel_loop3A_446 = arith.constant 23 : i32
        %parallel_loop3A_447 = arith.index_cast %parallel_loop3A_446 : i32 to index
        %parallel_loop3A_448 = arith.index_cast %parallel_loop3A_445 : i32 to index
        %parallel_loop3A_449 = tpu.vector_load %arg12[%parallel_loop3A_447, %parallel_loop3A_448] {strides = array<i32>} : memref<32x256xf32, #tpu.memory_space<vmem>>, vector<16xf32>,
        tpu.vector_store %arg12[%parallel_loop3A_447, %parallel_loop3A_448], %parallel_loop3A_443 {strides = array<i32>} : memref<32x256xf32, #tpu.memory_space<vmem>>, vector<16xf32>,
        %parallel_loop3A_450 = arith.constant 24 : i32
        %parallel_loop3A_451 = vector.broadcast %parallel_loop3A_450 : i32 to vector<16xi32>
        %parallel_loop3A_452 = arith.addi %parallel_loop3A_209, %parallel_loop3A_451 : vector<16xi32>
        %parallel_loop3A_453 = tpu.vector_load_idx %arg10[%parallel_loop3A_205, %parallel_loop3A_452] : memref<256x128xf32, #tpu.memory_space<vmem>>[vector<16xi32>, vector<16xi32>], vector<16xf32>,
        %parallel_loop3A_454 = arith.constant 16 : i32
        %parallel_loop3A_455 = arith.muli %parallel_loop3A_454, %parallel_loop3A_201 : i32
        %parallel_loop3A_456 = arith.constant 24 : i32
        %parallel_loop3A_457 = arith.index_cast %parallel_loop3A_456 : i32 to index
        %parallel_loop3A_458 = arith.index_cast %parallel_loop3A_455 : i32 to index
        %parallel_loop3A_459 = tpu.vector_load %arg12[%parallel_loop3A_457, %parallel_loop3A_458] {strides = array<i32>} : memref<32x256xf32, #tpu.memory_space<vmem>>, vector<16xf32>,
        tpu.vector_store %arg12[%parallel_loop3A_457, %parallel_loop3A_458], %parallel_loop3A_453 {strides = array<i32>} : memref<32x256xf32, #tpu.memory_space<vmem>>, vector<16xf32>,
        %parallel_loop3A_460 = arith.constant 25 : i32
        %parallel_loop3A_461 = vector.broadcast %parallel_loop3A_460 : i32 to vector<16xi32>
        %parallel_loop3A_462 = arith.addi %parallel_loop3A_209, %parallel_loop3A_461 : vector<16xi32>
        %parallel_loop3A_463 = tpu.vector_load_idx %arg10[%parallel_loop3A_205, %parallel_loop3A_462] : memref<256x128xf32, #tpu.memory_space<vmem>>[vector<16xi32>, vector<16xi32>], vector<16xf32>,
        %parallel_loop3A_464 = arith.constant 16 : i32
        %parallel_loop3A_465 = arith.muli %parallel_loop3A_464, %parallel_loop3A_201 : i32
        %parallel_loop3A_466 = arith.constant 25 : i32
        %parallel_loop3A_467 = arith.index_cast %parallel_loop3A_466 : i32 to index
        %parallel_loop3A_468 = arith.index_cast %parallel_loop3A_465 : i32 to index
        %parallel_loop3A_469 = tpu.vector_load %arg12[%parallel_loop3A_467, %parallel_loop3A_468] {strides = array<i32>} : memref<32x256xf32, #tpu.memory_space<vmem>>, vector<16xf32>,
        tpu.vector_store %arg12[%parallel_loop3A_467, %parallel_loop3A_468], %parallel_loop3A_463 {strides = array<i32>} : memref<32x256xf32, #tpu.memory_space<vmem>>, vector<16xf32>,
        %parallel_loop3A_470 = arith.constant 26 : i32
        %parallel_loop3A_471 = vector.broadcast %parallel_loop3A_470 : i32 to vector<16xi32>
        %parallel_loop3A_472 = arith.addi %parallel_loop3A_209, %parallel_loop3A_471 : vector<16xi32>
        %parallel_loop3A_473 = tpu.vector_load_idx %arg10[%parallel_loop3A_205, %parallel_loop3A_472] : memref<256x128xf32, #tpu.memory_space<vmem>>[vector<16xi32>, vector<16xi32>], vector<16xf32>,
        %parallel_loop3A_474 = arith.constant 16 : i32
        %parallel_loop3A_475 = arith.muli %parallel_loop3A_474, %parallel_loop3A_201 : i32
        %parallel_loop3A_476 = arith.constant 26 : i32
        %parallel_loop3A_477 = arith.index_cast %parallel_loop3A_476 : i32 to index
        %parallel_loop3A_478 = arith.index_cast %parallel_loop3A_475 : i32 to index
        %parallel_loop3A_479 = tpu.vector_load %arg12[%parallel_loop3A_477, %parallel_loop3A_478] {strides = array<i32>} : memref<32x256xf32, #tpu.memory_space<vmem>>, vector<16xf32>,
        tpu.vector_store %arg12[%parallel_loop3A_477, %parallel_loop3A_478], %parallel_loop3A_473 {strides = array<i32>} : memref<32x256xf32, #tpu.memory_space<vmem>>, vector<16xf32>,
        %parallel_loop3A_480 = arith.constant 27 : i32
        %parallel_loop3A_481 = vector.broadcast %parallel_loop3A_480 : i32 to vector<16xi32>
        %parallel_loop3A_482 = arith.addi %parallel_loop3A_209, %parallel_loop3A_481 : vector<16xi32>
        %parallel_loop3A_483 = tpu.vector_load_idx %arg10[%parallel_loop3A_205, %parallel_loop3A_482] : memref<256x128xf32, #tpu.memory_space<vmem>>[vector<16xi32>, vector<16xi32>], vector<16xf32>,
        %parallel_loop3A_484 = arith.constant 16 : i32
        %parallel_loop3A_485 = arith.muli %parallel_loop3A_484, %parallel_loop3A_201 : i32
        %parallel_loop3A_486 = arith.constant 27 : i32
        %parallel_loop3A_487 = arith.index_cast %parallel_loop3A_486 : i32 to index
        %parallel_loop3A_488 = arith.index_cast %parallel_loop3A_485 : i32 to index
        %parallel_loop3A_489 = tpu.vector_load %arg12[%parallel_loop3A_487, %parallel_loop3A_488] {strides = array<i32>} : memref<32x256xf32, #tpu.memory_space<vmem>>, vector<16xf32>,
        tpu.vector_store %arg12[%parallel_loop3A_487, %parallel_loop3A_488], %parallel_loop3A_483 {strides = array<i32>} : memref<32x256xf32, #tpu.memory_space<vmem>>, vector<16xf32>,
        %parallel_loop3A_490 = arith.constant 28 : i32
        %parallel_loop3A_491 = vector.broadcast %parallel_loop3A_490 : i32 to vector<16xi32>
        %parallel_loop3A_492 = arith.addi %parallel_loop3A_209, %parallel_loop3A_491 : vector<16xi32>
        %parallel_loop3A_493 = tpu.vector_load_idx %arg10[%parallel_loop3A_205, %parallel_loop3A_492] : memref<256x128xf32, #tpu.memory_space<vmem>>[vector<16xi32>, vector<16xi32>], vector<16xf32>,
        %parallel_loop3A_494 = arith.constant 16 : i32
        %parallel_loop3A_495 = arith.muli %parallel_loop3A_494, %parallel_loop3A_201 : i32
        %parallel_loop3A_496 = arith.constant 28 : i32
        %parallel_loop3A_497 = arith.index_cast %parallel_loop3A_496 : i32 to index
        %parallel_loop3A_498 = arith.index_cast %parallel_loop3A_495 : i32 to index
        %parallel_loop3A_499 = tpu.vector_load %arg12[%parallel_loop3A_497, %parallel_loop3A_498] {strides = array<i32>} : memref<32x256xf32, #tpu.memory_space<vmem>>, vector<16xf32>,
        tpu.vector_store %arg12[%parallel_loop3A_497, %parallel_loop3A_498], %parallel_loop3A_493 {strides = array<i32>} : memref<32x256xf32, #tpu.memory_space<vmem>>, vector<16xf32>,
        %parallel_loop3A_500 = arith.constant 29 : i32
        %parallel_loop3A_501 = vector.broadcast %parallel_loop3A_500 : i32 to vector<16xi32>
        %parallel_loop3A_502 = arith.addi %parallel_loop3A_209, %parallel_loop3A_501 : vector<16xi32>
        %parallel_loop3A_503 = tpu.vector_load_idx %arg10[%parallel_loop3A_205, %parallel_loop3A_502] : memref<256x128xf32, #tpu.memory_space<vmem>>[vector<16xi32>, vector<16xi32>], vector<16xf32>,
        %parallel_loop3A_504 = arith.constant 16 : i32
        %parallel_loop3A_505 = arith.muli %parallel_loop3A_504, %parallel_loop3A_201 : i32
        %parallel_loop3A_506 = arith.constant 29 : i32
        %parallel_loop3A_507 = arith.index_cast %parallel_loop3A_506 : i32 to index
        %parallel_loop3A_508 = arith.index_cast %parallel_loop3A_505 : i32 to index
        %parallel_loop3A_509 = tpu.vector_load %arg12[%parallel_loop3A_507, %parallel_loop3A_508] {strides = array<i32>} : memref<32x256xf32, #tpu.memory_space<vmem>>, vector<16xf32>,
        tpu.vector_store %arg12[%parallel_loop3A_507, %parallel_loop3A_508], %parallel_loop3A_503 {strides = array<i32>} : memref<32x256xf32, #tpu.memory_space<vmem>>, vector<16xf32>,
        %parallel_loop3A_510 = arith.constant 30 : i32
        %parallel_loop3A_511 = vector.broadcast %parallel_loop3A_510 : i32 to vector<16xi32>
        %parallel_loop3A_512 = arith.addi %parallel_loop3A_209, %parallel_loop3A_511 : vector<16xi32>
        %parallel_loop3A_513 = tpu.vector_load_idx %arg10[%parallel_loop3A_205, %parallel_loop3A_512] : memref<256x128xf32, #tpu.memory_space<vmem>>[vector<16xi32>, vector<16xi32>], vector<16xf32>,
        %parallel_loop3A_514 = arith.constant 16 : i32
        %parallel_loop3A_515 = arith.muli %parallel_loop3A_514, %parallel_loop3A_201 : i32
        %parallel_loop3A_516 = arith.constant 30 : i32
        %parallel_loop3A_517 = arith.index_cast %parallel_loop3A_516 : i32 to index
        %parallel_loop3A_518 = arith.index_cast %parallel_loop3A_515 : i32 to index
        %parallel_loop3A_519 = tpu.vector_load %arg12[%parallel_loop3A_517, %parallel_loop3A_518] {strides = array<i32>} : memref<32x256xf32, #tpu.memory_space<vmem>>, vector<16xf32>,
        tpu.vector_store %arg12[%parallel_loop3A_517, %parallel_loop3A_518], %parallel_loop3A_513 {strides = array<i32>} : memref<32x256xf32, #tpu.memory_space<vmem>>, vector<16xf32>,
        %parallel_loop3A_520 = arith.constant 31 : i32
        %parallel_loop3A_521 = vector.broadcast %parallel_loop3A_520 : i32 to vector<16xi32>
        %parallel_loop3A_522 = arith.addi %parallel_loop3A_209, %parallel_loop3A_521 : vector<16xi32>
        %parallel_loop3A_523 = tpu.vector_load_idx %arg10[%parallel_loop3A_205, %parallel_loop3A_522] : memref<256x128xf32, #tpu.memory_space<vmem>>[vector<16xi32>, vector<16xi32>], vector<16xf32>,
        %parallel_loop3A_524 = arith.constant 16 : i32
        %parallel_loop3A_525 = arith.muli %parallel_loop3A_524, %parallel_loop3A_201 : i32
        %parallel_loop3A_526 = arith.constant 31 : i32
        %parallel_loop3A_527 = arith.index_cast %parallel_loop3A_526 : i32 to index
        %parallel_loop3A_528 = arith.index_cast %parallel_loop3A_525 : i32 to index
        %parallel_loop3A_529 = tpu.vector_load %arg12[%parallel_loop3A_527, %parallel_loop3A_528] {strides = array<i32>} : memref<32x256xf32, #tpu.memory_space<vmem>>, vector<16xf32>,
        tpu.vector_store %arg12[%parallel_loop3A_527, %parallel_loop3A_528], %parallel_loop3A_523 {strides = array<i32>} : memref<32x256xf32, #tpu.memory_space<vmem>>, vector<16xf32>,
      } {sc.loop_unroll_factor = 2 : i64, sc.parallel_access}
      %jit3A = arith.constant 2 : i32
      %div3A = arith.divsi %add3A_49, %jit3A : i32
      %sign3A = arith.constant 0 : i32
      %sign3A_77 = arith.cmpi sgt, %add3A_49, %sign3A : i32
      %sign3A_78 = arith.extui %sign3A_77 : i1 to i32
      %sign3A_79 = arith.constant 0 : i32
      %sign3A_80 = arith.cmpi slt, %add3A_49, %sign3A_79 : i32
      %sign3A_81 = arith.extui %sign3A_80 : i1 to i32
      %sign3A_82 = arith.subi %sign3A_78, %sign3A_81 : i32
      %sign3A_83 = arith.constant 0 : i32
      %sign3A_84 = arith.cmpi sgt, %jit3A, %sign3A_83 : i32
      %sign3A_85 = arith.extui %sign3A_84 : i1 to i32
      %sign3A_86 = arith.constant 0 : i32
      %sign3A_87 = arith.cmpi slt, %jit3A, %sign3A_86 : i32
      %sign3A_88 = arith.extui %sign3A_87 : i1 to i32
      %sign3A_89 = arith.subi %sign3A_85, %sign3A_88 : i32
      %ne3A = arith.cmpi ne, %sign3A_82, %sign3A_89 : i32
      %rem3A = arith.remsi %add3A_49, %jit3A : i32
      %ne3A_90 = arith.constant 0 : i32
      %ne3A_91 = arith.cmpi ne, %rem3A, %ne3A_90 : i32
      %and3A = arith.andi %ne3A, %ne3A_91 : i1
      %sub3A = arith.constant 1 : i32
      %sub3A_92 = arith.subi %div3A, %sub3A : i32
      %select_n3A = arith.select %and3A, %sub3A_92, %div3A : i32
      %jit3A_93 = arith.constant 2 : i32
      %eq3A = arith.constant 0 : i32
      %eq3A_94 = arith.cmpi eq, %jit3A_93, %eq3A : i32
      %jit3A_95 = arith.constant 1 : i32
      %select_n3A_96 = arith.select %eq3A_94, %jit3A_95, %jit3A_93 : i32
      %rem3A_97 = arith.remsi %add3A_49, %select_n3A_96 : i32
      %ne3A_98 = arith.constant 0 : i32
      %ne3A_99 = arith.cmpi ne, %rem3A_97, %ne3A_98 : i32
      %lt3A_100 = arith.constant 0 : i32
      %lt3A_101 = arith.cmpi slt, %rem3A_97, %lt3A_100 : i32
      %lt3A_102 = arith.constant 0 : i32
      %lt3A_103 = arith.cmpi slt, %select_n3A_96, %lt3A_102 : i32
      %ne3A_104 = arith.xori %lt3A_101, %lt3A_103 : i1
      %and3A_105 = arith.andi %ne3A_104, %ne3A_99 : i1
      %add3A_106 = arith.addi %rem3A_97, %select_n3A_96 : i32
      %select_n3A_107 = arith.select %and3A_105, %add3A_106, %rem3A_97 : i32
      %mul3A_108 = arith.constant 256 : i32
      %mul3A_109 = arith.muli %select_n3A_107, %mul3A_108 : i32
      %add3A_110 = arith.addi %mul3A_2, %mul3A_109 : i32
      %dma_start3A_111 = arith.constant 0 : i32
      %dma_start3A_112 = tpu.memref_slice %arg4[%select_n3A, %dma_start3A_111, %add3A_110] : memref<50x32x16384xf32, #tpu.memory_space<hbm>> -> memref<1x32x256xf32, #tpu.memory_space<hbm>>
      %dma_start3A_113 = tpu.memref_squeeze %dma_start3A_112 : memref<1x32x256xf32, #tpu.memory_space<hbm>> -> memref<32x256xf32, #tpu.memory_space<hbm>>
      %dma_start3A_114 = arith.constant 0 : i32
      %dma_start3A_115 = tpu.memref_slice %arg4[%select_n3A, %dma_start3A_114, %add3A_110] : memref<50x32x16384xf32, #tpu.memory_space<hbm>> -> memref<1x32x256xf32, #tpu.memory_space<hbm>>
      %dma_start3A_116 = tpu.memref_squeeze %dma_start3A_115 : memref<1x32x256xf32, #tpu.memory_space<hbm>> -> memref<32x256xf32, #tpu.memory_space<hbm>>
      tpu.enqueue_dma source(%arg12 : memref<32x256xf32, #tpu.memory_space<vmem>>) target(%dma_start3A_116 : memref<32x256xf32, #tpu.memory_space<hbm>>) target_semaphore(%arg16 : memref<!tpu.dma_semaphore, #tpu.memory_space<semaphore_mem>>)
      %mul3A_117 = arith.constant 2 : i32
      %mul3A_118 = arith.muli %mul3A_117, %scan3A_45 : i32
      %add3A_119 = arith.constant 1 : i32
      %add3A_120 = arith.addi %mul3A_118, %add3A_119 : i32
      %add3A_121 = arith.constant 1 : i32
      %add3A_122 = arith.addi %add3A_120, %add3A_121 : i32
      %lt3A_123 = arith.constant 100 : i32
      %lt3A_124 = arith.cmpi slt, %add3A_122, %lt3A_123 : i32
      %convert_element_type3A_125 = arith.extui %lt3A_124 : i1 to i32
      %cond3A_126 = arith.constant 0 : i32
      %cond3A_127 = arith.cmpi ne, %convert_element_type3A_125, %cond3A_126 : i32
      scf.if %cond3A_127 {
        %add3A_201 = arith.constant 1 : i32
        %add3A_202 = arith.addi %add3A_120, %add3A_201 : i32
        %jit3A_203 = arith.constant 2 : i32
        %div3A_204 = arith.divsi %add3A_202, %jit3A_203 : i32
        %sign3A_205 = arith.constant 0 : i32
        %sign3A_206 = arith.cmpi sgt, %add3A_202, %sign3A_205 : i32
        %sign3A_207 = arith.extui %sign3A_206 : i1 to i32
        %sign3A_208 = arith.constant 0 : i32
        %sign3A_209 = arith.cmpi slt, %add3A_202, %sign3A_208 : i32
        %sign3A_210 = arith.extui %sign3A_209 : i1 to i32
        %sign3A_211 = arith.subi %sign3A_207, %sign3A_210 : i32
        %sign3A_212 = arith.constant 0 : i32
        %sign3A_213 = arith.cmpi sgt, %jit3A_203, %sign3A_212 : i32
        %sign3A_214 = arith.extui %sign3A_213 : i1 to i32
        %sign3A_215 = arith.constant 0 : i32
        %sign3A_216 = arith.cmpi slt, %jit3A_203, %sign3A_215 : i32
        %sign3A_217 = arith.extui %sign3A_216 : i1 to i32
        %sign3A_218 = arith.subi %sign3A_214, %sign3A_217 : i32
        %ne3A_219 = arith.cmpi ne, %sign3A_211, %sign3A_218 : i32
        %rem3A_220 = arith.remsi %add3A_202, %jit3A_203 : i32
        %ne3A_221 = arith.constant 0 : i32
        %ne3A_222 = arith.cmpi ne, %rem3A_220, %ne3A_221 : i32
        %and3A_223 = arith.andi %ne3A_219, %ne3A_222 : i1
        %sub3A_224 = arith.constant 1 : i32
        %sub3A_225 = arith.subi %div3A_204, %sub3A_224 : i32
        %select_n3A_226 = arith.select %and3A_223, %sub3A_225, %div3A_204 : i32
        %jit3A_227 = arith.constant 2 : i32
        %eq3A_228 = arith.constant 0 : i32
        %eq3A_229 = arith.cmpi eq, %jit3A_227, %eq3A_228 : i32
        %jit3A_230 = arith.constant 1 : i32
        %select_n3A_231 = arith.select %eq3A_229, %jit3A_230, %jit3A_227 : i32
        %rem3A_232 = arith.remsi %add3A_202, %select_n3A_231 : i32
        %ne3A_233 = arith.constant 0 : i32
        %ne3A_234 = arith.cmpi ne, %rem3A_232, %ne3A_233 : i32
        %lt3A_235 = arith.constant 0 : i32
        %lt3A_236 = arith.cmpi slt, %rem3A_232, %lt3A_235 : i32
        %lt3A_237 = arith.constant 0 : i32
        %lt3A_238 = arith.cmpi slt, %select_n3A_231, %lt3A_237 : i32
        %ne3A_239 = arith.xori %lt3A_236, %lt3A_238 : i1
        %and3A_240 = arith.andi %ne3A_239, %ne3A_234 : i1
        %add3A_241 = arith.addi %rem3A_232, %select_n3A_231 : i32
        %select_n3A_242 = arith.select %and3A_240, %add3A_241, %rem3A_232 : i32
        %broadcast_in_dim3A_243 = vector.broadcast %select_n3A_226 : i32 to vector<16xi32>
        %parallel_loop3A_244 = arith.constant 0 : i32
        %parallel_loop3A_245 = arith.constant 16 : i32
        %parallel_loop3A_246 = arith.constant 1 : i32
        scf.for %parallel_loop3A_263 = %parallel_loop3A_244 to %parallel_loop3A_245 step %parallel_loop3A_246  : i32 {
          %parallel_loop3A_264 = arith.constant 256 : i32
          %parallel_loop3A_265 = arith.muli %select_n3A_242, %parallel_loop3A_264 : i32
          %parallel_loop3A_266 = arith.constant 16 : i32
          %parallel_loop3A_267 = arith.muli %parallel_loop3A_266, %parallel_loop3A_263 : i32
          %parallel_loop3A_268 = arith.addi %parallel_loop3A_265, %parallel_loop3A_267 : i32
          %parallel_loop3A_269 = vector.broadcast %parallel_loop3A_268 : i32 to vector<16xi32>
          %parallel_loop3A_270 = arith.addi %iota3A, %parallel_loop3A_269 : vector<16xi32>
          %parallel_loop3A_271 = arith.constant 50 : i32
          %parallel_loop3A_272 = vector.broadcast %parallel_loop3A_271 : i32 to vector<16xi32>
          %parallel_loop3A_273 = arith.muli %parallel_loop3A_270, %parallel_loop3A_272 : vector<16xi32>
          %parallel_loop3A_274 = arith.addi %parallel_loop3A_273, %broadcast_in_dim3A_243 : vector<16xi32>
          %parallel_loop3A_275 = tpu.vector_load_idx %arg5[%parallel_loop3A_274] : memref<25600xi32, #tpu.memory_space<vmem>>[vector<16xi32>], vector<16xi32>,
          %parallel_loop3A_276 = arith.constant 2 : i32
          %parallel_loop3A_277 = vector.broadcast %parallel_loop3A_276 : i32 to vector<16xi32>
          %parallel_loop3A_278 = arith.shrui %parallel_loop3A_275, %parallel_loop3A_277 : vector<16xi32>
          %parallel_loop3A_279 = arith.constant 16 : i32
          %parallel_loop3A_280 = arith.muli %parallel_loop3A_279, %parallel_loop3A_263 : i32
          %parallel_loop3A_281 = arith.index_cast %parallel_loop3A_280 : i32 to index
          %parallel_loop3A_282 = tpu.vector_load %arg6[%parallel_loop3A_281] {strides = array<i32>} : memref<256xi32, #tpu.memory_space<vmem>>, vector<16xi32>,
          tpu.vector_store %arg6[%parallel_loop3A_281], %parallel_loop3A_278 {strides = array<i32>} : memref<256xi32, #tpu.memory_space<vmem>>, vector<16xi32>,
          %parallel_loop3A_283 = arith.constant 3 : i32
          %parallel_loop3A_284 = vector.broadcast %parallel_loop3A_283 : i32 to vector<16xi32>
          %parallel_loop3A_285 = arith.andi %parallel_loop3A_275, %parallel_loop3A_284 : vector<16xi32>
          %parallel_loop3A_286 = arith.constant 32 : i32
          %parallel_loop3A_287 = vector.broadcast %parallel_loop3A_286 : i32 to vector<16xi32>
          %parallel_loop3A_288 = arith.muli %parallel_loop3A_285, %parallel_loop3A_287 : vector<16xi32>
          %parallel_loop3A_289 = arith.constant 16 : i32
          %parallel_loop3A_290 = arith.muli %parallel_loop3A_289, %parallel_loop3A_263 : i32
          %parallel_loop3A_291 = arith.index_cast %parallel_loop3A_290 : i32 to index
          %parallel_loop3A_292 = tpu.vector_load %arg8[%parallel_loop3A_291] {strides = array<i32>} : memref<256xi32, #tpu.memory_space<vmem>>, vector<16xi32>,
          tpu.vector_store %arg8[%parallel_loop3A_291], %parallel_loop3A_288 {strides = array<i32>} : memref<256xi32, #tpu.memory_space<vmem>>, vector<16xi32>,
        } {sc.loop_unroll_factor = 4 : i64, sc.parallel_access}
        %dma_start3A_247 = arith.constant 0 : i32
        %dma_start3A_248 = arith.constant 0 : i32
        %dma_start3A_249 = tpu.memref_slice %arg10[%dma_start3A_247, %dma_start3A_248] : memref<256x128xf32, #tpu.memory_space<vmem>> -> memref<128x128xf32, #tpu.memory_space<vmem>>
        %dma_start3A_250 = arith.constant 0 : i32
        %dma_start3A_251 = tpu.memref_slice %arg6[%dma_start3A_250] : memref<256xi32, #tpu.memory_space<vmem>> -> memref<128xi32, #tpu.memory_space<vmem>>
        %dma_start3A_252 = arith.constant 0 : i32
        %dma_start3A_253 = arith.constant 0 : i32
        %dma_start3A_254 = tpu.memref_slice %arg2[%dma_start3A_252, %dma_start3A_253] : memref<250000x128xf32, #tpu.memory_space<hbm>> -> memref<250000x128xf32, #tpu.memory_space<hbm>>
        tpu.enqueue_indirect_dma source(%dma_start3A_254 : memref<250000x128xf32, #tpu.memory_space<hbm>>) target(%dma_start3A_249 : memref<128x128xf32, #tpu.memory_space<vmem>>) offsets(%dma_start3A_251 : memref<128xi32, #tpu.memory_space<vmem>>) semaphore(%arg14 : memref<!tpu.dma_semaphore, #tpu.memory_space<semaphore_mem>>)
        %dma_start3A_255 = arith.constant 128 : i32
        %dma_start3A_256 = arith.constant 0 : i32
        %dma_start3A_257 = tpu.memref_slice %arg10[%dma_start3A_255, %dma_start3A_256] : memref<256x128xf32, #tpu.memory_space<vmem>> -> memref<128x128xf32, #tpu.memory_space<vmem>>
        %dma_start3A_258 = arith.constant 128 : i32
        %dma_start3A_259 = tpu.memref_slice %arg6[%dma_start3A_258] : memref<256xi32, #tpu.memory_space<vmem>> -> memref<128xi32, #tpu.memory_space<vmem>>
        %dma_start3A_260 = arith.constant 0 : i32
        %dma_start3A_261 = arith.constant 0 : i32
        %dma_start3A_262 = tpu.memref_slice %arg2[%dma_start3A_260, %dma_start3A_261] : memref<250000x128xf32, #tpu.memory_space<hbm>> -> memref<250000x128xf32, #tpu.memory_space<hbm>>
        tpu.enqueue_indirect_dma source(%dma_start3A_262 : memref<250000x128xf32, #tpu.memory_space<hbm>>) target(%dma_start3A_257 : memref<128x128xf32, #tpu.memory_space<vmem>>) offsets(%dma_start3A_259 : memref<128xi32, #tpu.memory_space<vmem>>) semaphore(%arg14 : memref<!tpu.dma_semaphore, #tpu.memory_space<semaphore_mem>>)
      } else {
      }
      %dma_wait3A_128 = arith.constant 0 : i32
      %dma_wait3A_129 = arith.constant 0 : i32
      %dma_wait3A_130 = tpu.memref_slice %arg11[%dma_wait3A_128, %dma_wait3A_129] : memref<256x128xf32, #tpu.memory_space<vmem>> -> memref<128x128xf32, #tpu.memory_space<vmem>>
      %dma_wait3A_131 = arith.constant 0 : i32
      %dma_wait3A_132 = tpu.memref_slice %arg7[%dma_wait3A_131] : memref<256xi32, #tpu.memory_space<vmem>> -> memref<128xi32, #tpu.memory_space<vmem>>
      %dma_wait3A_133 = arith.constant 0 : i32
      %dma_wait3A_134 = arith.constant 0 : i32
      %dma_wait3A_135 = tpu.memref_slice %arg2[%dma_wait3A_133, %dma_wait3A_134] : memref<250000x128xf32, #tpu.memory_space<hbm>> -> memref<250000x128xf32, #tpu.memory_space<hbm>>
      tpu.wait_indirect_dma semaphore(%arg15 : memref<!tpu.dma_semaphore, #tpu.memory_space<semaphore_mem>>) src(%dma_wait3A_135 : memref<250000x128xf32, #tpu.memory_space<hbm>>) dst(%dma_wait3A_130 : memref<128x128xf32, #tpu.memory_space<vmem>>)
      %dma_wait3A_136 = arith.constant 128 : i32
      %dma_wait3A_137 = arith.constant 0 : i32
      %dma_wait3A_138 = tpu.memref_slice %arg11[%dma_wait3A_136, %dma_wait3A_137] : memref<256x128xf32, #tpu.memory_space<vmem>> -> memref<128x128xf32, #tpu.memory_space<vmem>>
      %dma_wait3A_139 = arith.constant 128 : i32
      %dma_wait3A_140 = tpu.memref_slice %arg7[%dma_wait3A_139] : memref<256xi32, #tpu.memory_space<vmem>> -> memref<128xi32, #tpu.memory_space<vmem>>
      %dma_wait3A_141 = arith.constant 0 : i32
      %dma_wait3A_142 = arith.constant 0 : i32
      %dma_wait3A_143 = tpu.memref_slice %arg2[%dma_wait3A_141, %dma_wait3A_142] : memref<250000x128xf32, #tpu.memory_space<hbm>> -> memref<250000x128xf32, #tpu.memory_space<hbm>>
      tpu.wait_indirect_dma semaphore(%arg15 : memref<!tpu.dma_semaphore, #tpu.memory_space<semaphore_mem>>) src(%dma_wait3A_143 : memref<250000x128xf32, #tpu.memory_space<hbm>>) dst(%dma_wait3A_138 : memref<128x128xf32, #tpu.memory_space<vmem>>)
      %ge3A_144 = arith.constant 2 : i32
      %ge3A_145 = arith.cmpi sge, %add3A_120, %ge3A_144 : i32
      %convert_element_type3A_146 = arith.extui %ge3A_145 : i1 to i32
      %cond3A_147 = arith.constant 0 : i32
      %cond3A_148 = arith.cmpi ne, %convert_element_type3A_146, %cond3A_147 : i32
      scf.if %cond3A_148 {
        %sub3A_201 = arith.constant 2 : i32
        %sub3A_202 = arith.subi %add3A_120, %sub3A_201 : i32
        %jit3A_203 = arith.constant 2 : i32
        %div3A_204 = arith.divsi %sub3A_202, %jit3A_203 : i32
        %sign3A_205 = arith.constant 0 : i32
        %sign3A_206 = arith.cmpi sgt, %sub3A_202, %sign3A_205 : i32
        %sign3A_207 = arith.extui %sign3A_206 : i1 to i32
        %sign3A_208 = arith.constant 0 : i32
        %sign3A_209 = arith.cmpi slt, %sub3A_202, %sign3A_208 : i32
        %sign3A_210 = arith.extui %sign3A_209 : i1 to i32
        %sign3A_211 = arith.subi %sign3A_207, %sign3A_210 : i32
        %sign3A_212 = arith.constant 0 : i32
        %sign3A_213 = arith.cmpi sgt, %jit3A_203, %sign3A_212 : i32
        %sign3A_214 = arith.extui %sign3A_213 : i1 to i32
        %sign3A_215 = arith.constant 0 : i32
        %sign3A_216 = arith.cmpi slt, %jit3A_203, %sign3A_215 : i32
        %sign3A_217 = arith.extui %sign3A_216 : i1 to i32
        %sign3A_218 = arith.subi %sign3A_214, %sign3A_217 : i32
        %ne3A_219 = arith.cmpi ne, %sign3A_211, %sign3A_218 : i32
        %rem3A_220 = arith.remsi %sub3A_202, %jit3A_203 : i32
        %ne3A_221 = arith.constant 0 : i32
        %ne3A_222 = arith.cmpi ne, %rem3A_220, %ne3A_221 : i32
        %and3A_223 = arith.andi %ne3A_219, %ne3A_222 : i1
        %sub3A_224 = arith.constant 1 : i32
        %sub3A_225 = arith.subi %div3A_204, %sub3A_224 : i32
        %select_n3A_226 = arith.select %and3A_223, %sub3A_225, %div3A_204 : i32
        %jit3A_227 = arith.constant 2 : i32
        %eq3A_228 = arith.constant 0 : i32
        %eq3A_229 = arith.cmpi eq, %jit3A_227, %eq3A_228 : i32
        %jit3A_230 = arith.constant 1 : i32
        %select_n3A_231 = arith.select %eq3A_229, %jit3A_230, %jit3A_227 : i32
        %rem3A_232 = arith.remsi %sub3A_202, %select_n3A_231 : i32
        %ne3A_233 = arith.constant 0 : i32
        %ne3A_234 = arith.cmpi ne, %rem3A_232, %ne3A_233 : i32
        %lt3A_235 = arith.constant 0 : i32
        %lt3A_236 = arith.cmpi slt, %rem3A_232, %lt3A_235 : i32
        %lt3A_237 = arith.constant 0 : i32
        %lt3A_238 = arith.cmpi slt, %select_n3A_231, %lt3A_237 : i32
        %ne3A_239 = arith.xori %lt3A_236, %lt3A_238 : i1
        %and3A_240 = arith.andi %ne3A_239, %ne3A_234 : i1
        %add3A_241 = arith.addi %rem3A_232, %select_n3A_231 : i32
        %select_n3A_242 = arith.select %and3A_240, %add3A_241, %rem3A_232 : i32
        %mul3A_243 = arith.constant 256 : i32
        %mul3A_244 = arith.muli %select_n3A_242, %mul3A_243 : i32
        %add3A_245 = arith.addi %mul3A_2, %mul3A_244 : i32
        %dma_wait3A_246 = arith.constant 0 : i32
        %dma_wait3A_247 = tpu.memref_slice %arg4[%select_n3A_226, %dma_wait3A_246, %add3A_245] : memref<50x32x16384xf32, #tpu.memory_space<hbm>> -> memref<1x32x256xf32, #tpu.memory_space<hbm>>
        %dma_wait3A_248 = tpu.memref_squeeze %dma_wait3A_247 : memref<1x32x256xf32, #tpu.memory_space<hbm>> -> memref<32x256xf32, #tpu.memory_space<hbm>>
        %dma_wait3A_249 = arith.constant 0 : i32
        %dma_wait3A_250 = tpu.memref_slice %arg4[%select_n3A_226, %dma_wait3A_249, %add3A_245] : memref<50x32x16384xf32, #tpu.memory_space<hbm>> -> memref<1x32x256xf32, #tpu.memory_space<hbm>>
        %dma_wait3A_251 = tpu.memref_squeeze %dma_wait3A_250 : memref<1x32x256xf32, #tpu.memory_space<hbm>> -> memref<32x256xf32, #tpu.memory_space<hbm>>
        tpu.wait_dma2 semaphore(%arg17 : memref<!tpu.dma_semaphore, #tpu.memory_space<semaphore_mem>>) src(%arg13 : memref<32x256xf32, #tpu.memory_space<vmem>>) dst(%dma_wait3A_251 : memref<32x256xf32, #tpu.memory_space<hbm>>)
      } else {
      }
      %parallel_loop3A_149 = arith.constant 0 : i32
      %parallel_loop3A_150 = arith.constant 16 : i32
      %parallel_loop3A_151 = arith.constant 1 : i32
      scf.for %parallel_loop3A_201 = %parallel_loop3A_149 to %parallel_loop3A_150 step %parallel_loop3A_151  : i32 {
        %parallel_loop3A_202 = arith.constant 16 : i32
        %parallel_loop3A_203 = arith.muli %parallel_loop3A_202, %parallel_loop3A_201 : i32
        %parallel_loop3A_204 = vector.broadcast %parallel_loop3A_203 : i32 to vector<16xi32>
        %parallel_loop3A_205 = arith.addi %iota3A, %parallel_loop3A_204 : vector<16xi32>
        %parallel_loop3A_206 = arith.constant 16 : i32
        %parallel_loop3A_207 = arith.muli %parallel_loop3A_206, %parallel_loop3A_201 : i32
        %parallel_loop3A_208 = arith.index_cast %parallel_loop3A_207 : i32 to index
        %parallel_loop3A_209 = tpu.vector_load %arg9[%parallel_loop3A_208] {strides = array<i32>} : memref<256xi32, #tpu.memory_space<vmem>>, vector<16xi32>,
        %parallel_loop3A_210 = arith.constant 0 : i32
        %parallel_loop3A_211 = vector.broadcast %parallel_loop3A_210 : i32 to vector<16xi32>
        %parallel_loop3A_212 = arith.addi %parallel_loop3A_209, %parallel_loop3A_211 : vector<16xi32>
        %parallel_loop3A_213 = tpu.vector_load_idx %arg11[%parallel_loop3A_205, %parallel_loop3A_212] : memref<256x128xf32, #tpu.memory_space<vmem>>[vector<16xi32>, vector<16xi32>], vector<16xf32>,
        %parallel_loop3A_214 = arith.constant 16 : i32
        %parallel_loop3A_215 = arith.muli %parallel_loop3A_214, %parallel_loop3A_201 : i32
        %parallel_loop3A_216 = arith.constant 0 : i32
        %parallel_loop3A_217 = arith.index_cast %parallel_loop3A_216 : i32 to index
        %parallel_loop3A_218 = arith.index_cast %parallel_loop3A_215 : i32 to index
        %parallel_loop3A_219 = tpu.vector_load %arg13[%parallel_loop3A_217, %parallel_loop3A_218] {strides = array<i32>} : memref<32x256xf32, #tpu.memory_space<vmem>>, vector<16xf32>,
        tpu.vector_store %arg13[%parallel_loop3A_217, %parallel_loop3A_218], %parallel_loop3A_213 {strides = array<i32>} : memref<32x256xf32, #tpu.memory_space<vmem>>, vector<16xf32>,
        %parallel_loop3A_220 = arith.constant 1 : i32
        %parallel_loop3A_221 = vector.broadcast %parallel_loop3A_220 : i32 to vector<16xi32>
        %parallel_loop3A_222 = arith.addi %parallel_loop3A_209, %parallel_loop3A_221 : vector<16xi32>
        %parallel_loop3A_223 = tpu.vector_load_idx %arg11[%parallel_loop3A_205, %parallel_loop3A_222] : memref<256x128xf32, #tpu.memory_space<vmem>>[vector<16xi32>, vector<16xi32>], vector<16xf32>,
        %parallel_loop3A_224 = arith.constant 16 : i32
        %parallel_loop3A_225 = arith.muli %parallel_loop3A_224, %parallel_loop3A_201 : i32
        %parallel_loop3A_226 = arith.constant 1 : i32
        %parallel_loop3A_227 = arith.index_cast %parallel_loop3A_226 : i32 to index
        %parallel_loop3A_228 = arith.index_cast %parallel_loop3A_225 : i32 to index
        %parallel_loop3A_229 = tpu.vector_load %arg13[%parallel_loop3A_227, %parallel_loop3A_228] {strides = array<i32>} : memref<32x256xf32, #tpu.memory_space<vmem>>, vector<16xf32>,
        tpu.vector_store %arg13[%parallel_loop3A_227, %parallel_loop3A_228], %parallel_loop3A_223 {strides = array<i32>} : memref<32x256xf32, #tpu.memory_space<vmem>>, vector<16xf32>,
        %parallel_loop3A_230 = arith.constant 2 : i32
        %parallel_loop3A_231 = vector.broadcast %parallel_loop3A_230 : i32 to vector<16xi32>
        %parallel_loop3A_232 = arith.addi %parallel_loop3A_209, %parallel_loop3A_231 : vector<16xi32>
        %parallel_loop3A_233 = tpu.vector_load_idx %arg11[%parallel_loop3A_205, %parallel_loop3A_232] : memref<256x128xf32, #tpu.memory_space<vmem>>[vector<16xi32>, vector<16xi32>], vector<16xf32>,
        %parallel_loop3A_234 = arith.constant 16 : i32
        %parallel_loop3A_235 = arith.muli %parallel_loop3A_234, %parallel_loop3A_201 : i32
        %parallel_loop3A_236 = arith.constant 2 : i32
        %parallel_loop3A_237 = arith.index_cast %parallel_loop3A_236 : i32 to index
        %parallel_loop3A_238 = arith.index_cast %parallel_loop3A_235 : i32 to index
        %parallel_loop3A_239 = tpu.vector_load %arg13[%parallel_loop3A_237, %parallel_loop3A_238] {strides = array<i32>} : memref<32x256xf32, #tpu.memory_space<vmem>>, vector<16xf32>,
        tpu.vector_store %arg13[%parallel_loop3A_237, %parallel_loop3A_238], %parallel_loop3A_233 {strides = array<i32>} : memref<32x256xf32, #tpu.memory_space<vmem>>, vector<16xf32>,
        %parallel_loop3A_240 = arith.constant 3 : i32
        %parallel_loop3A_241 = vector.broadcast %parallel_loop3A_240 : i32 to vector<16xi32>
        %parallel_loop3A_242 = arith.addi %parallel_loop3A_209, %parallel_loop3A_241 : vector<16xi32>
        %parallel_loop3A_243 = tpu.vector_load_idx %arg11[%parallel_loop3A_205, %parallel_loop3A_242] : memref<256x128xf32, #tpu.memory_space<vmem>>[vector<16xi32>, vector<16xi32>], vector<16xf32>,
        %parallel_loop3A_244 = arith.constant 16 : i32
        %parallel_loop3A_245 = arith.muli %parallel_loop3A_244, %parallel_loop3A_201 : i32
        %parallel_loop3A_246 = arith.constant 3 : i32
        %parallel_loop3A_247 = arith.index_cast %parallel_loop3A_246 : i32 to index
        %parallel_loop3A_248 = arith.index_cast %parallel_loop3A_245 : i32 to index
        %parallel_loop3A_249 = tpu.vector_load %arg13[%parallel_loop3A_247, %parallel_loop3A_248] {strides = array<i32>} : memref<32x256xf32, #tpu.memory_space<vmem>>, vector<16xf32>,
        tpu.vector_store %arg13[%parallel_loop3A_247, %parallel_loop3A_248], %parallel_loop3A_243 {strides = array<i32>} : memref<32x256xf32, #tpu.memory_space<vmem>>, vector<16xf32>,
        %parallel_loop3A_250 = arith.constant 4 : i32
        %parallel_loop3A_251 = vector.broadcast %parallel_loop3A_250 : i32 to vector<16xi32>
        %parallel_loop3A_252 = arith.addi %parallel_loop3A_209, %parallel_loop3A_251 : vector<16xi32>
        %parallel_loop3A_253 = tpu.vector_load_idx %arg11[%parallel_loop3A_205, %parallel_loop3A_252] : memref<256x128xf32, #tpu.memory_space<vmem>>[vector<16xi32>, vector<16xi32>], vector<16xf32>,
        %parallel_loop3A_254 = arith.constant 16 : i32
        %parallel_loop3A_255 = arith.muli %parallel_loop3A_254, %parallel_loop3A_201 : i32
        %parallel_loop3A_256 = arith.constant 4 : i32
        %parallel_loop3A_257 = arith.index_cast %parallel_loop3A_256 : i32 to index
        %parallel_loop3A_258 = arith.index_cast %parallel_loop3A_255 : i32 to index
        %parallel_loop3A_259 = tpu.vector_load %arg13[%parallel_loop3A_257, %parallel_loop3A_258] {strides = array<i32>} : memref<32x256xf32, #tpu.memory_space<vmem>>, vector<16xf32>,
        tpu.vector_store %arg13[%parallel_loop3A_257, %parallel_loop3A_258], %parallel_loop3A_253 {strides = array<i32>} : memref<32x256xf32, #tpu.memory_space<vmem>>, vector<16xf32>,
        %parallel_loop3A_260 = arith.constant 5 : i32
        %parallel_loop3A_261 = vector.broadcast %parallel_loop3A_260 : i32 to vector<16xi32>
        %parallel_loop3A_262 = arith.addi %parallel_loop3A_209, %parallel_loop3A_261 : vector<16xi32>
        %parallel_loop3A_263 = tpu.vector_load_idx %arg11[%parallel_loop3A_205, %parallel_loop3A_262] : memref<256x128xf32, #tpu.memory_space<vmem>>[vector<16xi32>, vector<16xi32>], vector<16xf32>,
        %parallel_loop3A_264 = arith.constant 16 : i32
        %parallel_loop3A_265 = arith.muli %parallel_loop3A_264, %parallel_loop3A_201 : i32
        %parallel_loop3A_266 = arith.constant 5 : i32
        %parallel_loop3A_267 = arith.index_cast %parallel_loop3A_266 : i32 to index
        %parallel_loop3A_268 = arith.index_cast %parallel_loop3A_265 : i32 to index
        %parallel_loop3A_269 = tpu.vector_load %arg13[%parallel_loop3A_267, %parallel_loop3A_268] {strides = array<i32>} : memref<32x256xf32, #tpu.memory_space<vmem>>, vector<16xf32>,
        tpu.vector_store %arg13[%parallel_loop3A_267, %parallel_loop3A_268], %parallel_loop3A_263 {strides = array<i32>} : memref<32x256xf32, #tpu.memory_space<vmem>>, vector<16xf32>,
        %parallel_loop3A_270 = arith.constant 6 : i32
        %parallel_loop3A_271 = vector.broadcast %parallel_loop3A_270 : i32 to vector<16xi32>
        %parallel_loop3A_272 = arith.addi %parallel_loop3A_209, %parallel_loop3A_271 : vector<16xi32>
        %parallel_loop3A_273 = tpu.vector_load_idx %arg11[%parallel_loop3A_205, %parallel_loop3A_272] : memref<256x128xf32, #tpu.memory_space<vmem>>[vector<16xi32>, vector<16xi32>], vector<16xf32>,
        %parallel_loop3A_274 = arith.constant 16 : i32
        %parallel_loop3A_275 = arith.muli %parallel_loop3A_274, %parallel_loop3A_201 : i32
        %parallel_loop3A_276 = arith.constant 6 : i32
        %parallel_loop3A_277 = arith.index_cast %parallel_loop3A_276 : i32 to index
        %parallel_loop3A_278 = arith.index_cast %parallel_loop3A_275 : i32 to index
        %parallel_loop3A_279 = tpu.vector_load %arg13[%parallel_loop3A_277, %parallel_loop3A_278] {strides = array<i32>} : memref<32x256xf32, #tpu.memory_space<vmem>>, vector<16xf32>,
        tpu.vector_store %arg13[%parallel_loop3A_277, %parallel_loop3A_278], %parallel_loop3A_273 {strides = array<i32>} : memref<32x256xf32, #tpu.memory_space<vmem>>, vector<16xf32>,
        %parallel_loop3A_280 = arith.constant 7 : i32
        %parallel_loop3A_281 = vector.broadcast %parallel_loop3A_280 : i32 to vector<16xi32>
        %parallel_loop3A_282 = arith.addi %parallel_loop3A_209, %parallel_loop3A_281 : vector<16xi32>
        %parallel_loop3A_283 = tpu.vector_load_idx %arg11[%parallel_loop3A_205, %parallel_loop3A_282] : memref<256x128xf32, #tpu.memory_space<vmem>>[vector<16xi32>, vector<16xi32>], vector<16xf32>,
        %parallel_loop3A_284 = arith.constant 16 : i32
        %parallel_loop3A_285 = arith.muli %parallel_loop3A_284, %parallel_loop3A_201 : i32
        %parallel_loop3A_286 = arith.constant 7 : i32
        %parallel_loop3A_287 = arith.index_cast %parallel_loop3A_286 : i32 to index
        %parallel_loop3A_288 = arith.index_cast %parallel_loop3A_285 : i32 to index
        %parallel_loop3A_289 = tpu.vector_load %arg13[%parallel_loop3A_287, %parallel_loop3A_288] {strides = array<i32>} : memref<32x256xf32, #tpu.memory_space<vmem>>, vector<16xf32>,
        tpu.vector_store %arg13[%parallel_loop3A_287, %parallel_loop3A_288], %parallel_loop3A_283 {strides = array<i32>} : memref<32x256xf32, #tpu.memory_space<vmem>>, vector<16xf32>,
        %parallel_loop3A_290 = arith.constant 8 : i32
        %parallel_loop3A_291 = vector.broadcast %parallel_loop3A_290 : i32 to vector<16xi32>
        %parallel_loop3A_292 = arith.addi %parallel_loop3A_209, %parallel_loop3A_291 : vector<16xi32>
        %parallel_loop3A_293 = tpu.vector_load_idx %arg11[%parallel_loop3A_205, %parallel_loop3A_292] : memref<256x128xf32, #tpu.memory_space<vmem>>[vector<16xi32>, vector<16xi32>], vector<16xf32>,
        %parallel_loop3A_294 = arith.constant 16 : i32
        %parallel_loop3A_295 = arith.muli %parallel_loop3A_294, %parallel_loop3A_201 : i32
        %parallel_loop3A_296 = arith.constant 8 : i32
        %parallel_loop3A_297 = arith.index_cast %parallel_loop3A_296 : i32 to index
        %parallel_loop3A_298 = arith.index_cast %parallel_loop3A_295 : i32 to index
        %parallel_loop3A_299 = tpu.vector_load %arg13[%parallel_loop3A_297, %parallel_loop3A_298] {strides = array<i32>} : memref<32x256xf32, #tpu.memory_space<vmem>>, vector<16xf32>,
        tpu.vector_store %arg13[%parallel_loop3A_297, %parallel_loop3A_298], %parallel_loop3A_293 {strides = array<i32>} : memref<32x256xf32, #tpu.memory_space<vmem>>, vector<16xf32>,
        %parallel_loop3A_300 = arith.constant 9 : i32
        %parallel_loop3A_301 = vector.broadcast %parallel_loop3A_300 : i32 to vector<16xi32>
        %parallel_loop3A_302 = arith.addi %parallel_loop3A_209, %parallel_loop3A_301 : vector<16xi32>
        %parallel_loop3A_303 = tpu.vector_load_idx %arg11[%parallel_loop3A_205, %parallel_loop3A_302] : memref<256x128xf32, #tpu.memory_space<vmem>>[vector<16xi32>, vector<16xi32>], vector<16xf32>,
        %parallel_loop3A_304 = arith.constant 16 : i32
        %parallel_loop3A_305 = arith.muli %parallel_loop3A_304, %parallel_loop3A_201 : i32
        %parallel_loop3A_306 = arith.constant 9 : i32
        %parallel_loop3A_307 = arith.index_cast %parallel_loop3A_306 : i32 to index
        %parallel_loop3A_308 = arith.index_cast %parallel_loop3A_305 : i32 to index
        %parallel_loop3A_309 = tpu.vector_load %arg13[%parallel_loop3A_307, %parallel_loop3A_308] {strides = array<i32>} : memref<32x256xf32, #tpu.memory_space<vmem>>, vector<16xf32>,
        tpu.vector_store %arg13[%parallel_loop3A_307, %parallel_loop3A_308], %parallel_loop3A_303 {strides = array<i32>} : memref<32x256xf32, #tpu.memory_space<vmem>>, vector<16xf32>,
        %parallel_loop3A_310 = arith.constant 10 : i32
        %parallel_loop3A_311 = vector.broadcast %parallel_loop3A_310 : i32 to vector<16xi32>
        %parallel_loop3A_312 = arith.addi %parallel_loop3A_209, %parallel_loop3A_311 : vector<16xi32>
        %parallel_loop3A_313 = tpu.vector_load_idx %arg11[%parallel_loop3A_205, %parallel_loop3A_312] : memref<256x128xf32, #tpu.memory_space<vmem>>[vector<16xi32>, vector<16xi32>], vector<16xf32>,
        %parallel_loop3A_314 = arith.constant 16 : i32
        %parallel_loop3A_315 = arith.muli %parallel_loop3A_314, %parallel_loop3A_201 : i32
        %parallel_loop3A_316 = arith.constant 10 : i32
        %parallel_loop3A_317 = arith.index_cast %parallel_loop3A_316 : i32 to index
        %parallel_loop3A_318 = arith.index_cast %parallel_loop3A_315 : i32 to index
        %parallel_loop3A_319 = tpu.vector_load %arg13[%parallel_loop3A_317, %parallel_loop3A_318] {strides = array<i32>} : memref<32x256xf32, #tpu.memory_space<vmem>>, vector<16xf32>,
        tpu.vector_store %arg13[%parallel_loop3A_317, %parallel_loop3A_318], %parallel_loop3A_313 {strides = array<i32>} : memref<32x256xf32, #tpu.memory_space<vmem>>, vector<16xf32>,
        %parallel_loop3A_320 = arith.constant 11 : i32
        %parallel_loop3A_321 = vector.broadcast %parallel_loop3A_320 : i32 to vector<16xi32>
        %parallel_loop3A_322 = arith.addi %parallel_loop3A_209, %parallel_loop3A_321 : vector<16xi32>
        %parallel_loop3A_323 = tpu.vector_load_idx %arg11[%parallel_loop3A_205, %parallel_loop3A_322] : memref<256x128xf32, #tpu.memory_space<vmem>>[vector<16xi32>, vector<16xi32>], vector<16xf32>,
        %parallel_loop3A_324 = arith.constant 16 : i32
        %parallel_loop3A_325 = arith.muli %parallel_loop3A_324, %parallel_loop3A_201 : i32
        %parallel_loop3A_326 = arith.constant 11 : i32
        %parallel_loop3A_327 = arith.index_cast %parallel_loop3A_326 : i32 to index
        %parallel_loop3A_328 = arith.index_cast %parallel_loop3A_325 : i32 to index
        %parallel_loop3A_329 = tpu.vector_load %arg13[%parallel_loop3A_327, %parallel_loop3A_328] {strides = array<i32>} : memref<32x256xf32, #tpu.memory_space<vmem>>, vector<16xf32>,
        tpu.vector_store %arg13[%parallel_loop3A_327, %parallel_loop3A_328], %parallel_loop3A_323 {strides = array<i32>} : memref<32x256xf32, #tpu.memory_space<vmem>>, vector<16xf32>,
        %parallel_loop3A_330 = arith.constant 12 : i32
        %parallel_loop3A_331 = vector.broadcast %parallel_loop3A_330 : i32 to vector<16xi32>
        %parallel_loop3A_332 = arith.addi %parallel_loop3A_209, %parallel_loop3A_331 : vector<16xi32>
        %parallel_loop3A_333 = tpu.vector_load_idx %arg11[%parallel_loop3A_205, %parallel_loop3A_332] : memref<256x128xf32, #tpu.memory_space<vmem>>[vector<16xi32>, vector<16xi32>], vector<16xf32>,
        %parallel_loop3A_334 = arith.constant 16 : i32
        %parallel_loop3A_335 = arith.muli %parallel_loop3A_334, %parallel_loop3A_201 : i32
        %parallel_loop3A_336 = arith.constant 12 : i32
        %parallel_loop3A_337 = arith.index_cast %parallel_loop3A_336 : i32 to index
        %parallel_loop3A_338 = arith.index_cast %parallel_loop3A_335 : i32 to index
        %parallel_loop3A_339 = tpu.vector_load %arg13[%parallel_loop3A_337, %parallel_loop3A_338] {strides = array<i32>} : memref<32x256xf32, #tpu.memory_space<vmem>>, vector<16xf32>,
        tpu.vector_store %arg13[%parallel_loop3A_337, %parallel_loop3A_338], %parallel_loop3A_333 {strides = array<i32>} : memref<32x256xf32, #tpu.memory_space<vmem>>, vector<16xf32>,
        %parallel_loop3A_340 = arith.constant 13 : i32
        %parallel_loop3A_341 = vector.broadcast %parallel_loop3A_340 : i32 to vector<16xi32>
        %parallel_loop3A_342 = arith.addi %parallel_loop3A_209, %parallel_loop3A_341 : vector<16xi32>
        %parallel_loop3A_343 = tpu.vector_load_idx %arg11[%parallel_loop3A_205, %parallel_loop3A_342] : memref<256x128xf32, #tpu.memory_space<vmem>>[vector<16xi32>, vector<16xi32>], vector<16xf32>,
        %parallel_loop3A_344 = arith.constant 16 : i32
        %parallel_loop3A_345 = arith.muli %parallel_loop3A_344, %parallel_loop3A_201 : i32
        %parallel_loop3A_346 = arith.constant 13 : i32
        %parallel_loop3A_347 = arith.index_cast %parallel_loop3A_346 : i32 to index
        %parallel_loop3A_348 = arith.index_cast %parallel_loop3A_345 : i32 to index
        %parallel_loop3A_349 = tpu.vector_load %arg13[%parallel_loop3A_347, %parallel_loop3A_348] {strides = array<i32>} : memref<32x256xf32, #tpu.memory_space<vmem>>, vector<16xf32>,
        tpu.vector_store %arg13[%parallel_loop3A_347, %parallel_loop3A_348], %parallel_loop3A_343 {strides = array<i32>} : memref<32x256xf32, #tpu.memory_space<vmem>>, vector<16xf32>,
        %parallel_loop3A_350 = arith.constant 14 : i32
        %parallel_loop3A_351 = vector.broadcast %parallel_loop3A_350 : i32 to vector<16xi32>
        %parallel_loop3A_352 = arith.addi %parallel_loop3A_209, %parallel_loop3A_351 : vector<16xi32>
        %parallel_loop3A_353 = tpu.vector_load_idx %arg11[%parallel_loop3A_205, %parallel_loop3A_352] : memref<256x128xf32, #tpu.memory_space<vmem>>[vector<16xi32>, vector<16xi32>], vector<16xf32>,
        %parallel_loop3A_354 = arith.constant 16 : i32
        %parallel_loop3A_355 = arith.muli %parallel_loop3A_354, %parallel_loop3A_201 : i32
        %parallel_loop3A_356 = arith.constant 14 : i32
        %parallel_loop3A_357 = arith.index_cast %parallel_loop3A_356 : i32 to index
        %parallel_loop3A_358 = arith.index_cast %parallel_loop3A_355 : i32 to index
        %parallel_loop3A_359 = tpu.vector_load %arg13[%parallel_loop3A_357, %parallel_loop3A_358] {strides = array<i32>} : memref<32x256xf32, #tpu.memory_space<vmem>>, vector<16xf32>,
        tpu.vector_store %arg13[%parallel_loop3A_357, %parallel_loop3A_358], %parallel_loop3A_353 {strides = array<i32>} : memref<32x256xf32, #tpu.memory_space<vmem>>, vector<16xf32>,
        %parallel_loop3A_360 = arith.constant 15 : i32
        %parallel_loop3A_361 = vector.broadcast %parallel_loop3A_360 : i32 to vector<16xi32>
        %parallel_loop3A_362 = arith.addi %parallel_loop3A_209, %parallel_loop3A_361 : vector<16xi32>
        %parallel_loop3A_363 = tpu.vector_load_idx %arg11[%parallel_loop3A_205, %parallel_loop3A_362] : memref<256x128xf32, #tpu.memory_space<vmem>>[vector<16xi32>, vector<16xi32>], vector<16xf32>,
        %parallel_loop3A_364 = arith.constant 16 : i32
        %parallel_loop3A_365 = arith.muli %parallel_loop3A_364, %parallel_loop3A_201 : i32
        %parallel_loop3A_366 = arith.constant 15 : i32
        %parallel_loop3A_367 = arith.index_cast %parallel_loop3A_366 : i32 to index
        %parallel_loop3A_368 = arith.index_cast %parallel_loop3A_365 : i32 to index
        %parallel_loop3A_369 = tpu.vector_load %arg13[%parallel_loop3A_367, %parallel_loop3A_368] {strides = array<i32>} : memref<32x256xf32, #tpu.memory_space<vmem>>, vector<16xf32>,
        tpu.vector_store %arg13[%parallel_loop3A_367, %parallel_loop3A_368], %parallel_loop3A_363 {strides = array<i32>} : memref<32x256xf32, #tpu.memory_space<vmem>>, vector<16xf32>,
        %parallel_loop3A_370 = arith.constant 16 : i32
        %parallel_loop3A_371 = vector.broadcast %parallel_loop3A_370 : i32 to vector<16xi32>
        %parallel_loop3A_372 = arith.addi %parallel_loop3A_209, %parallel_loop3A_371 : vector<16xi32>
        %parallel_loop3A_373 = tpu.vector_load_idx %arg11[%parallel_loop3A_205, %parallel_loop3A_372] : memref<256x128xf32, #tpu.memory_space<vmem>>[vector<16xi32>, vector<16xi32>], vector<16xf32>,
        %parallel_loop3A_374 = arith.constant 16 : i32
        %parallel_loop3A_375 = arith.muli %parallel_loop3A_374, %parallel_loop3A_201 : i32
        %parallel_loop3A_376 = arith.constant 16 : i32
        %parallel_loop3A_377 = arith.index_cast %parallel_loop3A_376 : i32 to index
        %parallel_loop3A_378 = arith.index_cast %parallel_loop3A_375 : i32 to index
        %parallel_loop3A_379 = tpu.vector_load %arg13[%parallel_loop3A_377, %parallel_loop3A_378] {strides = array<i32>} : memref<32x256xf32, #tpu.memory_space<vmem>>, vector<16xf32>,
        tpu.vector_store %arg13[%parallel_loop3A_377, %parallel_loop3A_378], %parallel_loop3A_373 {strides = array<i32>} : memref<32x256xf32, #tpu.memory_space<vmem>>, vector<16xf32>,
        %parallel_loop3A_380 = arith.constant 17 : i32
        %parallel_loop3A_381 = vector.broadcast %parallel_loop3A_380 : i32 to vector<16xi32>
        %parallel_loop3A_382 = arith.addi %parallel_loop3A_209, %parallel_loop3A_381 : vector<16xi32>
        %parallel_loop3A_383 = tpu.vector_load_idx %arg11[%parallel_loop3A_205, %parallel_loop3A_382] : memref<256x128xf32, #tpu.memory_space<vmem>>[vector<16xi32>, vector<16xi32>], vector<16xf32>,
        %parallel_loop3A_384 = arith.constant 16 : i32
        %parallel_loop3A_385 = arith.muli %parallel_loop3A_384, %parallel_loop3A_201 : i32
        %parallel_loop3A_386 = arith.constant 17 : i32
        %parallel_loop3A_387 = arith.index_cast %parallel_loop3A_386 : i32 to index
        %parallel_loop3A_388 = arith.index_cast %parallel_loop3A_385 : i32 to index
        %parallel_loop3A_389 = tpu.vector_load %arg13[%parallel_loop3A_387, %parallel_loop3A_388] {strides = array<i32>} : memref<32x256xf32, #tpu.memory_space<vmem>>, vector<16xf32>,
        tpu.vector_store %arg13[%parallel_loop3A_387, %parallel_loop3A_388], %parallel_loop3A_383 {strides = array<i32>} : memref<32x256xf32, #tpu.memory_space<vmem>>, vector<16xf32>,
        %parallel_loop3A_390 = arith.constant 18 : i32
        %parallel_loop3A_391 = vector.broadcast %parallel_loop3A_390 : i32 to vector<16xi32>
        %parallel_loop3A_392 = arith.addi %parallel_loop3A_209, %parallel_loop3A_391 : vector<16xi32>
        %parallel_loop3A_393 = tpu.vector_load_idx %arg11[%parallel_loop3A_205, %parallel_loop3A_392] : memref<256x128xf32, #tpu.memory_space<vmem>>[vector<16xi32>, vector<16xi32>], vector<16xf32>,
        %parallel_loop3A_394 = arith.constant 16 : i32
        %parallel_loop3A_395 = arith.muli %parallel_loop3A_394, %parallel_loop3A_201 : i32
        %parallel_loop3A_396 = arith.constant 18 : i32
        %parallel_loop3A_397 = arith.index_cast %parallel_loop3A_396 : i32 to index
        %parallel_loop3A_398 = arith.index_cast %parallel_loop3A_395 : i32 to index
        %parallel_loop3A_399 = tpu.vector_load %arg13[%parallel_loop3A_397, %parallel_loop3A_398] {strides = array<i32>} : memref<32x256xf32, #tpu.memory_space<vmem>>, vector<16xf32>,
        tpu.vector_store %arg13[%parallel_loop3A_397, %parallel_loop3A_398], %parallel_loop3A_393 {strides = array<i32>} : memref<32x256xf32, #tpu.memory_space<vmem>>, vector<16xf32>,
        %parallel_loop3A_400 = arith.constant 19 : i32
        %parallel_loop3A_401 = vector.broadcast %parallel_loop3A_400 : i32 to vector<16xi32>
        %parallel_loop3A_402 = arith.addi %parallel_loop3A_209, %parallel_loop3A_401 : vector<16xi32>
        %parallel_loop3A_403 = tpu.vector_load_idx %arg11[%parallel_loop3A_205, %parallel_loop3A_402] : memref<256x128xf32, #tpu.memory_space<vmem>>[vector<16xi32>, vector<16xi32>], vector<16xf32>,
        %parallel_loop3A_404 = arith.constant 16 : i32
        %parallel_loop3A_405 = arith.muli %parallel_loop3A_404, %parallel_loop3A_201 : i32
        %parallel_loop3A_406 = arith.constant 19 : i32
        %parallel_loop3A_407 = arith.index_cast %parallel_loop3A_406 : i32 to index
        %parallel_loop3A_408 = arith.index_cast %parallel_loop3A_405 : i32 to index
        %parallel_loop3A_409 = tpu.vector_load %arg13[%parallel_loop3A_407, %parallel_loop3A_408] {strides = array<i32>} : memref<32x256xf32, #tpu.memory_space<vmem>>, vector<16xf32>,
        tpu.vector_store %arg13[%parallel_loop3A_407, %parallel_loop3A_408], %parallel_loop3A_403 {strides = array<i32>} : memref<32x256xf32, #tpu.memory_space<vmem>>, vector<16xf32>,
        %parallel_loop3A_410 = arith.constant 20 : i32
        %parallel_loop3A_411 = vector.broadcast %parallel_loop3A_410 : i32 to vector<16xi32>
        %parallel_loop3A_412 = arith.addi %parallel_loop3A_209, %parallel_loop3A_411 : vector<16xi32>
        %parallel_loop3A_413 = tpu.vector_load_idx %arg11[%parallel_loop3A_205, %parallel_loop3A_412] : memref<256x128xf32, #tpu.memory_space<vmem>>[vector<16xi32>, vector<16xi32>], vector<16xf32>,
        %parallel_loop3A_414 = arith.constant 16 : i32
        %parallel_loop3A_415 = arith.muli %parallel_loop3A_414, %parallel_loop3A_201 : i32
        %parallel_loop3A_416 = arith.constant 20 : i32
        %parallel_loop3A_417 = arith.index_cast %parallel_loop3A_416 : i32 to index
        %parallel_loop3A_418 = arith.index_cast %parallel_loop3A_415 : i32 to index
        %parallel_loop3A_419 = tpu.vector_load %arg13[%parallel_loop3A_417, %parallel_loop3A_418] {strides = array<i32>} : memref<32x256xf32, #tpu.memory_space<vmem>>, vector<16xf32>,
        tpu.vector_store %arg13[%parallel_loop3A_417, %parallel_loop3A_418], %parallel_loop3A_413 {strides = array<i32>} : memref<32x256xf32, #tpu.memory_space<vmem>>, vector<16xf32>,
        %parallel_loop3A_420 = arith.constant 21 : i32
        %parallel_loop3A_421 = vector.broadcast %parallel_loop3A_420 : i32 to vector<16xi32>
        %parallel_loop3A_422 = arith.addi %parallel_loop3A_209, %parallel_loop3A_421 : vector<16xi32>
        %parallel_loop3A_423 = tpu.vector_load_idx %arg11[%parallel_loop3A_205, %parallel_loop3A_422] : memref<256x128xf32, #tpu.memory_space<vmem>>[vector<16xi32>, vector<16xi32>], vector<16xf32>,
        %parallel_loop3A_424 = arith.constant 16 : i32
        %parallel_loop3A_425 = arith.muli %parallel_loop3A_424, %parallel_loop3A_201 : i32
        %parallel_loop3A_426 = arith.constant 21 : i32
        %parallel_loop3A_427 = arith.index_cast %parallel_loop3A_426 : i32 to index
        %parallel_loop3A_428 = arith.index_cast %parallel_loop3A_425 : i32 to index
        %parallel_loop3A_429 = tpu.vector_load %arg13[%parallel_loop3A_427, %parallel_loop3A_428] {strides = array<i32>} : memref<32x256xf32, #tpu.memory_space<vmem>>, vector<16xf32>,
        tpu.vector_store %arg13[%parallel_loop3A_427, %parallel_loop3A_428], %parallel_loop3A_423 {strides = array<i32>} : memref<32x256xf32, #tpu.memory_space<vmem>>, vector<16xf32>,
        %parallel_loop3A_430 = arith.constant 22 : i32
        %parallel_loop3A_431 = vector.broadcast %parallel_loop3A_430 : i32 to vector<16xi32>
        %parallel_loop3A_432 = arith.addi %parallel_loop3A_209, %parallel_loop3A_431 : vector<16xi32>
        %parallel_loop3A_433 = tpu.vector_load_idx %arg11[%parallel_loop3A_205, %parallel_loop3A_432] : memref<256x128xf32, #tpu.memory_space<vmem>>[vector<16xi32>, vector<16xi32>], vector<16xf32>,
        %parallel_loop3A_434 = arith.constant 16 : i32
        %parallel_loop3A_435 = arith.muli %parallel_loop3A_434, %parallel_loop3A_201 : i32
        %parallel_loop3A_436 = arith.constant 22 : i32
        %parallel_loop3A_437 = arith.index_cast %parallel_loop3A_436 : i32 to index
        %parallel_loop3A_438 = arith.index_cast %parallel_loop3A_435 : i32 to index
        %parallel_loop3A_439 = tpu.vector_load %arg13[%parallel_loop3A_437, %parallel_loop3A_438] {strides = array<i32>} : memref<32x256xf32, #tpu.memory_space<vmem>>, vector<16xf32>,
        tpu.vector_store %arg13[%parallel_loop3A_437, %parallel_loop3A_438], %parallel_loop3A_433 {strides = array<i32>} : memref<32x256xf32, #tpu.memory_space<vmem>>, vector<16xf32>,
        %parallel_loop3A_440 = arith.constant 23 : i32
        %parallel_loop3A_441 = vector.broadcast %parallel_loop3A_440 : i32 to vector<16xi32>
        %parallel_loop3A_442 = arith.addi %parallel_loop3A_209, %parallel_loop3A_441 : vector<16xi32>
        %parallel_loop3A_443 = tpu.vector_load_idx %arg11[%parallel_loop3A_205, %parallel_loop3A_442] : memref<256x128xf32, #tpu.memory_space<vmem>>[vector<16xi32>, vector<16xi32>], vector<16xf32>,
        %parallel_loop3A_444 = arith.constant 16 : i32
        %parallel_loop3A_445 = arith.muli %parallel_loop3A_444, %parallel_loop3A_201 : i32
        %parallel_loop3A_446 = arith.constant 23 : i32
        %parallel_loop3A_447 = arith.index_cast %parallel_loop3A_446 : i32 to index
        %parallel_loop3A_448 = arith.index_cast %parallel_loop3A_445 : i32 to index
        %parallel_loop3A_449 = tpu.vector_load %arg13[%parallel_loop3A_447, %parallel_loop3A_448] {strides = array<i32>} : memref<32x256xf32, #tpu.memory_space<vmem>>, vector<16xf32>,
        tpu.vector_store %arg13[%parallel_loop3A_447, %parallel_loop3A_448], %parallel_loop3A_443 {strides = array<i32>} : memref<32x256xf32, #tpu.memory_space<vmem>>, vector<16xf32>,
        %parallel_loop3A_450 = arith.constant 24 : i32
        %parallel_loop3A_451 = vector.broadcast %parallel_loop3A_450 : i32 to vector<16xi32>
        %parallel_loop3A_452 = arith.addi %parallel_loop3A_209, %parallel_loop3A_451 : vector<16xi32>
        %parallel_loop3A_453 = tpu.vector_load_idx %arg11[%parallel_loop3A_205, %parallel_loop3A_452] : memref<256x128xf32, #tpu.memory_space<vmem>>[vector<16xi32>, vector<16xi32>], vector<16xf32>,
        %parallel_loop3A_454 = arith.constant 16 : i32
        %parallel_loop3A_455 = arith.muli %parallel_loop3A_454, %parallel_loop3A_201 : i32
        %parallel_loop3A_456 = arith.constant 24 : i32
        %parallel_loop3A_457 = arith.index_cast %parallel_loop3A_456 : i32 to index
        %parallel_loop3A_458 = arith.index_cast %parallel_loop3A_455 : i32 to index
        %parallel_loop3A_459 = tpu.vector_load %arg13[%parallel_loop3A_457, %parallel_loop3A_458] {strides = array<i32>} : memref<32x256xf32, #tpu.memory_space<vmem>>, vector<16xf32>,
        tpu.vector_store %arg13[%parallel_loop3A_457, %parallel_loop3A_458], %parallel_loop3A_453 {strides = array<i32>} : memref<32x256xf32, #tpu.memory_space<vmem>>, vector<16xf32>,
        %parallel_loop3A_460 = arith.constant 25 : i32
        %parallel_loop3A_461 = vector.broadcast %parallel_loop3A_460 : i32 to vector<16xi32>
        %parallel_loop3A_462 = arith.addi %parallel_loop3A_209, %parallel_loop3A_461 : vector<16xi32>
        %parallel_loop3A_463 = tpu.vector_load_idx %arg11[%parallel_loop3A_205, %parallel_loop3A_462] : memref<256x128xf32, #tpu.memory_space<vmem>>[vector<16xi32>, vector<16xi32>], vector<16xf32>,
        %parallel_loop3A_464 = arith.constant 16 : i32
        %parallel_loop3A_465 = arith.muli %parallel_loop3A_464, %parallel_loop3A_201 : i32
        %parallel_loop3A_466 = arith.constant 25 : i32
        %parallel_loop3A_467 = arith.index_cast %parallel_loop3A_466 : i32 to index
        %parallel_loop3A_468 = arith.index_cast %parallel_loop3A_465 : i32 to index
        %parallel_loop3A_469 = tpu.vector_load %arg13[%parallel_loop3A_467, %parallel_loop3A_468] {strides = array<i32>} : memref<32x256xf32, #tpu.memory_space<vmem>>, vector<16xf32>,
        tpu.vector_store %arg13[%parallel_loop3A_467, %parallel_loop3A_468], %parallel_loop3A_463 {strides = array<i32>} : memref<32x256xf32, #tpu.memory_space<vmem>>, vector<16xf32>,
        %parallel_loop3A_470 = arith.constant 26 : i32
        %parallel_loop3A_471 = vector.broadcast %parallel_loop3A_470 : i32 to vector<16xi32>
        %parallel_loop3A_472 = arith.addi %parallel_loop3A_209, %parallel_loop3A_471 : vector<16xi32>
        %parallel_loop3A_473 = tpu.vector_load_idx %arg11[%parallel_loop3A_205, %parallel_loop3A_472] : memref<256x128xf32, #tpu.memory_space<vmem>>[vector<16xi32>, vector<16xi32>], vector<16xf32>,
        %parallel_loop3A_474 = arith.constant 16 : i32
        %parallel_loop3A_475 = arith.muli %parallel_loop3A_474, %parallel_loop3A_201 : i32
        %parallel_loop3A_476 = arith.constant 26 : i32
        %parallel_loop3A_477 = arith.index_cast %parallel_loop3A_476 : i32 to index
        %parallel_loop3A_478 = arith.index_cast %parallel_loop3A_475 : i32 to index
        %parallel_loop3A_479 = tpu.vector_load %arg13[%parallel_loop3A_477, %parallel_loop3A_478] {strides = array<i32>} : memref<32x256xf32, #tpu.memory_space<vmem>>, vector<16xf32>,
        tpu.vector_store %arg13[%parallel_loop3A_477, %parallel_loop3A_478], %parallel_loop3A_473 {strides = array<i32>} : memref<32x256xf32, #tpu.memory_space<vmem>>, vector<16xf32>,
        %parallel_loop3A_480 = arith.constant 27 : i32
        %parallel_loop3A_481 = vector.broadcast %parallel_loop3A_480 : i32 to vector<16xi32>
        %parallel_loop3A_482 = arith.addi %parallel_loop3A_209, %parallel_loop3A_481 : vector<16xi32>
        %parallel_loop3A_483 = tpu.vector_load_idx %arg11[%parallel_loop3A_205, %parallel_loop3A_482] : memref<256x128xf32, #tpu.memory_space<vmem>>[vector<16xi32>, vector<16xi32>], vector<16xf32>,
        %parallel_loop3A_484 = arith.constant 16 : i32
        %parallel_loop3A_485 = arith.muli %parallel_loop3A_484, %parallel_loop3A_201 : i32
        %parallel_loop3A_486 = arith.constant 27 : i32
        %parallel_loop3A_487 = arith.index_cast %parallel_loop3A_486 : i32 to index
        %parallel_loop3A_488 = arith.index_cast %parallel_loop3A_485 : i32 to index
        %parallel_loop3A_489 = tpu.vector_load %arg13[%parallel_loop3A_487, %parallel_loop3A_488] {strides = array<i32>} : memref<32x256xf32, #tpu.memory_space<vmem>>, vector<16xf32>,
        tpu.vector_store %arg13[%parallel_loop3A_487, %parallel_loop3A_488], %parallel_loop3A_483 {strides = array<i32>} : memref<32x256xf32, #tpu.memory_space<vmem>>, vector<16xf32>,
        %parallel_loop3A_490 = arith.constant 28 : i32
        %parallel_loop3A_491 = vector.broadcast %parallel_loop3A_490 : i32 to vector<16xi32>
        %parallel_loop3A_492 = arith.addi %parallel_loop3A_209, %parallel_loop3A_491 : vector<16xi32>
        %parallel_loop3A_493 = tpu.vector_load_idx %arg11[%parallel_loop3A_205, %parallel_loop3A_492] : memref<256x128xf32, #tpu.memory_space<vmem>>[vector<16xi32>, vector<16xi32>], vector<16xf32>,
        %parallel_loop3A_494 = arith.constant 16 : i32
        %parallel_loop3A_495 = arith.muli %parallel_loop3A_494, %parallel_loop3A_201 : i32
        %parallel_loop3A_496 = arith.constant 28 : i32
        %parallel_loop3A_497 = arith.index_cast %parallel_loop3A_496 : i32 to index
        %parallel_loop3A_498 = arith.index_cast %parallel_loop3A_495 : i32 to index
        %parallel_loop3A_499 = tpu.vector_load %arg13[%parallel_loop3A_497, %parallel_loop3A_498] {strides = array<i32>} : memref<32x256xf32, #tpu.memory_space<vmem>>, vector<16xf32>,
        tpu.vector_store %arg13[%parallel_loop3A_497, %parallel_loop3A_498], %parallel_loop3A_493 {strides = array<i32>} : memref<32x256xf32, #tpu.memory_space<vmem>>, vector<16xf32>,
        %parallel_loop3A_500 = arith.constant 29 : i32
        %parallel_loop3A_501 = vector.broadcast %parallel_loop3A_500 : i32 to vector<16xi32>
        %parallel_loop3A_502 = arith.addi %parallel_loop3A_209, %parallel_loop3A_501 : vector<16xi32>
        %parallel_loop3A_503 = tpu.vector_load_idx %arg11[%parallel_loop3A_205, %parallel_loop3A_502] : memref<256x128xf32, #tpu.memory_space<vmem>>[vector<16xi32>, vector<16xi32>], vector<16xf32>,
        %parallel_loop3A_504 = arith.constant 16 : i32
        %parallel_loop3A_505 = arith.muli %parallel_loop3A_504, %parallel_loop3A_201 : i32
        %parallel_loop3A_506 = arith.constant 29 : i32
        %parallel_loop3A_507 = arith.index_cast %parallel_loop3A_506 : i32 to index
        %parallel_loop3A_508 = arith.index_cast %parallel_loop3A_505 : i32 to index
        %parallel_loop3A_509 = tpu.vector_load %arg13[%parallel_loop3A_507, %parallel_loop3A_508] {strides = array<i32>} : memref<32x256xf32, #tpu.memory_space<vmem>>, vector<16xf32>,
        tpu.vector_store %arg13[%parallel_loop3A_507, %parallel_loop3A_508], %parallel_loop3A_503 {strides = array<i32>} : memref<32x256xf32, #tpu.memory_space<vmem>>, vector<16xf32>,
        %parallel_loop3A_510 = arith.constant 30 : i32
        %parallel_loop3A_511 = vector.broadcast %parallel_loop3A_510 : i32 to vector<16xi32>
        %parallel_loop3A_512 = arith.addi %parallel_loop3A_209, %parallel_loop3A_511 : vector<16xi32>
        %parallel_loop3A_513 = tpu.vector_load_idx %arg11[%parallel_loop3A_205, %parallel_loop3A_512] : memref<256x128xf32, #tpu.memory_space<vmem>>[vector<16xi32>, vector<16xi32>], vector<16xf32>,
        %parallel_loop3A_514 = arith.constant 16 : i32
        %parallel_loop3A_515 = arith.muli %parallel_loop3A_514, %parallel_loop3A_201 : i32
        %parallel_loop3A_516 = arith.constant 30 : i32
        %parallel_loop3A_517 = arith.index_cast %parallel_loop3A_516 : i32 to index
        %parallel_loop3A_518 = arith.index_cast %parallel_loop3A_515 : i32 to index
        %parallel_loop3A_519 = tpu.vector_load %arg13[%parallel_loop3A_517, %parallel_loop3A_518] {strides = array<i32>} : memref<32x256xf32, #tpu.memory_space<vmem>>, vector<16xf32>,
        tpu.vector_store %arg13[%parallel_loop3A_517, %parallel_loop3A_518], %parallel_loop3A_513 {strides = array<i32>} : memref<32x256xf32, #tpu.memory_space<vmem>>, vector<16xf32>,
        %parallel_loop3A_520 = arith.constant 31 : i32
        %parallel_loop3A_521 = vector.broadcast %parallel_loop3A_520 : i32 to vector<16xi32>
        %parallel_loop3A_522 = arith.addi %parallel_loop3A_209, %parallel_loop3A_521 : vector<16xi32>
        %parallel_loop3A_523 = tpu.vector_load_idx %arg11[%parallel_loop3A_205, %parallel_loop3A_522] : memref<256x128xf32, #tpu.memory_space<vmem>>[vector<16xi32>, vector<16xi32>], vector<16xf32>,
        %parallel_loop3A_524 = arith.constant 16 : i32
        %parallel_loop3A_525 = arith.muli %parallel_loop3A_524, %parallel_loop3A_201 : i32
        %parallel_loop3A_526 = arith.constant 31 : i32
        %parallel_loop3A_527 = arith.index_cast %parallel_loop3A_526 : i32 to index
        %parallel_loop3A_528 = arith.index_cast %parallel_loop3A_525 : i32 to index
        %parallel_loop3A_529 = tpu.vector_load %arg13[%parallel_loop3A_527, %parallel_loop3A_528] {strides = array<i32>} : memref<32x256xf32, #tpu.memory_space<vmem>>, vector<16xf32>,
        tpu.vector_store %arg13[%parallel_loop3A_527, %parallel_loop3A_528], %parallel_loop3A_523 {strides = array<i32>} : memref<32x256xf32, #tpu.memory_space<vmem>>, vector<16xf32>,
      } {sc.loop_unroll_factor = 2 : i64, sc.parallel_access}
      %jit3A_152 = arith.constant 2 : i32
      %div3A_153 = arith.divsi %add3A_120, %jit3A_152 : i32
      %sign3A_154 = arith.constant 0 : i32
      %sign3A_155 = arith.cmpi sgt, %add3A_120, %sign3A_154 : i32
      %sign3A_156 = arith.extui %sign3A_155 : i1 to i32
      %sign3A_157 = arith.constant 0 : i32
      %sign3A_158 = arith.cmpi slt, %add3A_120, %sign3A_157 : i32
      %sign3A_159 = arith.extui %sign3A_158 : i1 to i32
      %sign3A_160 = arith.subi %sign3A_156, %sign3A_159 : i32
      %sign3A_161 = arith.constant 0 : i32
      %sign3A_162 = arith.cmpi sgt, %jit3A_152, %sign3A_161 : i32
      %sign3A_163 = arith.extui %sign3A_162 : i1 to i32
      %sign3A_164 = arith.constant 0 : i32
      %sign3A_165 = arith.cmpi slt, %jit3A_152, %sign3A_164 : i32
      %sign3A_166 = arith.extui %sign3A_165 : i1 to i32
      %sign3A_167 = arith.subi %sign3A_163, %sign3A_166 : i32
      %ne3A_168 = arith.cmpi ne, %sign3A_160, %sign3A_167 : i32
      %rem3A_169 = arith.remsi %add3A_120, %jit3A_152 : i32
      %ne3A_170 = arith.constant 0 : i32
      %ne3A_171 = arith.cmpi ne, %rem3A_169, %ne3A_170 : i32
      %and3A_172 = arith.andi %ne3A_168, %ne3A_171 : i1
      %sub3A_173 = arith.constant 1 : i32
      %sub3A_174 = arith.subi %div3A_153, %sub3A_173 : i32
      %select_n3A_175 = arith.select %and3A_172, %sub3A_174, %div3A_153 : i32
      %jit3A_176 = arith.constant 2 : i32
      %eq3A_177 = arith.constant 0 : i32
      %eq3A_178 = arith.cmpi eq, %jit3A_176, %eq3A_177 : i32
      %jit3A_179 = arith.constant 1 : i32
      %select_n3A_180 = arith.select %eq3A_178, %jit3A_179, %jit3A_176 : i32
      %rem3A_181 = arith.remsi %add3A_120, %select_n3A_180 : i32
      %ne3A_182 = arith.constant 0 : i32
      %ne3A_183 = arith.cmpi ne, %rem3A_181, %ne3A_182 : i32
      %lt3A_184 = arith.constant 0 : i32
      %lt3A_185 = arith.cmpi slt, %rem3A_181, %lt3A_184 : i32
      %lt3A_186 = arith.constant 0 : i32
      %lt3A_187 = arith.cmpi slt, %select_n3A_180, %lt3A_186 : i32
      %ne3A_188 = arith.xori %lt3A_185, %lt3A_187 : i1
      %and3A_189 = arith.andi %ne3A_188, %ne3A_183 : i1
      %add3A_190 = arith.addi %rem3A_181, %select_n3A_180 : i32
      %select_n3A_191 = arith.select %and3A_189, %add3A_190, %rem3A_181 : i32
      %mul3A_192 = arith.constant 256 : i32
      %mul3A_193 = arith.muli %select_n3A_191, %mul3A_192 : i32
      %add3A_194 = arith.addi %mul3A_2, %mul3A_193 : i32
      %dma_start3A_195 = arith.constant 0 : i32
      %dma_start3A_196 = tpu.memref_slice %arg4[%select_n3A_175, %dma_start3A_195, %add3A_194] : memref<50x32x16384xf32, #tpu.memory_space<hbm>> -> memref<1x32x256xf32, #tpu.memory_space<hbm>>
      %dma_start3A_197 = tpu.memref_squeeze %dma_start3A_196 : memref<1x32x256xf32, #tpu.memory_space<hbm>> -> memref<32x256xf32, #tpu.memory_space<hbm>>
      %dma_start3A_198 = arith.constant 0 : i32
      %dma_start3A_199 = tpu.memref_slice %arg4[%select_n3A_175, %dma_start3A_198, %add3A_194] : memref<50x32x16384xf32, #tpu.memory_space<hbm>> -> memref<1x32x256xf32, #tpu.memory_space<hbm>>
      %dma_start3A_200 = tpu.memref_squeeze %dma_start3A_199 : memref<1x32x256xf32, #tpu.memory_space<hbm>> -> memref<32x256xf32, #tpu.memory_space<hbm>>
      tpu.enqueue_dma source(%arg13 : memref<32x256xf32, #tpu.memory_space<vmem>>) target(%dma_start3A_200 : memref<32x256xf32, #tpu.memory_space<hbm>>) target_semaphore(%arg17 : memref<!tpu.dma_semaphore, #tpu.memory_space<semaphore_mem>>)
    }
    %scan3A_27 = arith.constant 50 : i32
    %add3A_28 = arith.constant 0 : i32
    %add3A_29 = arith.addi %mul3A_2, %add3A_28 : i32
    %dma_wait3A = arith.constant 49 : i32
    %dma_wait3A_30 = arith.constant 0 : i32
    %dma_wait3A_31 = tpu.memref_slice %arg4[%dma_wait3A, %dma_wait3A_30, %add3A_29] : memref<50x32x16384xf32, #tpu.memory_space<hbm>> -> memref<1x32x256xf32, #tpu.memory_space<hbm>>
    %dma_wait3A_32 = tpu.memref_squeeze %dma_wait3A_31 : memref<1x32x256xf32, #tpu.memory_space<hbm>> -> memref<32x256xf32, #tpu.memory_space<hbm>>
    %dma_wait3A_33 = arith.constant 0 : i32
    %dma_wait3A_34 = tpu.memref_slice %arg4[%dma_wait3A, %dma_wait3A_33, %add3A_29] : memref<50x32x16384xf32, #tpu.memory_space<hbm>> -> memref<1x32x256xf32, #tpu.memory_space<hbm>>
    %dma_wait3A_35 = tpu.memref_squeeze %dma_wait3A_34 : memref<1x32x256xf32, #tpu.memory_space<hbm>> -> memref<32x256xf32, #tpu.memory_space<hbm>>
    tpu.wait_dma2 semaphore(%arg16 : memref<!tpu.dma_semaphore, #tpu.memory_space<semaphore_mem>>) src(%arg12 : memref<32x256xf32, #tpu.memory_space<vmem>>) dst(%dma_wait3A_35 : memref<32x256xf32, #tpu.memory_space<hbm>>)
    %add3A_36 = arith.constant 256 : i32
    %add3A_37 = arith.addi %mul3A_2, %add3A_36 : i32
    %dma_wait3A_38 = arith.constant 49 : i32
    %dma_wait3A_39 = arith.constant 0 : i32
    %dma_wait3A_40 = tpu.memref_slice %arg4[%dma_wait3A_38, %dma_wait3A_39, %add3A_37] : memref<50x32x16384xf32, #tpu.memory_space<hbm>> -> memref<1x32x256xf32, #tpu.memory_space<hbm>>
    %dma_wait3A_41 = tpu.memref_squeeze %dma_wait3A_40 : memref<1x32x256xf32, #tpu.memory_space<hbm>> -> memref<32x256xf32, #tpu.memory_space<hbm>>
    %dma_wait3A_42 = arith.constant 0 : i32
    %dma_wait3A_43 = tpu.memref_slice %arg4[%dma_wait3A_38, %dma_wait3A_42, %add3A_37] : memref<50x32x16384xf32, #tpu.memory_space<hbm>> -> memref<1x32x256xf32, #tpu.memory_space<hbm>>
    %dma_wait3A_44 = tpu.memref_squeeze %dma_wait3A_43 : memref<1x32x256xf32, #tpu.memory_space<hbm>> -> memref<32x256xf32, #tpu.memory_space<hbm>>
    tpu.wait_dma2 semaphore(%arg17 : memref<!tpu.dma_semaphore, #tpu.memory_space<semaphore_mem>>) src(%arg13 : memref<32x256xf32, #tpu.memory_space<vmem>>) dst(%dma_wait3A_44 : memref<32x256xf32, #tpu.memory_space<hbm>>)
    return
  }
}

</mosaic_0001>

<sc_bundles>
// kernel: kernel.3.cloned.1.call-start
scs
__scs_entry_jumppad:
0x0: {  	(pc) =	sbr.rel $0x88, $3  }
0x1: {  	(tag) =	ssettag $0x0;
	lr =	simm.s32 $0x1  }
0x2: {  	[smem:$0x3F9F] =	sst lr;
	_ =	strace $0xD0000000  }
0x3: {  	_ = 	snop  }
0x4: {  	_ = 	snop  }
0x5: {  	_ = 	snop  }
0x6: {  	_ = 	snop  }
0x7: {  	_ = 	snop  }
__scs_overlays_trampoline_lowered:
0x8: {  	[smem:$0x3FAE] =	sst s0  }
0x9: {  	[smem:$0x3FAF] =	sst s1  }
0xa: {  	[smem:$0x3FB0] =	sst s2  }
0xb: {  	[smem:$0x3FB1] =	sst s3  }
0xc: {  	[smem:$0x3FB2] =	sst s4  }
0xd: {  	[smem:$0x3FB3] =	sst s5  }
0xe: {  	[smem:$0x3FB4] =	sst s6  }
0xf: {  	[smem:$0x3FB5] =	sst s7  }
0x10: {  	[smem:$0x3FB6] =	sst s8  }
0x11: {  	[smem:$0x3FB7] =	sst s9;
	s0 =	simm.s32 @!p0 $0x0  }
0x12: {  	s1 =	sld [smem:$0x3F9D];
	s0 =	simm.s32 @p0 $0x1  }
0x13: {  	[smem:$0x3FB8] =	sst s0;
	s0 =	simm.s32 @!p1 $0x0  }
0x14: {  	s2 =	sld [smem:$0x3F9C];
	s0 =	simm.s32 @p1 $0x1  }
0x15: {  	[smem:$0x3FB9] =	sst s0;
	s0 =	simm.s32 @!p2 $0x0  }
0x16: {  	s3 =	sld [smem:$0x3FDB];
	s0 =	simm.s32 @p2 $0x1  }
0x17: {  	s4 =	simm.s32 $0x1BF5;
	[smem:$0x3FBB] =	sst s0  }
0x18: {  	s0 =	sld [smem:$0x3F9E];
	_ =	swait.ge [sflag:s4], $0x0  }
0x19: {  	s7 =	sld [smem:$0x3F9F]  }
0x1a: {  	s8 =	sadd.s32 $0xFFFFE003, lr  }
0x1b: {  	s9 =	sadd.s32 $0xFFFFFEF7, lr;
	s5 =	simm.s32 $0xFFFFFFFF;
	p2 =	slt.u32 s8, $0xFFFFF086  }
0x1c: {  	p1 =	slt.u32 s9, $0xF7A;
	s5 =	simm.s32 @!p2 $0x0  }
0x1d: {  	s5 =	simm.s32 @p1 $0x1;
	p0 =	seq.s32 s7, s2  }
0x1e: {  	s7 =	smul.u32 @!p0 $0xF7A, s2;
	p2 =	seq.s32 @!p0 s5, $0x0  }
0x1f: {  	s9 =	smul.u32 $0xF7A, s1;
	s8 =	simm.s32 @!p0 $0x1BF5;
	p2 =	por !p2, p0  }
0x20: {  	[sflag:s8] =	ssyncset.s32 @!p0 $0xFFFFF086;
	s6 =	sadd.s32 @!p0 s3, s7;
	s7 =	simm.s32 @!p0 $0x108  }
0x21: {  	s3 =	sadd.s32 s3, s9;
	s6 =	sadd.s32 @!p0 $0x88, s6;
	s7 =	simm.s32 @p2 $0x1082  }
0x22: {  	[simem:s7], [sflag:s8] =	dma.local @!p0 [hbm:s6], $0xF7A  }
0x23: {  	s9 =	sor.u32 $0xD0000000, s2;
	s6 =	simm.s32 $0x108;
	_ =	swait.ge @!p0 [sflag:s8], $0x0  }
0x24: {  	s3 =	sadd.s32 $0x88, s3;
	s6 =	simm.s32 @!p1 $0x1082;
	[sflag:s4] =	ssyncset.s32 $0xFFFFF086  }
0x25: {  	[simem:s6], [sflag:s4] =	dma.local [hbm:s3], $0xF7A  }
0x26: {  	[smem:$0x3F9F] =	sst s1;
	(tag) =	ssettag s2;
	_ =	strace s9  }
0x27: {  	s1 =	sld [smem:$0x3FAF]  }
0x28: {  	s2 =	sld [smem:$0x3FB0]  }
0x29: {  	s4 =	sld [smem:$0x3FB2]  }
0x2a: {  	p0 =	seq.s32 s5, $0x0;
	s5 =	sld [smem:$0x3FB3]  }
0x2b: {  	s6 =	sld [smem:$0x3FB4]  }
0x2c: {  	s7 =	sld [smem:$0x3FB5]  }
0x2d: {  	s3 =	simm.s32 $0x108;
	s8 =	sld [smem:$0x3FB6]  }
0x2e: {  	s3 =	simm.s32 @!p0 $0x1082;
	s9 =	sld [smem:$0x3FB7]  }
0x2f: {  	lr =	sadd.s32 s0, s3;
	s0 =	sld [smem:$0x3FAE]  }
0x30: {  	s3 =	sld [smem:$0x3FB1]  }
0x31: {  	[smem:$0x3FBA] =	sst s10  }
0x32: {  	s10 =	sld [smem:$0x3FB8];
	_ =	sdelay $0x3  }
0x33: {  	p0 =	seq.s32 s10, $0x1;
	s10 =	sld [smem:$0x3FBA];
	_ =	sdelay $0x3  }
0x34: {  	[smem:$0x3FBA] =	sst s10  }
0x35: {  	s10 =	sld [smem:$0x3FB9];
	_ =	sdelay $0x3  }
0x36: {  	p1 =	seq.s32 s10, $0x1;
	s10 =	sld [smem:$0x3FBA];
	_ =	sdelay $0x3  }
0x37: {  	[smem:$0x3FBA] =	sst s10  }
0x38: {  	s10 =	sld [smem:$0x3FBB]  }
0x39: {  	_ = 	snop;
	(pc) =	sbr.ind lr, $3  }
0x3a: {  	_ = 	snop  }
0x3b: {  	_ = 	snop  }
0x3c: {  	p2 =	seq.s32 s10, $0x1;
	s10 =	sld [smem:$0x3FBA]  }
0x3d: {  	_ =	shalt  }
0x3e: {  	_ =	shalt  }
0x3f: {  	_ =	shalt  }
0x40: {  	_ =	shalt  }
0x41: {  	_ =	shalt  }
0x42: {  	_ =	shalt  }
0x43: {  	_ =	shalt  }
0x44: {  	_ =	shalt  }
0x45: {  	_ =	shalt  }
0x46: {  	_ =	shalt  }
0x47: {  	_ =	shalt  }
0x48: {  	_ =	shalt  }
0x49: {  	_ =	shalt  }
0x4a: {  	_ =	shalt  }
0x4b: {  	_ =	shalt  }
0x4c: {  	_ =	shalt  }
0x4d: {  	_ =	shalt  }
0x4e: {  	_ =	shalt  }
0x4f: {  	_ =	shalt  }
0x50: {  	_ =	shalt  }
0x51: {  	_ =	shalt  }
0x52: {  	_ =	shalt  }
0x53: {  	_ =	shalt  }
0x54: {  	_ =	shalt  }
0x55: {  	_ =	shalt  }
0x56: {  	_ =	shalt  }
0x57: {  	_ =	shalt  }
0x58: {  	_ =	shalt  }
0x59: {  	_ =	shalt  }
0x5a: {  	_ =	shalt  }
0x5b: {  	_ =	shalt  }
0x5c: {  	_ =	shalt  }
0x5d: {  	_ =	shalt  }
0x5e: {  	_ =	shalt  }
0x5f: {  	_ =	shalt  }
0x60: {  	_ =	shalt  }
0x61: {  	_ =	shalt  }
0x62: {  	_ =	shalt  }
0x63: {  	_ =	shalt  }
0x64: {  	_ =	shalt  }
0x65: {  	_ =	shalt  }
0x66: {  	_ =	shalt  }
0x67: {  	_ =	shalt  }
0x68: {  	_ =	shalt  }
0x69: {  	_ =	shalt  }
0x6a: {  	_ =	shalt  }
0x6b: {  	_ =	shalt  }
0x6c: {  	_ =	shalt  }
0x6d: {  	_ =	shalt  }
0x6e: {  	_ =	shalt  }
0x6f: {  	_ =	shalt  }
0x70: {  	_ =	shalt  }
0x71: {  	_ =	shalt  }
0x72: {  	_ =	shalt  }
0x73: {  	_ =	shalt  }
0x74: {  	_ =	shalt  }
0x75: {  	_ =	shalt  }
0x76: {  	_ =	shalt  }
0x77: {  	_ =	shalt  }
0x78: {  	_ =	shalt  }
0x79: {  	_ =	shalt  }
0x7a: {  	_ =	shalt  }
0x7b: {  	_ =	shalt  }
0x7c: {  	_ =	shalt  }
0x7d: {  	_ =	shalt  }
0x7e: {  	_ =	shalt  }
0x7f: {  	_ =	shalt  }
0x80: {  	_ =	shalt  }
0x81: {  	_ =	shalt  }
0x82: {  	_ =	shalt  }
0x83: {  	_ =	shalt  }
0x84: {  	_ =	shalt  }
0x85: {  	_ =	shalt  }
0x86: {  	_ =	shalt  }
0x87: {  	_ =	shalt  }
.Lfunc_end0:
.L_simem_size_0:
called_computation_lowered:
.L_overlay_start_0:
0x88: {  	s2 =	sld [smem:$0x3FD9]  }
0x89: {  	s3 =	sld [smem:$0x3FFE];
	_ =	sdelay $0x1  }
0x8a: {  	s1 =	srdreg.scid  }
0x8b: {  	s0 =	sand.u32 $0x1, s1  }
0x8c: {  	s17 =	sshll.u32 s0, $0xA;
	s2 =	sadd.s32 s3, s2  }
0x8d: {  	s2 =	sadd.s32 s2, s17  }
0x8e: {  	[smem:$0x3FC6] =	sst s2  }
0x8f: {  	_ = 	snop  }
0x90: {  	s2 =	sld [smem:$0x3FD0];
	(tm) =	ssettm $0x1  }
0x91: {  	s18 =	sld [smem:$0x3FFB];
	_ =	sdelay $0x3  }
0x92: {  	_ =	strace s18  }
0x93: {  	s3 =	sld [smem:$0x3FFC];
	_ =	sdelay $0x3  }
0x94: {  	_ =	strace s3  }
0x95: {  	s3 =	sld [smem:$0x3FFD];
	_ =	sdelay $0x3  }
0x96: {  	_ =	strace s3  }
0x97: {  	_ =	strace $0x8FFFFFFF  }
0x98: {  	s19 =	sld [smem:$0x3FDB];
	_ =	sdelay $0x1  }
0x99: {  	s4 =	simm.s32 $_scs_section_size  }
0x9a: {  	s5 =	simm.s32 $_size__tile_overlayer_lowered;
	s6 =	simm.s32 $_tile_overlayer_lowered  }
0x9b: {  	s22 =	simm.s32 $0x1BFF;
	s21 =	sshll.u32 s6, $0x1;
	s3 =	sadd.s32 s4, s19  }
0x9c: {  	s7 =	simm.s32 $0x0;
	s20 =	sshll.u32 s5, $0x1;
	s5 =	sadd.s32 s21, s3  }
0x9d: {  	[timem:s7], [sflag:s22] =	dma.local [hbm:s5], s20  }
0x9e: {  	_ =	swait.ge [sflag:s22], s20  }
0x9f: {  	s4 =	ssub.s32 $0x0, s20;
	[sflag:s22] =	ssyncset.done $0x0  }
0xa0: {  	[sflag:s22] =	ssyncadd.s32 s4;
	_ =	sdelay $0x1  }
0xa1: {  	s23 =	simm.s32 $0x1B8B  }
0xa2: {  	_ =	swait.ge [sflag:s23], $0x1  }
0xa3: {  	[sflag:s23] =	ssyncset.done $0x0  }
0xa4: {  	s25 =	simm.s32 $0x1B8E;
	s24 =	sld [smem:$0x3FFE];
	[sflag:s23] =	ssyncadd.s32 $0xFFFFFFFF  }
0xa5: {  	s26 =	simm.s32 $execute0_lowered;
	[smem:$0x3FD2] =	sst s25  }
0xa6: {  	s5 =	sshll.u32 s26, $0x1;
	_ =	strace $0x80000046;
	[dreg:$0x1] =	wrdreg $0xFFFFFFFF  }
0xa7: {  	s28 =	simm.s32 $_size_execute0_lowered;
	s3 =	sadd.s32 s3, s5;
	[dreg:$0x0] =	wrdreg $0x0  }
0xa8: {  	s5 =	sshll.u32 s28, $0x1;
	[dreg:$0x2] =	wrdreg s3  }
0xa9: {  	[dreg:$0x3] =	wrdreg s5  }
0xaa: {  	[dreg:$0x4] =	wrdreg $0xC0  }
0xab: {  	_ =	task [dreg:s7], $0x5FFFF  }
0xac: {  	[dreg:$0x1] =	wrdreg $0xFFFFFFFF  }
0xad: {  	[dreg:$0x0] =	wrdreg $0x60  }
0xae: {  	[dreg:$0x2] =	wrdreg s24  }
0xaf: {  	[dreg:$0x3] =	wrdreg s2  }
0xb0: {  	[dreg:$0x4] =	wrdreg $0x9  }
0xb1: {  	_ =	task.clear_ibuf [dreg:s7], $0x5FFFF;
	_ =	strace $0x90000046  }
0xb2: {  	s29 =	simm.s32 $0x9;
	_ =	strace $0x80000048  }
0xb3: {  	_ =	swait.ge [sflag:s29], $0x1  }
0xb4: {  	[sflag:s29] =	ssyncadd.s32 $0xFFFFFFFF  }
0xb5: {  	_ =	strace $0x90000048  }
0xb6: {  	_ =	sfence  }
0xb7: {  	s30 =	sld [smem:$0x0];
	_ =	sdelay $0x2  }
0xb8: {  	s31 =	sshll.u32 s1, $0xD;
	s1 =	sshrl.u32 s1, $0x2  }
0xb9: {  	s3 =	sand.u32 $0x4000, s31;
	s1 =	sadd.s32 s1, s30  }
0xba: {  	s0 =	sor.u32 s3, s0;
	s1 =	sshll.u32 s1, $0x11  }
0xbb: {  	s0 =	sor.u32 s1, s0  }
0xbc: {  	s0 =	sadd.s32 $0x8F2B, s0  }
0xbd: {  	[sflag:s0] =	ssyncadd.remote.s32 $0x1  }
0xbe: {  	_ =	sfence.sel $0xFFFF  }
0xbf: {  	[dreg:$0x0] =	wrdreg $0xFFFFFFFF;
	(pc) =	sbr.abs _section_cstart, $3  }
0xc0: {  	[dreg:$0x1] =	wrdreg $0xFFFFFFFF  }
0xc1: {  	_ =	task.clear_ibuf [dreg:s7], $0x2FFFF;
	_ =	strace $0x9FFFFFFF  }
0xc2: {  	(tm) =	ssettm $0x7FFFFFFF  }
0xc3: {  	_ =	shalt  }
tec
execute0_lowered:
.L_overlay_start_1:
0x0: {  	(tag) =	ssettag $0x1  }
0x1: {  	s1 =	srdreg.scid;
	s2 =	stileid.u32  }
0x2: {  	s0 =	rddreg [dreg:$0x0];
	s1 =	sand.u32 $0x1, s1;
	s3 =	sshll.u32 s2, $0x1  }
0x3: {  	s4 =	rddreg [dreg:$0x1];
	s2 =	simm.s32 $0x0;
	s5 =	sor.u32 s1, s3  }
0x4: {  	[smem:$0x7FF] =	sst s2;
	s3 =	sadd.s32 $0xF42A00, s0;
	s1 =	ssub.s32 $0x2, s1  }
0x5: {  	s6 =	smul.u32 $0xC80, s5;
	s29 =	sshrl.u32 s1, $0x1;
	s5 =	sshll.u32 s5, $0x9  }
0x6: {  	_ =	strace $0x80000047;
	s1 =	ssub.s32 s1, s29;
	s30 =	sadd.s32 s4, s5  }
0x7: {  	s0 =	sadd.s32 s6, s0;
	[dreg:$0x4] =	wrdreg s30;
	s31 =	smax.u32 s1, $0x1  }
0x8: {  	s11 =	simm.s32 $0x6800;
	s0 =	sadd.s32 $0x600, s0;
	[dreg:$0x6] =	wrdreg s31  }
0x9: {  	s15 =	simm.s32 $0xE800;
	v1 =	vlaneseq.u32;
	[dreg:$0x3] =	wrdreg s0;
	s0 =	sadd.s32 $0x100, s30  }
0xa: {  	s22 =	simm.s32 $0x2;
	v0 =	vmul.u32 $0x32, v1;
	v1 =	vmul.u32 $0x80, v1;
	s4 =	simm.s32 $0x0;
	[dreg:$0x5] =	wrdreg s0  }
.LBB2_1:
0xb: {  	s0 =	simm.s32 $0x20  }
0xc: {  	s1 =	simm.s32 $0x10;
	v2 =	vmov s0  }
0xd: {  	v3 =	vmov s1;
	v2 =	vmul.u32 $0x32, v2  }
0xe: {  	v4 =	vmov s2;
	v3 =	vmul.u32 $0x32, v3  }
0xf: {  	s25 =	simm.s32 $0x30;
	v4 =	vmul.u32 $0x32, v4;
	v2 =	vbroadcast v2, $0x0  }
0x10: {  	[dreg:$0x7] =	wrdreg s4;
	v5 =	vmov s25;
	v3 =	vbroadcast v3, $0x0  }
0x11: {  	s26 =	rddreg [dreg:$0x3];
	s5 =	simm.s32 $0x5;
	v5 =	vmul.u32 $0x32, v5;
	v4 =	vbroadcast v4, $0x0;
	v2 =	vadd.s32 v0, v2  }
0x12: {  	[tilespmem:s2], [sflag:$0x5] =	stream.linear.gather [hbm4b:s26+s2], $0x6400, $0x38;
	v3 =	vadd.s32 v0, v3;
	[tilespmem:$0x1A800] =	vst v63  }
0x13: {  	s28 =	simm.s32 $0x50;
	_ =	swait.ge [sflag:s5], $0x6400;
	v5 =	vbroadcast v5, $0x0;
	v4 =	vadd.s32 v0, v4  }
0x14: {  	s30 =	simm.s32 $0x60;
	v6 =	vmov s28;
	[sflag:s5] =	ssyncset.done $0x0  }
0x15: {  	s29 =	simm.s32 $0x40;
	v8 =	vmov s30;
	v6 =	vmul.u32 $0x32, v6;
	[sflag:s5] =	ssyncadd.s32 $0xFFFF9C00;
	v5 =	vadd.s32 v0, v5  }
0x16: {  	s31 =	simm.s32 $0x70;
	v7 =	vmov s29;
	v8 =	vmul.u32 $0x32, v8;
	v9 =	vld.idx.msk [tilespmem:v2+s2+$0x0], $0xffff  }
0x17: {  	v2 =	vmul.u32 $0x32, v7;
	v11 =	vld.idx.msk [tilespmem:v3+s2+$0x0], $0xffff;
	v3 =	vbroadcast v6, $0x0;
	v6 =	vmov s31  }
0x18: {  	v4 =	vld.idx.msk [tilespmem:v4+s2+$0x0], $0xffff;
	v7 =	vbroadcast v8, $0x0;
	v8 =	vmul.u32 $0x32, v6  }
0x19: {  	v2 =	vbroadcast v2, $0x0  }
0x1a: {  	v5 =	vld.idx.msk [tilespmem:v5+s2+$0x0], $0xffff;
	v3 =	vadd.s32 v0, v3;
	v6 =	vadd.s32 v0, v7;
	v7 =	vbroadcast v8, $0x0  }
0x1b: {  	s4 =	simm.s32 $0x6620;
	s6 =	simm.s32 $0x4;
	s5 =	simm.s32 $0x6420;
	v2 =	vadd.s32 v0, v2;
	v8 =	vshrl.u32 v9, $0x2;
	v12 =	vshll.u32 v9, $0x5  }
0x1c: {  	s7 =	simm.s32 $0x80;
	s1 =	simm.s32 $0x6460;
	s0 =	simm.s32 $0x6660;
	v10 =	vshrl.u32 v11, $0x2;
	v9 =	vshll.u32 v11, $0x5;
	[tilespmem:s5+$0x0] =	vst v8;
	v8 =	vand.u32 $0x60, v12  }
.LBB2_2:
0x1d: {  	v11 =	vmov s7;
	s8 =	sadd.s32 $0x10, s7;
	s10 =	sadd.s32 $0x20, s7;
	s12 =	sadd.s32 $0x30, s7;
	v12 =	vshrl.u32 v4, $0x2;
	[tilespmem:s5+$0xFFFFFFF0] =	vst v10;
	v9 =	vand.u32 $0x60, v9;
	v10 =	vmovc v4  }
0x1e: {  	s6 =	sadd.s32 $0x4, s6;
	v7 =	vadd.s32 v0, v7;
	v4 =	vmov s8;
	v13 =	vmov s10;
	[tilespmem:s4+$0x0] =	vst v8  }
0x1f: {  	p0 =	slt.u32 s6, $0xC;
	v4 =	vmul.u32 $0x32, v4;
	v8 =	vmul.u32 $0x32, v13;
	v13 =	vld.idx.msk [tilespmem:v6+s2+$0x0], $0xffff;
	[tilespmem:s5+$0xFFFFFFE0] =	vst v12;
	v6 =	vshrl.u32 v5, $0x2  }
0x20: {  	v11 =	vmul.u32 $0x32, v11;
	v12 =	vmov s12;
	v14 =	vld.idx.msk [tilespmem:v3+s2+$0x0], $0xffff;
	[tilespmem:s4+$0xFFFFFFF0] =	vst v9;
	v3 =	vshll.u32 v5, $0x5  }
0x21: {  	v5 =	vbroadcast v4, $0x0;
	v8 =	vbroadcast v8, $0x0;
	v4 =	vld.idx.msk [tilespmem:v2+s2+$0x0], $0xffff;
	[tilespmem:s5+$0x10] =	vst v6;
	v2 =	vand.u32 $0x60, v3;
	s5 =	smov.u32 s1  }
.Ltmp0:
0x22: {  	v10 =	vshll.u32 v10, $0x5;
	v9 =	vbroadcast v11, $0x0;
	v11 =	vmul.u32 $0x32, v12;
	[tilespmem:s4+$0x10] =	vst v2;
	(pc) =	sbr.rel @p0 .LBB2_2-.Ltmp0, $4  }
0x23: {  	v3 =	vadd.s32 v0, v5;
	v6 =	vadd.s32 v0, v8;
	v5 =	vld.idx.msk [tilespmem:v7+s2+$0x0], $0xffff;
	v8 =	vand.u32 $0x60, v10  }
0x24: {  	v2 =	vadd.s32 v0, v9;
	v7 =	vbroadcast v11, $0x0;
	[tilespmem:s4+$0xFFFFFFE0] =	vst v8;
	s4 =	smov.u32 s0  }
0x25: {  	v8 =	vshrl.u32 v13, $0x2;
	v11 =	vshll.u32 v13, $0x5  }
0x26: {  	s7 =	sadd.s32 $0x40, s7;
	s1 =	sadd.s32 $0x40, s1;
	s0 =	sadd.s32 $0x40, s0;
	v10 =	vshrl.u32 v14, $0x2;
	v9 =	vshll.u32 v14, $0x5;
	[tilespmem:s5+$0x0] =	vst v8;
	v8 =	vand.u32 $0x60, v11  }
0x27: {  	_ =	sdelay $0x2  }
0x28: {  	[tilespmem:s5+$0xFFFFFFF0] =	vst v10  }
0x29: {  	v53 =	vshrl.u32 v4, $0x2;
	[tilespmem:s4+$0x0] =	vst v8;
	v6 =	vld.idx.msk [tilespmem:v6+s2+$0x0], $0xffff  }
0x2a: {  	v7 =	vadd.s32 v0, v7;
	v54 =	vand.u32 $0x60, v9;
	v3 =	vld.idx.msk [tilespmem:v3+s2+$0x0], $0xffff;
	[tilespmem:s5+$0xFFFFFFE0] =	vst v53  }
0x2b: {  	v2 =	vld.idx.msk [tilespmem:v2+s2+$0x0], $0xffff;
	v57 =	vshll.u32 v4, $0x5;
	v55 =	vshrl.u32 v5, $0x2;
	[tilespmem:s4+$0xFFFFFFF0] =	vst v54  }
0x2c: {  	v56 =	vshll.u32 v5, $0x5;
	v4 =	vand.u32 $0x60, v57;
	[tilespmem:s5+$0x10] =	vst v55  }
0x2d: {  	v5 =	vand.u32 $0x60, v56;
	[tilespmem:s4+$0xFFFFFFE0] =	vst v4  }
0x2e: {  	[tilespmem:s4+$0x10] =	vst v5;
	v59 =	vshrl.u32 v6, $0x2  }
0x2f: {  	v58 =	vld.idx.msk [tilespmem:v7+s2+$0x0], $0xffff;
	v60 =	vshrl.u32 v3, $0x2;
	[tilespmem:s1+$0x0] =	vst v59  }
0x30: {  	v6 =	vshll.u32 v6, $0x5;
	v62 =	vshrl.u32 v2, $0x2;
	[tilespmem:s1+$0xFFFFFFF0] =	vst v60  }
0x31: {  	v3 =	vshll.u32 v3, $0x5;
	v61 =	vand.u32 $0x60, v6;
	[tilespmem:s1+$0xFFFFFFE0] =	vst v62  }
0x32: {  	v2 =	vshll.u32 v2, $0x5;
	v3 =	vand.u32 $0x60, v3;
	[tilespmem:s0+$0x0] =	vst v61  }
0x33: {  	v2 =	vand.u32 $0x60, v2;
	[tilespmem:s0+$0xFFFFFFF0] =	vst v3  }
0x34: {  	[tilespmem:s0+$0xFFFFFFE0] =	vst v2;
	v63 =	vshrl.u32 v58, $0x2;
	v3 =	vshll.u32 v58, $0x5  }
0x35: {  	[tilespmem:s1+$0x10] =	vst v63;
	v3 =	vand.u32 $0x60, v3  }
0x36: {  	s26 =	simm.s32 $0x80;
	s29 =	simm.s32 $0x6400;
	[tilespmem:s0+$0x10] =	vst v3  }
0x37: {  	[tilespmem:s11], [sflag:$0x1] =	stream.indirect.gather [hbm4b:s3+s26], $0x80, s29, s26, $0xb8;
	[tilespmem:$0x1A800] =	vst v63  }
0x38: {  	s30 =	simm.s32 $0x6480;
	s31 =	simm.s32 $0xA800;
	s28 =	simm.s32 $0x0  }
0x39: {  	[tilespmem:s31], [sflag:$0x1] =	stream.indirect.gather [hbm4b:s3+s26], $0x80, s30, s26, $0xb8;
	[tilespmem:$0x1A800] =	vst v63  }
.LBB2_4:
0x3a: {  	s0 =	simm.s32 $0x110  }
0x3b: {  	s1 =	simm.s32 $0x100;
	v2 =	vmov s0  }
0x3c: {  	v4 =	vmov s1;
	v3 =	vmul.u32 $0x32, v2  }
0x3d: {  	v2 =	vmov s28;
	v4 =	vmul.u32 $0x32, v4  }
0x3e: {  	v3 =	vadd.s32 v2, v3  }
0x3f: {  	s25 =	simm.s32 $0x130;
	v4 =	vadd.s32 v2, v4;
	v3 =	vbroadcast v3, $0x0  }
0x40: {  	s24 =	simm.s32 $0x120;
	v6 =	vmov s25;
	v4 =	vbroadcast v4, $0x0  }
0x41: {  	v5 =	vmov s24;
	v6 =	vmul.u32 $0x32, v6;
	v3 =	vadd.s32 v0, v3  }
0x42: {  	v5 =	vmul.u32 $0x32, v5;
	v4 =	vadd.s32 v0, v4  }
0x43: {  	v6 =	vadd.s32 v2, v6  }
0x44: {  	v5 =	vadd.s32 v2, v5;
	v6 =	vbroadcast v6, $0x0  }
0x45: {  	s26 =	simm.s32 $0x150;
	s30 =	simm.s32 $0x140;
	v5 =	vbroadcast v5, $0x0  }
0x46: {  	s31 =	simm.s32 $0x170;
	v7 =	vmov s26;
	v9 =	vmov s30;
	v6 =	vadd.s32 v0, v6;
	v3 =	vld.idx.msk [tilespmem:v3+s2+$0x0], $0xffff  }
0x47: {  	s29 =	simm.s32 $0x160;
	v10 =	vmov s31;
	v8 =	vadd.s32 v0, v5;
	v11 =	vld.idx.msk [tilespmem:v4+s2+$0x0], $0xffff;
	v4 =	vmul.u32 $0x32, v9  }
0x48: {  	v7 =	vmul.u32 $0x32, v7;
	v5 =	vmov s29;
	v9 =	vmul.u32 $0x32, v10  }
0x49: {  	v5 =	vmul.u32 $0x32, v5;
	v4 =	vadd.s32 v2, v4  }
0x4a: {  	v7 =	vadd.s32 v2, v7;
	v12 =	vbroadcast v4, $0x0;
	v4 =	vadd.s32 v2, v9  }
0x4b: {  	s5 =	simm.s32 $0x6520;
	v5 =	vadd.s32 v2, v5;
	v13 =	vbroadcast v4, $0x0;
	v4 =	vld.idx.msk [tilespmem:v6+s2+$0x0], $0xffff;
	v9 =	vshrl.u32 v3, $0x2  }
0x4c: {  	v7 =	vbroadcast v7, $0x0;
	v10 =	vbroadcast v5, $0x0;
	[tilespmem:s5+$0xFFFFFFF0] =	vst v9;
	v9 =	vld.idx.msk [tilespmem:v8+s2+$0x0], $0xffff;
	_ =	sdelay $0x1  }
0x4d: {  	v5 =	vadd.s32 v0, v7;
	v6 =	vadd.s32 v0, v10  }
0x4e: {  	s6 =	simm.s32 $0x4;
	s7 =	simm.s32 $0x180;
	v7 =	vadd.s32 v0, v12;
	v63 =	vshrl.u32 v11, $0x2;
	v11 =	vshll.u32 v11, $0x5  }
0x4f: {  	s4 =	simm.s32 $0x6560;
	s1 =	simm.s32 $0x6720;
	s0 =	simm.s32 $0x6760;
	v3 =	vshll.u32 v3, $0x5;
	v8 =	vadd.s32 v0, v13;
	[tilespmem:s5+$0xFFFFFFE0] =	vst v63;
	v10 =	vand.u32 $0x60, v11  }
.LBB2_5:
0x50: {  	s8 =	sadd.s32 $0x10, s7;
	s10 =	sadd.s32 $0x20, s7;
	s12 =	sadd.s32 $0x30, s7;
	v11 =	vshrl.u32 v9, $0x2;
	v12 =	vshll.u32 v9, $0x5;
	v9 =	vshll.u32 v4, $0x5  }
0x51: {  	s6 =	sadd.s32 $0x4, s6;
	v4 =	vshrl.u32 v4, $0x2;
	v13 =	vmov s8;
	v14 =	vmov s10;
	[tilespmem:s5+$0x0] =	vst v11  }
0x52: {  	p0 =	slt.u32 s6, $0xC;
	v11 =	vmul.u32 $0x32, v13;
	v13 =	vmul.u32 $0x32, v14;
	v14 =	vld.idx.msk [tilespmem:v5+s2+$0x0], $0xffff;
	[tilespmem:s5+$0x10] =	vst v4;
	v4 =	vand.u32 $0x60, v9;
	s5 =	smov.u32 s4  }
0x53: {  	v3 =	vand.u32 $0x60, v3;
	v5 =	vmov s7;
	v9 =	vmov s12;
	v15 =	vld.idx.msk [tilespmem:v7+s2+$0x0], $0xffff;
	[tilespmem:s1+$0x10] =	vst v4  }
0x54: {  	v5 =	vmul.u32 $0x32, v5;
	v7 =	vadd.s32 v2, v11;
	v11 =	vmul.u32 $0x32, v9;
	v4 =	vld.idx.msk [tilespmem:v8+s2+$0x0], $0xffff;
	[tilespmem:s1+$0xFFFFFFE0] =	vst v10  }
0x55: {  	v8 =	vadd.s32 v2, v13;
	v7 =	vbroadcast v7, $0x0;
	v9 =	vld.idx.msk [tilespmem:v6+s2+$0x0], $0xffff;
	[tilespmem:s1+$0xFFFFFFF0] =	vst v3;
	v3 =	vand.u32 $0x60, v12  }
.Ltmp1:
0x56: {  	v5 =	vadd.s32 v2, v5;
	v6 =	vbroadcast v8, $0x0;
	[tilespmem:s1+$0x0] =	vst v3;
	s1 =	smov.u32 s0;
	(pc) =	sbr.rel @p0 .LBB2_5-.Ltmp1, $4  }
0x57: {  	v8 =	vbroadcast v5, $0x0;
	v3 =	vadd.s32 v2, v11;
	v5 =	vadd.s32 v0, v7  }
0x58: {  	v10 =	vbroadcast v3, $0x0;
	v11 =	vshrl.u32 v14, $0x2;
	v3 =	vshll.u32 v14, $0x5  }
0x59: {  	v7 =	vadd.s32 v0, v8;
	v12 =	vshrl.u32 v15, $0x2;
	v13 =	vshll.u32 v15, $0x5;
	[tilespmem:s4+$0xFFFFFFF0] =	vst v11  }
0x5a: {  	s7 =	sadd.s32 $0x40, s7;
	s0 =	sadd.s32 $0x40, s0;
	v6 =	vadd.s32 v0, v6;
	v8 =	vadd.s32 v0, v10;
	v10 =	vand.u32 $0x60, v13;
	s4 =	sadd.s32 $0x40, s4;
	[tilespmem:s5+$0xFFFFFFE0] =	vst v12  }
0x5b: {  	_ =	sdelay $0x2  }
0x5c: {  	v2 =	vshrl.u32 v9, $0x2  }
0x5d: {  	v11 =	vshll.u32 v4, $0x5;
	[tilespmem:s5+$0x0] =	vst v2;
	v2 =	vshrl.u32 v4, $0x2;
	v4 =	vld.idx.msk [tilespmem:v5+s2+$0x0], $0xffff  }
0x5e: {  	[tilespmem:s1+$0xFFFFFFE0] =	vst v10;
	v5 =	vld.idx.msk [tilespmem:v7+s2+$0x0], $0xffff  }
0x5f: {  	[tilespmem:s5+$0x10] =	vst v2;
	v2 =	vand.u32 $0x60, v11  }
0x60: {  	v3 =	vand.u32 $0x60, v3;
	[tilespmem:s1+$0x10] =	vst v2;
	v2 =	vld.idx.msk [tilespmem:v6+s2+$0x0], $0xffff;
	v6 =	vshll.u32 v9, $0x5  }
0x61: {  	v7 =	vld.idx.msk [tilespmem:v8+s2+$0x0], $0xffff;
	[tilespmem:s1+$0xFFFFFFF0] =	vst v3;
	v3 =	vand.u32 $0x60, v6  }
0x62: {  	[tilespmem:s1+$0x0] =	vst v3;
	v3 =	vshrl.u32 v4, $0x2  }
0x63: {  	v6 =	vshrl.u32 v5, $0x2;
	v5 =	vshll.u32 v5, $0x5;
	[tilespmem:s4+$0xFFFFFFF0] =	vst v3  }
0x64: {  	[tilespmem:s4+$0xFFFFFFE0] =	vst v6;
	v5 =	vand.u32 $0x60, v5  }
0x65: {  	v3 =	vshrl.u32 v2, $0x2;
	[tilespmem:s0+$0xFFFFFFE0] =	vst v5  }
0x66: {  	v2 =	vshll.u32 v2, $0x5;
	[tilespmem:s4+$0x0] =	vst v3;
	v3 =	vshrl.u32 v7, $0x2  }
0x67: {  	v6 =	vshll.u32 v7, $0x5;
	v2 =	vand.u32 $0x60, v2;
	[tilespmem:s4+$0x10] =	vst v3  }
0x68: {  	v4 =	vshll.u32 v4, $0x5;
	v3 =	vand.u32 $0x60, v6;
	[tilespmem:s0+$0x0] =	vst v2  }
0x69: {  	[tilespmem:s0+$0x10] =	vst v3;
	v3 =	vand.u32 $0x60, v4  }
0x6a: {  	s14 =	simm.s32 $0x80;
	s16 =	simm.s32 $0x6500;
	[tilespmem:s0+$0xFFFFFFF0] =	vst v3  }
0x6b: {  	[tilespmem:s15], [sflag:$0x2] =	stream.indirect.gather [hbm4b:s3+s14], $0x80, s16, s14, $0xb8;
	[tilespmem:$0x1A800] =	vst v63  }
0x6c: {  	s17 =	simm.s32 $0x6580;
	s18 =	simm.s32 $0x12800;
	s19 =	simm.s32 $0x1  }
0x6d: {  	[tilespmem:s18], [sflag:$0x2] =	stream.indirect.gather [hbm4b:s3+s14], $0x80, s17, s14, $0xb8;
	[tilespmem:$0x1A800] =	vst v63  }
0x6e: {  	_ =	swait.ge [sflag:s19], $0x4000  }
0x6f: {  	[sflag:s19] =	ssyncset.done $0x0  }
0x70: {  	[sflag:s19] =	ssyncadd.s32 $0xFFFFC000  }
0x71: {  	_ =	swait.ge [sflag:s19], $0x4000  }
0x72: {  	p0 =	seq.s32 s28, $0x0;
	[sflag:s19] =	ssyncset.done $0x0  }
0x73: {  	s0 =	simm.s32 @!p0 $0x3;
	[sflag:s19] =	ssyncadd.s32 $0xFFFFC000  }
0x74: {  	_ =	swait.ge @!p0 [sflag:s0], $0x2000  }
0x75: {  	[sflag:s0] =	ssyncset.done @!p0 $0x0  }
0x76: {  	s20 =	simm.s32 $0x6610;
	[sflag:s0] =	ssyncadd.s32 @!p0 $0xFFFFE000  }
0x77: {  	v2 =	vld [tilespmem:s20+$0x0];
	_ =	sdelay $0x1  }
0x78: {  	s21 =	simm.s32 $0x10  }
0x79: {  	s23 =	simm.s32 $0x0;
	v3 =	vmov s21;
	v4 =	vld [tilespmem:s20+$0xFFFFFFF0]  }
0x7a: {  	v5 =	vmov s23;
	v3 =	vshll.u32 v3, $0x7  }
0x7b: {  	v5 =	vshll.u32 v5, $0x7;
	v3 =	vor.u32 v1, v3;
	v6 =	vand.u32 $0xFFFFFF80, v2  }
0x7c: {  	v8 =	vor.u32 v1, v5;
	v7 =	vand.u32 $0x7F, v2;
	v5 =	vadd.s32 v3, v6  }
0x7d: {  	v5 =	vor.u32 v7, v5  }
0x7e: {  	v9 =	vand.u32 $0xFFFFFF80, v4;
	v10 =	vadd.s32 $0x2, v4  }
0x7f: {  	v6 =	vand.u32 $0x7F, v4;
	v9 =	vadd.s32 v8, v9;
	v13 =	vand.u32 $0xFFFFFF80, v10  }
0x80: {  	v6 =	vor.u32 v6, v9;
	v7 =	vadd.s32 $0x1, v2;
	v9 =	vadd.s32 $0x1, v4  }
0x81: {  	v10 =	vand.u32 $0x7F, v10;
	v11 =	vand.u32 $0xFFFFFF80, v7;
	v12 =	vand.u32 $0xFFFFFF80, v9  }
0x82: {  	v7 =	vand.u32 $0x7F, v7;
	v9 =	vand.u32 $0x7F, v9;
	v11 =	vadd.s32 v3, v11;
	v5 =	vld.idx.msk [tilespmem:v5+s11+$0x0], $0xffff  }
0x83: {  	v12 =	vadd.s32 v8, v12;
	v7 =	vor.u32 v7, v11;
	v11 =	vadd.s32 v8, v13  }
0x84: {  	s29 =	sand.u32 $0x400, s23;
	v12 =	vor.u32 v9, v12;
	v9 =	vadd.s32 $0x3, v4;
	v10 =	vor.u32 v10, v11  }
0x85: {  	s30 =	sand.u32 $0x70, s21;
	s24 =	sor.u32 $0x16800, s29;
	v11 =	vadd.s32 $0x2, v2;
	v13 =	vand.u32 $0xFFFFFF80, v9;
	v9 =	vand.u32 $0x7F, v9  }
0x86: {  	s7 =	sor.u32 s30, s24;
	v14 =	vand.u32 $0xFFFFFF80, v11;
	v13 =	vadd.s32 v8, v13;
	v11 =	vand.u32 $0x7F, v11  }
0x87: {  	v14 =	vadd.s32 v3, v14;
	v13 =	vor.u32 v9, v13;
	v9 =	vadd.s32 $0x4, v4;
	[tilespmem:s7+$0x0] =	vst v5  }
0x88: {  	v15 =	vadd.s32 $0x5, v4;
	v14 =	vor.u32 v11, v14;
	v11 =	vand.u32 $0xFFFFFF80, v9;
	v7 =	vld.idx.msk [tilespmem:v7+s11+$0x0], $0xffff  }
0x89: {  	v5 =	vand.u32 $0x7F, v9;
	v9 =	vadd.s32 v8, v11;
	v11 =	vand.u32 $0xFFFFFF80, v15  }
0x8a: {  	v16 =	vadd.s32 $0x3, v2;
	v15 =	vand.u32 $0x7F, v15;
	v11 =	vadd.s32 v8, v11  }
0x8b: {  	v6 =	vld.idx.msk [tilespmem:v6+s11+$0x0], $0xffff;
	v17 =	vor.u32 v5, v9;
	v5 =	vand.u32 $0xFFFFFF80, v16;
	v9 =	vand.u32 $0x7F, v16  }
0x8c: {  	v15 =	vor.u32 v15, v11;
	v5 =	vadd.s32 v3, v5;
	v11 =	vadd.s32 $0x6, v4  }
0x8d: {  	v16 =	vadd.s32 $0x7, v4;
	v18 =	vor.u32 v9, v5;
	v5 =	vand.u32 $0xFFFFFF80, v11;
	[tilespmem:s7+$0x80] =	vst v7  }
0x8e: {  	s31 =	sand.u32 $0x60, s23;
	v19 =	vand.u32 $0xFFFFFF80, v16;
	v9 =	vand.u32 $0x7F, v11;
	v5 =	vadd.s32 v8, v5;
	v14 =	vld.idx.msk [tilespmem:v14+s11+$0x0], $0xffff  }
0x8f: {  	s4 =	sor.u32 s31, s24;
	v11 =	vor.u32 v9, v5;
	v5 =	vadd.s32 v8, v19;
	v9 =	vand.u32 $0x7F, v16  }
0x90: {  	[tilespmem:s4+$0x0] =	vst v6;
	v16 =	vadd.s32 $0x8, v4;
	v7 =	vadd.s32 $0x4, v2;
	v9 =	vor.u32 v9, v5  }
0x91: {  	v12 =	vld.idx.msk [tilespmem:v12+s11+$0x0], $0xffff;
	v6 =	vand.u32 $0xFFFFFF80, v16;
	v16 =	vand.u32 $0x7F, v16;
	v19 =	vand.u32 $0xFFFFFF80, v7  }
0x92: {  	v5 =	vand.u32 $0x7F, v7;
	v7 =	vadd.s32 v3, v19;
	v19 =	vadd.s32 $0x9, v4  }
0x93: {  	v20 =	vor.u32 v5, v7;
	v5 =	vadd.s32 v8, v6;
	v6 =	vand.u32 $0xFFFFFF80, v19;
	[tilespmem:s7+$0x100] =	vst v14  }
0x94: {  	v7 =	vor.u32 v16, v5;
	v5 =	vadd.s32 v8, v6;
	v6 =	vand.u32 $0x7F, v19;
	v16 =	vld.idx.msk [tilespmem:v18+s11+$0x0], $0xffff  }
0x95: {  	v5 =	vor.u32 v6, v5;
	v6 =	vadd.s32 $0xA, v4;
	v14 =	vadd.s32 $0x5, v2  }
0x96: {  	v21 =	vadd.s32 $0xB, v4;
	[tilespmem:s4+$0x80] =	vst v12;
	v19 =	vand.u32 $0xFFFFFF80, v6;
	v18 =	vand.u32 $0xFFFFFF80, v14  }
0x97: {  	v14 =	vand.u32 $0x7F, v14;
	v12 =	vadd.s32 v8, v19;
	v19 =	vld.idx.msk [tilespmem:v10+s11+$0x0], $0xffff;
	v18 =	vadd.s32 v3, v18  }
0x98: {  	v6 =	vand.u32 $0x7F, v6;
	v14 =	vor.u32 v14, v18;
	v18 =	vand.u32 $0xFFFFFF80, v21  }
0x99: {  	v10 =	vand.u32 $0x7F, v21;
	v6 =	vor.u32 v6, v12;
	v12 =	vadd.s32 v8, v18;
	[tilespmem:s7+$0x180] =	vst v16  }
0x9a: {  	v18 =	vadd.s32 $0xC, v4;
	v10 =	vor.u32 v10, v12;
	v12 =	vadd.s32 $0x6, v2;
	v20 =	vld.idx.msk [tilespmem:v20+s11+$0x0], $0xffff  }
0x9b: {  	v22 =	vand.u32 $0xFFFFFF80, v18;
	v18 =	vand.u32 $0x7F, v18;
	v21 =	vand.u32 $0xFFFFFF80, v12  }
0x9c: {  	v16 =	vadd.s32 $0xD, v4;
	v12 =	vand.u32 $0x7F, v12;
	[tilespmem:s4+$0x100] =	vst v19;
	v21 =	vadd.s32 v3, v21  }
0x9d: {  	v22 =	vadd.s32 v8, v22;
	v13 =	vld.idx.msk [tilespmem:v13+s11+$0x0], $0xffff;
	v12 =	vor.u32 v12, v21;
	v21 =	vand.u32 $0xFFFFFF80, v16  }
0x9e: {  	v24 =	vor.u32 v18, v22;
	v16 =	vand.u32 $0x7F, v16;
	v18 =	vadd.s32 v8, v21  }
0x9f: {  	v23 =	vor.u32 v16, v18;
	v16 =	vadd.s32 $0xE, v4;
	v18 =	vadd.s32 $0x7, v2;
	[tilespmem:s7+$0x200] =	vst v20  }
0xa0: {  	v19 =	vand.u32 $0xFFFFFF80, v16;
	v16 =	vand.u32 $0x7F, v16;
	v21 =	vand.u32 $0xFFFFFF80, v18;
	v14 =	vld.idx.msk [tilespmem:v14+s11+$0x0], $0xffff  }
0xa1: {  	v18 =	vand.u32 $0x7F, v18;
	v19 =	vadd.s32 v8, v19;
	v20 =	vadd.s32 $0xF, v4  }
0xa2: {  	v21 =	vadd.s32 v3, v21;
	[tilespmem:s4+$0x180] =	vst v13;
	v22 =	vor.u32 v16, v19;
	v16 =	vand.u32 $0xFFFFFF80, v20  }
0xa3: {  	v19 =	vand.u32 $0x7F, v20;
	v20 =	vadd.s32 $0x10, v4;
	v17 =	vld.idx.msk [tilespmem:v17+s11+$0x0], $0xffff;
	v16 =	vadd.s32 v8, v16  }
0xa4: {  	v13 =	vor.u32 v18, v21;
	v21 =	vor.u32 v19, v16;
	v16 =	vand.u32 $0xFFFFFF80, v20  }
0xa5: {  	v18 =	vadd.s32 $0x8, v2;
	v19 =	vand.u32 $0x7F, v20;
	v16 =	vadd.s32 v8, v16;
	[tilespmem:s7+$0x280] =	vst v14  }
0xa6: {  	s25 =	sand.u32 $0x7, s23;
	v25 =	vand.u32 $0xFFFFFF80, v18;
	v20 =	vor.u32 v19, v16;
	v16 =	vadd.s32 $0x11, v4;
	v12 =	vld.idx.msk [tilespmem:v12+s11+$0x0], $0xffff  }
0xa7: {  	s5 =	sshll.u32 s25, $0x4;
	v14 =	vand.u32 $0x7F, v18;
	v18 =	vadd.s32 v3, v25;
	v19 =	vand.u32 $0xFFFFFF80, v16  }
0xa8: {  	s5 =	sadd.s32 $0x0, s5;
	v25 =	vadd.s32 $0x12, v4;
	v16 =	vand.u32 $0x7F, v16;
	[tilespmem:s4+$0x200] =	vst v17;
	v17 =	vadd.s32 $0x9, v2  }
0xa9: {  	s5 =	sadd.s32 $0x10, s5;
	v19 =	vadd.s32 v8, v19;
	v14 =	vor.u32 v14, v18;
	v18 =	vand.u32 $0xFFFFFF80, v25  }
0xaa: {  	s5 =	sor.u32 $0x300, s5;
	v15 =	vld.idx.msk [tilespmem:v15+s11+$0x0], $0xffff;
	v19 =	vor.u32 v16, v19;
	v16 =	vadd.s32 v8, v18;
	v18 =	vand.u32 $0x7F, v25  }
0xab: {  	v26 =	vand.u32 $0xFFFFFF80, v17;
	v25 =	vadd.s32 $0x13, v4;
	v18 =	vor.u32 v18, v16;
	[tilespmem:s5+$0x16800] =	vst v12  }
0xac: {  	v16 =	vand.u32 $0x7F, v17;
	v17 =	vadd.s32 v3, v26;
	v26 =	vand.u32 $0xFFFFFF80, v25;
	v13 =	vld.idx.msk [tilespmem:v13+s11+$0x0], $0xffff  }
0xad: {  	v12 =	vand.u32 $0x7F, v25;
	v25 =	vadd.s32 v8, v26;
	v26 =	vadd.s32 $0x14, v4  }
0xae: {  	v27 =	vor.u32 v16, v17;
	v17 =	vor.u32 v12, v25;
	v12 =	vand.u32 $0xFFFFFF80, v26  }
0xaf: {  	s1 =	sor.u32 s21, s23;
	v28 =	vadd.s32 $0x16, v4;
	[tilespmem:s4+$0x280] =	vst v15;
	v16 =	vand.u32 $0x7F, v26;
	v12 =	vadd.s32 v8, v12  }
0xb0: {  	s1 =	sor.u32 $0x380, s1;
	v31 =	vadd.s32 $0x1A, v4;
	v11 =	vld.idx.msk [tilespmem:v11+s11+$0x0], $0xffff;
	v16 =	vor.u32 v16, v12;
	v12 =	vadd.s32 $0x15, v4  }
0xb1: {  	s26 =	sand.u32 $0x3, s23;
	v45 =	vadd.s32 $0x10, v2;
	v29 =	vand.u32 $0xFFFFFF80, v28;
	v26 =	vand.u32 $0xFFFFFF80, v12;
	[tilespmem:s1+$0x16800] =	vst v13  }
0xb2: {  	s4 =	sshll.u32 s26, $0x5;
	v13 =	vadd.s32 v8, v26;
	v26 =	vand.u32 $0x7F, v28;
	v28 =	vadd.s32 v8, v29;
	v29 =	vld.idx.msk [tilespmem:v14+s11+$0x0], $0xffff  }
0xb3: {  	v52 =	vadd.s32 $0x11, v2;
	v46 =	vand.u32 $0x7F, v45;
	v25 =	vadd.s32 $0xA, v2;
	s4 =	sadd.s32 $0x0, s4  }
0xb4: {  	v54 =	vand.u32 $0xFFFFFF80, v52;
	v55 =	vand.u32 $0x7F, v52;
	v15 =	vand.u32 $0xFFFFFF80, v25;
	s1 =	sor.u32 $0x300, s4  }
0xb5: {  	s5 =	sor.u32 $0x17000, s29;
	v25 =	vand.u32 $0x7F, v25;
	v15 =	vadd.s32 v3, v15;
	v12 =	vand.u32 $0x7F, v12;
	[tilespmem:s1+$0x16800] =	vst v11  }
0xb6: {  	v56 =	vadd.s32 v3, v54;
	s6 =	sor.u32 s30, s5;
	v25 =	vor.u32 v25, v15;
	v15 =	vor.u32 v12, v13;
	v9 =	vld.idx.msk [tilespmem:v9+s11+$0x0], $0xffff  }
0xb7: {  	v14 =	vor.u32 v26, v28;
	v12 =	vadd.s32 $0xB, v2;
	v13 =	vadd.s32 $0x17, v4;
	[tilespmem:s6+$0x0] =	vst v29  }
0xb8: {  	v26 =	vadd.s32 $0x18, v4;
	v11 =	vand.u32 $0xFFFFFF80, v12;
	v28 =	vand.u32 $0xFFFFFF80, v13;
	v27 =	vld.idx.msk [tilespmem:v27+s11+$0x0], $0xffff  }
0xb9: {  	s0 =	sor.u32 s23, s23;
	v12 =	vand.u32 $0x7F, v12;
	v13 =	vand.u32 $0x7F, v13;
	v11 =	vadd.s32 v3, v11  }
0xba: {  	s0 =	sor.u32 $0x380, s0;
	v28 =	vadd.s32 v8, v28;
	v30 =	vor.u32 v12, v11;
	v11 =	vand.u32 $0xFFFFFF80, v26  }
0xbb: {  	s7 =	sor.u32 $0x17080, s29;
	v13 =	vor.u32 v13, v28;
	v12 =	vand.u32 $0x7F, v26;
	v11 =	vadd.s32 v8, v11;
	[tilespmem:s0+$0x16800] =	vst v9  }
0xbc: {  	s8 =	sor.u32 s30, s7;
	v26 =	vadd.s32 $0x19, v4;
	v12 =	vor.u32 v12, v11;
	v11 =	vadd.s32 $0xC, v2;
	v7 =	vld.idx.msk [tilespmem:v7+s11+$0x0], $0xffff  }
0xbd: {  	v28 =	vand.u32 $0xFFFFFF80, v26;
	v26 =	vand.u32 $0x7F, v26;
	v29 =	vand.u32 $0xFFFFFF80, v11;
	[tilespmem:s8+$0x0] =	vst v27  }
0xbe: {  	v28 =	vadd.s32 v8, v28;
	v9 =	vand.u32 $0x7F, v11;
	v29 =	vadd.s32 v3, v29;
	v25 =	vld.idx.msk [tilespmem:v25+s11+$0x0], $0xffff  }
0xbf: {  	v11 =	vor.u32 v26, v28;
	v29 =	vor.u32 v9, v29;
	v9 =	vand.u32 $0xFFFFFF80, v31  }
0xc0: {  	s1 =	sor.u32 s31, s5;
	v26 =	vand.u32 $0x7F, v31;
	v28 =	vadd.s32 $0x1B, v4;
	v9 =	vadd.s32 v8, v9  }
0xc1: {  	s9 =	sor.u32 $0x17100, s29;
	v31 =	vadd.s32 $0xD, v2;
	v27 =	vor.u32 v26, v9;
	v9 =	vand.u32 $0xFFFFFF80, v28;
	[tilespmem:s1+$0x0] =	vst v7  }
0xc2: {  	s12 =	sor.u32 s30, s9;
	v26 =	vand.u32 $0x7F, v28;
	v28 =	vand.u32 $0xFFFFFF80, v31;
	v9 =	vadd.s32 v8, v9;
	v5 =	vld.idx.msk [tilespmem:v5+s11+$0x0], $0xffff  }
0xc3: {  	v7 =	vadd.s32 v3, v28;
	v28 =	vadd.s32 $0x1D, v4;
	v26 =	vor.u32 v26, v9;
	[tilespmem:s12+$0x0] =	vst v25  }
0xc4: {  	v9 =	vand.u32 $0x7F, v31;
	v31 =	vadd.s32 $0x1C, v4;
	v33 =	vand.u32 $0xFFFFFF80, v28;
	v30 =	vld.idx.msk [tilespmem:v30+s11+$0x0], $0xffff  }
0xc5: {  	v28 =	vand.u32 $0x7F, v28;
	v32 =	vand.u32 $0xFFFFFF80, v31;
	v31 =	vand.u32 $0x7F, v31  }
0xc6: {  	s0 =	sor.u32 s31, s7;
	v34 =	vor.u32 v9, v7;
	v7 =	vadd.s32 v8, v33;
	v32 =	vadd.s32 v8, v32  }
0xc7: {  	s14 =	sor.u32 $0x17180, s29;
	v7 =	vor.u32 v28, v7;
	v9 =	vor.u32 v31, v32;
	v31 =	vadd.s32 $0x1E, v4;
	[tilespmem:s0+$0x0] =	vst v5  }
0xc8: {  	s13 =	simm.s32 $0x6630;
	s16 =	sor.u32 s30, s14;
	v4 =	vadd.s32 $0x1F, v4;
	v25 =	vadd.s32 $0xE, v2;
	v38 =	vand.u32 $0xFFFFFF80, v31;
	v35 =	vld.idx.msk [tilespmem:v6+s11+$0x0], $0xffff  }
0xc9: {  	v31 =	vand.u32 $0x7F, v31;
	v39 =	vand.u32 $0xFFFFFF80, v4;
	v4 =	vand.u32 $0x7F, v4;
	v5 =	vld [tilespmem:s13+$0x0];
	[tilespmem:s16+$0x0] =	vst v30  }
0xca: {  	v37 =	vand.u32 $0xFFFFFF80, v25;
	v25 =	vand.u32 $0x7F, v25;
	v32 =	vadd.s32 v8, v38;
	v29 =	vld.idx.msk [tilespmem:v29+s11+$0x0], $0xffff  }
0xcb: {  	v8 =	vadd.s32 v8, v39;
	v6 =	vor.u32 v31, v32;
	v31 =	vadd.s32 $0xF, v2  }
0xcc: {  	s1 =	sor.u32 s31, s9;
	v28 =	vadd.s32 v3, v37;
	v4 =	vor.u32 v4, v8;
	v8 =	vand.u32 $0xFFFFFF80, v31  }
0xcd: {  	s10 =	simm.s32 $0x30;
	s17 =	sor.u32 $0x17200, s29;
	s7 =	simm.s32 $0x20;
	v25 =	vor.u32 v25, v28;
	v28 =	vld [tilespmem:s13+$0xFFFFFFF0];
	v31 =	vand.u32 $0x7F, v31;
	v41 =	vadd.s32 v3, v8;
	[tilespmem:s1+$0x0] =	vst v35  }
0xce: {  	s18 =	sor.u32 s30, s17;
	v40 =	vmov s7;
	v31 =	vor.u32 v31, v41;
	v30 =	vmov s10;
	v36 =	vld.idx.msk [tilespmem:v10+s11+$0x0], $0xffff  }
0xcf: {  	v42 =	vand.u32 $0xFFFFFF80, v5;
	v43 =	vand.u32 $0x7F, v5;
	v47 =	vadd.s32 $0x1, v5;
	[tilespmem:s18+$0x0] =	vst v29  }
0xd0: {  	v58 =	vadd.s32 $0x2, v5;
	v8 =	vshll.u32 v30, $0x7;
	v30 =	vshll.u32 v40, $0x7;
	v34 =	vld.idx.msk [tilespmem:v34+s11+$0x0], $0xffff  }
0xd1: {  	v38 =	vand.u32 $0xFFFFFF80, v47;
	v35 =	vand.u32 $0x7F, v47;
	v40 =	vor.u32 v55, v56  }
0xd2: {  	s0 =	sor.u32 s31, s14;
	v61 =	vand.u32 $0xFFFFFF80, v58;
	v62 =	vand.u32 $0x7F, v58;
	v8 =	vor.u32 v1, v8  }
0xd3: {  	s19 =	sor.u32 $0x17280, s29;
	v44 =	vand.u32 $0xFFFFFF80, v28;
	v37 =	vand.u32 $0x7F, v28;
	v10 =	vor.u32 v1, v30;
	[tilespmem:s0+$0x0] =	vst v36  }
0xd4: {  	s20 =	sor.u32 s30, s19;
	v30 =	vand.u32 $0xFFFFFF80, v45;
	v48 =	vadd.s32 $0x1, v28;
	v49 =	vadd.s32 $0x2, v28;
	v24 =	vld.idx.msk [tilespmem:v24+s11+$0x0], $0xffff  }
0xd5: {  	v57 =	vadd.s32 $0x3, v28;
	v45 =	vadd.s32 $0x12, v2;
	v54 =	vadd.s32 $0x6, v28;
	[tilespmem:s20+$0x0] =	vst v34  }
0xd6: {  	v55 =	vadd.s32 $0x7, v28;
	v32 =	vadd.s32 v8, v42;
	v30 =	vadd.s32 v3, v30;
	v25 =	vld.idx.msk [tilespmem:v25+s11+$0x0], $0xffff  }
0xd7: {  	v39 =	vand.u32 $0xFFFFFF80, v48;
	v38 =	vadd.s32 v8, v38;
	v33 =	vand.u32 $0x7F, v48  }
0xd8: {  	s1 =	sor.u32 s31, s17;
	v51 =	vand.u32 $0xFFFFFF80, v49;
	v53 =	vand.u32 $0x7F, v49;
	v59 =	vand.u32 $0xFFFFFF80, v57  }
0xd9: {  	s21 =	sor.u32 $0x17300, s29;
	v60 =	vand.u32 $0x7F, v57;
	v41 =	vand.u32 $0xFFFFFF80, v45;
	v42 =	vadd.s32 $0x3, v5;
	[tilespmem:s1+$0x0] =	vst v24  }
0xda: {  	s23 =	sor.u32 s30, s21;
	v56 =	vand.u32 $0xFFFFFF80, v54;
	v57 =	vand.u32 $0xFFFFFF80, v55;
	v32 =	vor.u32 v43, v32;
	v63 =	vld.idx.msk [tilespmem:v23+s11+$0x0], $0xffff  }
0xdb: {  	v30 =	vor.u32 v46, v30;
	v50 =	vadd.s32 v10, v39;
	v38 =	vor.u32 v35, v38;
	[tilespmem:s23+$0x0] =	vst v25  }
0xdc: {  	v35 =	vadd.s32 v10, v51;
	v46 =	vadd.s32 $0x5, v28;
	v47 =	vadd.s32 v3, v41;
	v31 =	vld.idx.msk [tilespmem:v31+s11+$0x0], $0xffff  }
0xdd: {  	v51 =	vand.u32 $0xFFFFFF80, v42;
	v43 =	vadd.s32 $0x13, v2;
	v29 =	vadd.s32 v10, v44  }
0xde: {  	v33 =	vor.u32 v33, v50;
	v39 =	vor.u32 v53, v35;
	v29 =	vor.u32 v37, v29;
	s0 =	sor.u32 s31, s19  }
0xdf: {  	s24 =	sor.u32 $0x17380, s29;
	v48 =	vand.u32 $0xFFFFFF80, v46;
	v49 =	vand.u32 $0x7F, v46;
	v53 =	vand.u32 $0x7F, v42;
	[tilespmem:s0+$0x0] =	vst v63  }
0xe0: {  	s25 =	sor.u32 s30, s24;
	v35 =	vand.u32 $0x7F, v54;
	v42 =	vadd.s32 v10, v56;
	v58 =	vand.u32 $0x7F, v43;
	v52 =	vld.idx.msk [tilespmem:v22+s11+$0x0], $0xffff  }
0xe1: {  	v46 =	vadd.s32 $0x14, v2;
	v54 =	vadd.s32 $0x16, v2;
	v50 =	vadd.s32 v10, v48;
	v32 =	vld.idx.msk [tilespmem:v32+s11+$0x0], $0xffff;
	[tilespmem:s25+$0x0] =	vst v31  }
0xe2: {  	s8 =	simm.s32 $0x100;
	v35 =	vor.u32 v35, v42;
	v48 =	vadd.s32 $0x5, v5;
	v36 =	vadd.s32 v8, v61;
	v30 =	vld.idx.msk [tilespmem:v30+s11+$0x0], $0xffff  }
0xe3: {  	v36 =	vor.u32 v62, v36;
	v29 =	vld.idx.msk [tilespmem:v29+s11+$0x0], $0xffff;
	v34 =	vadd.s32 v10, v57;
	v24 =	vadd.s32 v10, v59;
	s1 =	sand.u32 $0x400, s8  }
0xe4: {  	s4 =	sor.u32 s31, s21;
	v57 =	vadd.s32 $0x7, v5;
	v59 =	vadd.s32 $0x4, v5;
	v24 =	vor.u32 v60, v24;
	s6 =	sor.u32 $0x16800, s1;
	s0 =	sand.u32 $0x70, s10  }
0xe5: {  	s14 =	sor.u32 $0x17800, s29;
	v23 =	vadd.s32 $0x4, v28;
	v60 =	vadd.s32 $0x8, v28;
	v61 =	vand.u32 $0xFFFFFF80, v59;
	s13 =	sor.u32 s0, s6;
	[tilespmem:s4+$0x0] =	vst v52  }
0xe6: {  	s16 =	sor.u32 s30, s14;
	v25 =	vand.u32 $0xFFFFFF80, v23;
	v23 =	vand.u32 $0x7F, v23;
	[tilespmem:s13+$0x0] =	vst v32;
	v31 =	vadd.s32 v8, v51;
	s4 =	sand.u32 $0x60, s7;
	v21 =	vld.idx.msk [tilespmem:v21+s11+$0x0], $0xffff  }
0xe7: {  	v25 =	vadd.s32 v10, v25;
	v38 =	vld.idx.msk [tilespmem:v38+s11+$0x0], $0xffff;
	v44 =	vor.u32 v53, v31;
	v31 =	vand.u32 $0xFFFFFF80, v43;
	s12 =	sor.u32 s4, s6;
	[tilespmem:s16+$0x0] =	vst v30  }
0xe8: {  	v23 =	vor.u32 v23, v25;
	v25 =	vand.u32 $0x7F, v45;
	v31 =	vadd.s32 v3, v31;
	[tilespmem:s12+$0x0] =	vst v29;
	v29 =	vld.idx.msk [tilespmem:v40+s11+$0x0], $0xffff  }
0xe9: {  	v25 =	vor.u32 v25, v47;
	v42 =	vor.u32 v58, v31;
	v31 =	vand.u32 $0x7F, v55  }
0xea: {  	s5 =	sor.u32 s31, s24;
	v34 =	vor.u32 v31, v34;
	v31 =	vadd.s32 v8, v61;
	v30 =	vand.u32 $0x7F, v59  }
0xeb: {  	s26 =	sor.u32 $0x17880, s29;
	v62 =	vand.u32 $0xFFFFFF80, v60;
	v22 =	vor.u32 v49, v50;
	v63 =	vor.u32 v30, v31;
	v30 =	vld.idx.msk [tilespmem:v33+s11+$0x0], $0xffff;
	[tilespmem:s5+$0x0] =	vst v21  }
0xec: {  	s9 =	sor.u32 s30, s26;
	v45 =	vadd.s32 $0x9, v28;
	v50 =	vadd.s32 $0x6, v5;
	v32 =	vand.u32 $0x7F, v60;
	[tilespmem:s13+$0x80] =	vst v38;
	v20 =	vld.idx.msk [tilespmem:v20+s11+$0x0], $0xffff  }
0xed: {  	v47 =	vand.u32 $0xFFFFFF80, v46;
	v37 =	vand.u32 $0x7F, v45;
	v36 =	vld.idx.msk [tilespmem:v36+s11+$0x0], $0xffff;
	v31 =	vadd.s32 v10, v62;
	[tilespmem:s9+$0x0] =	vst v29  }
0xee: {  	v60 =	vadd.s32 $0x10, v28;
	v33 =	vor.u32 v32, v31;
	v31 =	vand.u32 $0xFFFFFF80, v45;
	v25 =	vld.idx.msk [tilespmem:v25+s11+$0x0], $0xffff  }
0xef: {  	v32 =	vadd.s32 v3, v47;
	v21 =	vadd.s32 v10, v31;
	v31 =	vand.u32 $0x7F, v46  }
0xf0: {  	s14 =	sor.u32 s31, s14;
	v41 =	vor.u32 v31, v32;
	v32 =	vor.u32 v37, v21;
	v21 =	vadd.s32 $0xA, v28;
	[tilespmem:s12+$0x80] =	vst v30  }
0xf1: {  	s16 =	sor.u32 $0x17900, s29;
	v31 =	vand.u32 $0x7F, v48;
	v29 =	vand.u32 $0xFFFFFF80, v48;
	v30 =	vand.u32 $0xFFFFFF80, v21;
	v49 =	vld.idx.msk [tilespmem:v39+s11+$0x0], $0xffff;
	[tilespmem:s14+$0x0] =	vst v20  }
0xf2: {  	s17 =	sor.u32 s30, s16;
	[tilespmem:s13+$0x100] =	vst v36;
	v21 =	vand.u32 $0x7F, v21;
	v29 =	vadd.s32 v8, v29;
	v30 =	vadd.s32 v10, v30;
	v19 =	vld.idx.msk [tilespmem:v19+s11+$0x0], $0xffff  }
0xf3: {  	v38 =	vor.u32 v31, v29;
	v31 =	vor.u32 v21, v30;
	v21 =	vadd.s32 $0xB, v28;
	[tilespmem:s17+$0x0] =	vst v25;
	v25 =	vld.idx.msk [tilespmem:v44+s11+$0x0], $0xffff  }
0xf4: {  	v52 =	vadd.s32 $0xC, v28;
	v29 =	vadd.s32 $0x15, v2;
	v20 =	vand.u32 $0xFFFFFF80, v21  }
0xf5: {  	v21 =	vand.u32 $0x7F, v21;
	v30 =	vand.u32 $0xFFFFFF80, v29;
	v20 =	vadd.s32 v10, v20  }
0xf6: {  	v59 =	vadd.s32 $0x17, v2;
	s5 =	sor.u32 s31, s26;
	v51 =	vadd.s32 v3, v30;
	v30 =	vor.u32 v21, v20;
	[tilespmem:s12+$0x100] =	vst v49;
	v21 =	vld.idx.msk [tilespmem:v42+s11+$0x0], $0xffff  }
0xf7: {  	v53 =	vadd.s32 $0xD, v28;
	v55 =	vand.u32 $0xFFFFFF80, v54;
	v61 =	vand.u32 $0xFFFFFF80, v59;
	v24 =	vld.idx.msk [tilespmem:v24+s11+$0x0], $0xffff;
	[tilespmem:s5+$0x0] =	vst v19  }
0xf8: {  	v58 =	vand.u32 $0xFFFFFF80, v57;
	v62 =	vadd.s32 v3, v61;
	v47 =	vadd.s32 $0x11, v28;
	v18 =	vld.idx.msk [tilespmem:v18+s11+$0x0], $0xffff;
	[tilespmem:s13+$0x180] =	vst v25  }
0xf9: {  	s18 =	sor.u32 $0x17980, s29;
	v61 =	vadd.s32 $0xA, v5;
	v36 =	vand.u32 $0x7F, v50;
	v37 =	vand.u32 $0x7F, v52;
	v40 =	vld.idx.msk [tilespmem:v63+s11+$0x0], $0xffff  }
0xfa: {  	s19 =	sor.u32 s30, s18;
	v48 =	vadd.s32 $0x12, v28;
	v29 =	vand.u32 $0x7F, v29;
	v19 =	vand.u32 $0xFFFFFF80, v53  }
0xfb: {  	v20 =	vand.u32 $0xFFFFFF80, v50;
	v19 =	vadd.s32 v10, v19;
	v25 =	vand.u32 $0x7F, v53;
	[tilespmem:s19+$0x0] =	vst v21  }
0xfc: {  	s6 =	sor.u32 s31, s16;
	v25 =	vor.u32 v25, v19;
	v19 =	vand.u32 $0x7F, v54;
	v21 =	vadd.s32 v3, v55;
	[tilespmem:s12+$0x180] =	vst v24;
	v56 =	vld.idx.msk [tilespmem:v41+s11+$0x0], $0xffff  }
0xfd: {  	v39 =	vor.u32 v29, v51;
	v29 =	vand.u32 $0xFFFFFF80, v52;
	v19 =	vor.u32 v19, v21;
	v21 =	vld.idx.msk [tilespmem:v23+s11+$0x0], $0xffff;
	[tilespmem:s6+$0x0] =	vst v18  }
0xfe: {  	v50 =	vadd.s32 $0x18, v2;
	v51 =	vand.u32 $0xFFFFFF80, v48;
	v20 =	vadd.s32 v8, v20;
	v17 =	vld.idx.msk [tilespmem:v17+s11+$0x0], $0xffff;
	[tilespmem:s13+$0x200] =	vst v40  }
0xff: {  	s20 =	sor.u32 $0x17A00, s29;
	v29 =	vadd.s32 v10, v29;
	v44 =	vadd.s32 $0x8, v5;
	v49 =	vand.u32 $0x7F, v47;
	v38 =	vld.idx.msk [tilespmem:v38+s11+$0x0], $0xffff  }
0x100: {  	s21 =	sor.u32 s30, s20;
	v52 =	vand.u32 $0xFFFFFF80, v50;
	v20 =	vor.u32 v36, v20;
	v29 =	vor.u32 v37, v29  }
0x101: {  	v37 =	vand.u32 $0x7F, v57;
	v36 =	vand.u32 $0x7F, v60;
	v45 =	vand.u32 $0xFFFFFF80, v44;
	[tilespmem:s21+$0x0] =	vst v56  }
0x102: {  	s5 =	sor.u32 s31, s18;
	v46 =	vadd.s32 v8, v45;
	v53 =	vand.u32 $0x7F, v50;
	v24 =	vadd.s32 $0xE, v28;
	[tilespmem:s12+$0x200] =	vst v21;
	v21 =	vld.idx.msk [tilespmem:v39+s11+$0x0], $0xffff  }
0x103: {  	v54 =	vadd.s32 v3, v52;
	v55 =	vadd.s32 $0x9, v5;
	v52 =	vadd.s32 $0x1B, v2;
	v63 =	vld.idx.msk [tilespmem:v22+s11+$0x0], $0xffff;
	[tilespmem:s5+$0x0] =	vst v17  }
0x104: {  	s24 =	simm.s32 $0x2;
	v23 =	vand.u32 $0xFFFFFF80, v24;
	v24 =	vand.u32 $0x7F, v24;
	v41 =	vadd.s32 v8, v58;
	v16 =	vld.idx.msk [tilespmem:v16+s11+$0x0], $0xffff;
	[tilespmem:s13+$0x280] =	vst v38  }
0x105: {  	s23 =	sor.u32 $0x17A80, s29;
	s9 =	sand.u32 $0x7, s24;
	v18 =	vadd.s32 $0xF, v28;
	v57 =	vand.u32 $0xFFFFFF80, v55;
	v23 =	vadd.s32 v10, v23;
	v20 =	vld.idx.msk [tilespmem:v20+s11+$0x0], $0xffff  }
0x106: {  	s26 =	sor.u32 s30, s23;
	s14 =	sshll.u32 s9, $0x4;
	v37 =	vor.u32 v37, v41;
	v24 =	vor.u32 v24, v23;
	v23 =	vand.u32 $0xFFFFFF80, v18  }
0x107: {  	s16 =	sadd.s32 $0x100, s14;
	v58 =	vadd.s32 $0x14, v28;
	v18 =	vand.u32 $0x7F, v18;
	v23 =	vadd.s32 v10, v23;
	[tilespmem:s26+$0x0] =	vst v21  }
0x108: {  	s6 =	sor.u32 s31, s20;
	v23 =	vor.u32 v18, v23;
	v18 =	vand.u32 $0x7F, v59;
	v40 =	vadd.s32 v10, v51;
	[tilespmem:s12+$0x280] =	vst v63;
	s12 =	sadd.s32 $0x10, s16;
	v19 =	vld.idx.msk [tilespmem:v19+s11+$0x0], $0xffff  }
0x109: {  	s25 =	simm.s32 $0x1;
	v59 =	vadd.s32 $0x19, v2;
	v18 =	vor.u32 v18, v62;
	v56 =	vadd.s32 $0x13, v28;
	v35 =	vld.idx.msk [tilespmem:v35+s11+$0x0], $0xffff;
	s12 =	sor.u32 $0x300, s12;
	[tilespmem:s6+$0x0] =	vst v16  }
0x10a: {  	s17 =	sand.u32 $0x3, s25;
	v62 =	vand.u32 $0xFFFFFF80, v61;
	v22 =	vand.u32 $0xFFFFFF80, v60;
	v17 =	vand.u32 $0x7F, v44;
	v15 =	vld.idx.msk [tilespmem:v15+s11+$0x0], $0xffff;
	[tilespmem:s12+$0x16800] =	vst v20  }
0x10b: {  	s18 =	sor.u32 $0x17B00, s29;
	v39 =	vadd.s32 v8, v57;
	v60 =	vand.u32 $0xFFFFFF80, v59;
	v42 =	vadd.s32 v8, v62;
	s13 =	sshll.u32 s17, $0x5;
	v37 =	vld.idx.msk [tilespmem:v37+s11+$0x0], $0xffff  }
0x10c: {  	s20 =	sor.u32 s30, s18;
	v57 =	vadd.s32 $0xC, v5;
	v17 =	vor.u32 v17, v46;
	s19 =	sadd.s32 $0x100, s13;
	v16 =	vand.u32 $0x7F, v48  }
0x10d: {  	v22 =	vadd.s32 v10, v22;
	v20 =	vor.u32 v16, v40;
	v16 =	vand.u32 $0x7F, v55;
	s12 =	sor.u32 $0x300, s19;
	[tilespmem:s20+$0x0] =	vst v19  }
0x10e: {  	s10 =	sor.u32 s10, s8;
	s5 =	sor.u32 s31, s23;
	v62 =	vadd.s32 $0x1C, v2;
	v22 =	vor.u32 v36, v22;
	v39 =	vor.u32 v16, v39;
	[tilespmem:s12+$0x16800] =	vst v35;
	v16 =	vld.idx.msk [tilespmem:v18+s11+$0x0], $0xffff  }
0x10f: {  	s10 =	sor.u32 $0x380, s10;
	v36 =	vor.u32 v53, v54;
	v53 =	vand.u32 $0xFFFFFF80, v52;
	v21 =	vand.u32 $0xFFFFFF80, v47;
	v34 =	vld.idx.msk [tilespmem:v34+s11+$0x0], $0xffff;
	[tilespmem:s5+$0x0] =	vst v15  }
0x110: {  	v38 =	vand.u32 $0x7F, v56;
	v21 =	vadd.s32 v10, v21;
	v48 =	vadd.s32 $0x18, v28;
	v14 =	vld.idx.msk [tilespmem:v14+s11+$0x0], $0xffff;
	[tilespmem:s10+$0x16800] =	vst v37  }
0x111: {  	s21 =	sor.u32 $0x17B80, s29;
	v21 =	vor.u32 v49, v21;
	v40 =	vand.u32 $0x7F, v59;
	v19 =	vand.u32 $0xFFFFFF80, v56;
	v63 =	vld.idx.msk [tilespmem:v17+s11+$0x0], $0xffff  }
0x112: {  	s23 =	sor.u32 s7, s8;
	s26 =	sor.u32 s30, s21;
	v59 =	vand.u32 $0xFFFFFF80, v57;
	v56 =	vadd.s32 $0x19, v28;
	v18 =	vadd.s32 v10, v19  }
0x113: {  	s12 =	sor.u32 $0x380, s23;
	v15 =	vand.u32 $0x7F, v58;
	v19 =	vor.u32 v38, v18;
	v18 =	vand.u32 $0xFFFFFF80, v58;
	[tilespmem:s26+$0x0] =	vst v16  }
0x114: {  	s9 =	sor.u32 $0x17000, s1;
	s6 =	sor.u32 s31, s18;
	v38 =	vadd.s32 v3, v60;
	v60 =	vadd.s32 $0x1A, v28;
	v18 =	vadd.s32 v10, v18;
	[tilespmem:s12+$0x16800] =	vst v34;
	v43 =	vld.idx.msk [tilespmem:v36+s11+$0x0], $0xffff  }
0x115: {  	v38 =	vor.u32 v40, v38;
	v18 =	vor.u32 v15, v18;
	v15 =	vadd.s32 $0x15, v28;
	s12 =	sor.u32 s0, s9;
	v33 =	vld.idx.msk [tilespmem:v33+s11+$0x0], $0xffff;
	[tilespmem:s6+$0x0] =	vst v14  }
0x116: {  	v16 =	vand.u32 $0xFFFFFF80, v15;
	v17 =	vand.u32 $0x7F, v61;
	v15 =	vand.u32 $0x7F, v15;
	v13 =	vld.idx.msk [tilespmem:v13+s11+$0x0], $0xffff;
	[tilespmem:s12+$0x0] =	vst v63  }
0x117: {  	s13 =	sor.u32 $0x18000, s29;
	v61 =	vand.u32 $0xFFFFFF80, v60;
	v16 =	vadd.s32 v10, v16;
	v35 =	vor.u32 v17, v42;
	v47 =	vld.idx.msk [tilespmem:v39+s11+$0x0], $0xffff  }
0x118: {  	s14 =	sor.u32 s30, s13;
	v17 =	vor.u32 v15, v16;
	v15 =	vadd.s32 $0x16, v28;
	v16 =	vadd.s32 $0x1A, v2  }
0x119: {  	s10 =	sor.u32 s4, s9;
	v44 =	vand.u32 $0xFFFFFF80, v15;
	v15 =	vand.u32 $0x7F, v15;
	v45 =	vand.u32 $0xFFFFFF80, v16;
	[tilespmem:s14+$0x0] =	vst v43  }
0x11a: {  	s16 =	sor.u32 $0x17080, s1;
	s5 =	sor.u32 s31, s21;
	v46 =	vand.u32 $0x7F, v16;
	v14 =	vadd.s32 v10, v44;
	v37 =	vadd.s32 v3, v45;
	[tilespmem:s10+$0x0] =	vst v33;
	v50 =	vld.idx.msk [tilespmem:v38+s11+$0x0], $0xffff  }
0x11b: {  	s17 =	sor.u32 s0, s16;
	v16 =	vor.u32 v15, v14;
	v14 =	vadd.s32 $0xB, v5;
	v36 =	vor.u32 v46, v37;
	v32 =	vld.idx.msk [tilespmem:v32+s11+$0x0], $0xffff;
	[tilespmem:s5+$0x0] =	vst v13  }
0x11c: {  	v42 =	vadd.s32 $0x1B, v28;
	v44 =	vand.u32 $0x7F, v62;
	v49 =	vand.u32 $0xFFFFFF80, v14;
	v54 =	vld.idx.msk [tilespmem:v12+s11+$0x0], $0xffff;
	[tilespmem:s17+$0x0] =	vst v47  }
0x11d: {  	s18 =	sor.u32 $0x18080, s29;
	v15 =	vadd.s32 $0x17, v28;
	v14 =	vand.u32 $0x7F, v14;
	v39 =	vadd.s32 v8, v49;
	v55 =	vld.idx.msk [tilespmem:v35+s11+$0x0], $0xffff  }
0x11e: {  	s19 =	sor.u32 s30, s18;
	v46 =	vadd.s32 $0xD, v5;
	v39 =	vor.u32 v14, v39;
	v14 =	vand.u32 $0xFFFFFF80, v48  }
0x11f: {  	s6 =	sor.u32 s4, s16;
	v51 =	vand.u32 $0xFFFFFF80, v15;
	v13 =	vand.u32 $0x7F, v48;
	v14 =	vadd.s32 v10, v14;
	[tilespmem:s19+$0x0] =	vst v50  }
0x120: {  	s20 =	sor.u32 s31, s13;
	s21 =	sor.u32 $0x17100, s1;
	v12 =	vand.u32 $0x7F, v52;
	v14 =	vor.u32 v13, v14;
	v13 =	vadd.s32 v3, v53;
	[tilespmem:s6+$0x0] =	vst v32;
	v58 =	vld.idx.msk [tilespmem:v36+s11+$0x0], $0xffff  }
0x121: {  	s23 =	sor.u32 s0, s21;
	v15 =	vand.u32 $0x7F, v15;
	v43 =	vand.u32 $0xFFFFFF80, v62;
	v13 =	vor.u32 v12, v13;
	v31 =	vld.idx.msk [tilespmem:v31+s11+$0x0], $0xffff;
	[tilespmem:s20+$0x0] =	vst v54  }
0x122: {  	v33 =	vand.u32 $0x7F, v56;
	v38 =	vadd.s32 v10, v51;
	v45 =	vadd.s32 v3, v43;
	v63 =	vld.idx.msk [tilespmem:v11+s11+$0x0], $0xffff;
	[tilespmem:s23+$0x0] =	vst v55  }
0x123: {  	s26 =	sor.u32 $0x18100, s29;
	v49 =	vand.u32 $0x7F, v46;
	v35 =	vand.u32 $0x7F, v57;
	v36 =	vadd.s32 v8, v59;
	v39 =	vld.idx.msk [tilespmem:v39+s11+$0x0], $0xffff  }
0x124: {  	s9 =	sor.u32 s30, s26;
	v51 =	vadd.s32 $0x1D, v28;
	v15 =	vor.u32 v15, v38;
	v35 =	vor.u32 v35, v36  }
0x125: {  	s10 =	sor.u32 s4, s21;
	v48 =	vand.u32 $0xFFFFFF80, v46;
	v53 =	vadd.s32 $0x1D, v2;
	v12 =	vand.u32 $0xFFFFFF80, v56;
	[tilespmem:s9+$0x0] =	vst v58  }
0x126: {  	s13 =	sor.u32 $0x17180, s1;
	s5 =	sor.u32 s31, s18;
	v47 =	vand.u32 $0x7F, v42;
	v12 =	vadd.s32 v10, v12;
	v32 =	vor.u32 v44, v45;
	[tilespmem:s10+$0x0] =	vst v31;
	v31 =	vld.idx.msk [tilespmem:v13+s11+$0x0], $0xffff  }
0x127: {  	s14 =	sor.u32 s0, s13;
	v50 =	vadd.s32 $0x1C, v28;
	v12 =	vor.u32 v33, v12;
	v33 =	vand.u32 $0x7F, v60;
	v30 =	vld.idx.msk [tilespmem:v30+s11+$0x0], $0xffff;
	[tilespmem:s5+$0x0] =	vst v63  }
0x128: {  	v52 =	vand.u32 $0xFFFFFF80, v50;
	v34 =	vand.u32 $0x7F, v50;
	v54 =	vand.u32 $0xFFFFFF80, v51;
	v27 =	vld.idx.msk [tilespmem:v27+s11+$0x0], $0xffff;
	[tilespmem:s14+$0x0] =	vst v39  }
0x129: {  	s16 =	sor.u32 $0x18180, s29;
	v59 =	vadd.s32 $0xE, v5;
	v11 =	vadd.s32 v10, v61;
	v36 =	vadd.s32 v8, v48;
	v35 =	vld.idx.msk [tilespmem:v35+s11+$0x0], $0xffff  }
0x12a: {  	s17 =	sor.u32 s30, s16;
	v60 =	vand.u32 $0x7F, v51;
	v11 =	vor.u32 v33, v11;
	v33 =	vor.u32 v49, v36  }
0x12b: {  	v61 =	vadd.s32 $0x1E, v28;
	v55 =	vand.u32 $0xFFFFFF80, v53;
	s10 =	sor.u32 s4, s13;
	[tilespmem:s17+$0x0] =	vst v31;
	v31 =	vadd.s32 v10, v52  }
0x12c: {  	s18 =	sor.u32 $0x17200, s1;
	s6 =	sor.u32 s31, s26;
	v57 =	vadd.s32 v3, v55;
	[tilespmem:s10+$0x0] =	vst v30;
	v56 =	vld.idx.msk [tilespmem:v32+s11+$0x0], $0xffff;
	v30 =	vor.u32 v34, v31;
	v31 =	vand.u32 $0x7F, v53  }
0x12d: {  	s19 =	sor.u32 s0, s18;
	v62 =	vand.u32 $0xFFFFFF80, v59;
	v13 =	vand.u32 $0xFFFFFF80, v42;
	v58 =	vld.idx.msk [tilespmem:v29+s11+$0x0], $0xffff;
	[tilespmem:s6+$0x0] =	vst v27;
	v31 =	vor.u32 v31, v57  }
0x12e: {  	v28 =	vadd.s32 $0x1F, v28;
	v37 =	vand.u32 $0x7F, v61;
	v13 =	vadd.s32 v10, v13;
	v32 =	vld.idx.msk [tilespmem:v26+s11+$0x0], $0xffff;
	[tilespmem:s19+$0x0] =	vst v35  }
0x12f: {  	s20 =	sor.u32 $0x18200, s29;
	v63 =	vadd.s32 v8, v62;
	v13 =	vor.u32 v47, v13;
	v27 =	vand.u32 $0x7F, v59;
	v36 =	vld.idx.msk [tilespmem:v33+s11+$0x0], $0xffff  }
0x130: {  	s21 =	sor.u32 s30, s20;
	v29 =	vadd.s32 v10, v54;
	v26 =	vand.u32 $0xFFFFFF80, v61;
	v35 =	vor.u32 v27, v63  }
0x131: {  	s12 =	sor.u32 s31, s16;
	s26 =	simm.s32 $0x2;
	s23 =	sor.u32 s4, s18;
	v29 =	vor.u32 v60, v29;
	v26 =	vadd.s32 v10, v26;
	[tilespmem:s21+$0x0] =	vst v56;
	v33 =	vadd.s32 $0x1E, v2  }
0x132: {  	s13 =	sor.u32 s31, s20;
	s5 =	sor.u32 $0x17280, s1;
	s10 =	simm.s32 $0x6650;
	v27 =	vor.u32 v37, v26;
	v26 =	vand.u32 $0xFFFFFF80, v28;
	[tilespmem:s23+$0x0] =	vst v58;
	v31 =	vld.idx.msk [tilespmem:v31+s11+$0x0], $0xffff;
	v34 =	vand.u32 $0xFFFFFF80, v33  }
.LBB2_7:
0x133: {  	v37 =	vld [tilespmem:s10+$0x0];
	s26 =	sadd.s32 $0x2, s26;
	s14 =	sor.u32 s4, s5;
	v10 =	vadd.s32 v10, v26;
	s5 =	sor.u32 s0, s5;
	[tilespmem:s12+$0x0] =	vst v32;
	v32 =	vand.u32 $0x7F, v33;
	v33 =	vadd.s32 v3, v34  }
0x134: {  	v28 =	vand.u32 $0x7F, v28;
	v34 =	vadd.s32 $0xF, v5;
	s7 =	sadd.s32 $0x20, s7;
	v26 =	vld [tilespmem:s10+$0xFFFFFFF0];
	p1 =	slt.u32 s26, $0xE;
	[tilespmem:s5+$0x0] =	vst v36;
	v32 =	vor.u32 v32, v33  }
0x135: {  	v33 =	vmov s7;
	s21 =	sand.u32 $0x60, s7;
	s12 =	sadd.s32 $0x10, s7;
	v28 =	vor.u32 v28, v10;
	v10 =	vld.idx.msk [tilespmem:v35+s11+$0x0], $0xffff;
	v35 =	vand.u32 $0xFFFFFF80, v34  }
0x136: {  	s6 =	sor.u32 $0x18280, s29;
	v36 =	vmov s12;
	v34 =	vand.u32 $0x7F, v34;
	v25 =	vld.idx.msk [tilespmem:v25+s11+$0x0], $0xffff;
	v35 =	vadd.s32 v8, v35  }
0x137: {  	s5 =	sor.u32 s31, s6;
	s6 =	sor.u32 s30, s6;
	v33 =	vshll.u32 v33, $0x7;
	v36 =	vshll.u32 v36, $0x7;
	v34 =	vor.u32 v34, v35;
	v35 =	vld.idx.msk [tilespmem:v9+s11+$0x0], $0xffff;
	v9 =	vmovc v30  }
0x138: {  	v36 =	vor.u32 v1, v36;
	v30 =	vand.u32 $0xFFFFFF80, v37;
	[tilespmem:s6+$0x0] =	vst v31;
	v31 =	vadd.s32 $0x1F, v2;
	v2 =	vmovc v5;
	v5 =	vmovc v37  }
0x139: {  	s16 =	sor.u32 $0x17300, s1;
	v37 =	vand.u32 $0x7F, v5;
	v30 =	vadd.s32 v36, v30;
	v32 =	vld.idx.msk [tilespmem:v32+s11+$0x0], $0xffff;
	v38 =	vand.u32 $0xFFFFFF80, v31  }
0x13a: {  	s6 =	sor.u32 s4, s16;
	s16 =	sor.u32 s0, s16;
	v31 =	vand.u32 $0x7F, v31;
	v30 =	vor.u32 v37, v30;
	v37 =	vadd.s32 v3, v38;
	v3 =	vmovc v8;
	v8 =	vmovc v36  }
0x13b: {  	v36 =	vand.u32 $0xFFFFFF80, v26;
	v38 =	vadd.s32 $0x10, v2;
	[tilespmem:s16+$0x0] =	vst v10;
	v31 =	vor.u32 v31, v37  }
0x13c: {  	v37 =	vand.u32 $0x7F, v26;
	v10 =	vor.u32 v1, v33;
	v33 =	vand.u32 $0xFFFFFF80, v38;
	[tilespmem:s14+$0x0] =	vst v25;
	v25 =	vld.idx.msk [tilespmem:v34+s11+$0x0], $0xffff  }
0x13d: {  	v34 =	vadd.s32 v10, v36;
	v36 =	vand.u32 $0x7F, v38;
	v33 =	vadd.s32 v3, v33;
	v24 =	vld.idx.msk [tilespmem:v24+s11+$0x0], $0xffff;
	[tilespmem:s13+$0x0] =	vst v35;
	s13 =	sor.u32 $0x18300, s29  }
0x13e: {  	s25 =	sadd.s32 $0x1, s25;
	v34 =	vor.u32 v37, v34;
	v35 =	vadd.s32 $0x1, v5;
	v33 =	vor.u32 v36, v33;
	v36 =	vld.idx.msk [tilespmem:v7+s11+$0x0], $0xffff;
	s23 =	sor.u32 s31, s13;
	s13 =	sor.u32 s30, s13;
	v7 =	vmovc v29  }
0x13f: {  	s14 =	sand.u32 $0x3, s25;
	v37 =	vadd.s32 $0x2, v26;
	v29 =	vadd.s32 $0x1, v26;
	v38 =	vand.u32 $0xFFFFFF80, v35;
	v30 =	vld.idx.msk [tilespmem:v30+s11+$0x0], $0xffff;
	[tilespmem:s13+$0x0] =	vst v32  }
0x140: {  	v35 =	vand.u32 $0x7F, v35;
	s13 =	sshll.u32 s14, $0x5;
	v32 =	vand.u32 $0xFFFFFF80, v29;
	v38 =	vadd.s32 v8, v38;
	s14 =	sor.u32 $0x17380, s1;
	v31 =	vld.idx.msk [tilespmem:v31+s11+$0x0], $0xffff  }
0x141: {  	s8 =	sadd.s32 $0x100, s8;
	v29 =	vand.u32 $0x7F, v29;
	v32 =	vadd.s32 v10, v32;
	v35 =	vor.u32 v35, v38;
	s19 =	sor.u32 s4, s14;
	s14 =	sor.u32 s0, s14  }
0x142: {  	s20 =	sand.u32 $0x400, s8;
	s9 =	sor.u32 s7, s8;
	s13 =	sadd.s32 s13, s8;
	v29 =	vor.u32 v29, v32;
	v32 =	vand.u32 $0xFFFFFF80, v37;
	[tilespmem:s14+$0x0] =	vst v25;
	v25 =	vadd.s32 $0x11, v2  }
0x143: {  	s17 =	sor.u32 $0x16800, s20;
	s18 =	sand.u32 $0x70, s12;
	v37 =	vand.u32 $0x7F, v37;
	v32 =	vadd.s32 v10, v32;
	s14 =	sor.u32 $0x300, s13;
	[tilespmem:s6+$0x0] =	vst v24;
	v24 =	vld.idx.msk [tilespmem:v33+s11+$0x0], $0xffff;
	v33 =	vand.u32 $0xFFFFFF80, v25  }
0x144: {  	s16 =	sor.u32 s21, s17;
	s17 =	sor.u32 s18, s17;
	v32 =	vor.u32 v37, v32;
	v25 =	vand.u32 $0x7F, v25;
	v34 =	vld.idx.msk [tilespmem:v34+s11+$0x0], $0xffff;
	v33 =	vadd.s32 v3, v33;
	[tilespmem:s5+$0x0] =	vst v36;
	s5 =	sor.u32 $0x18380, s29  }
0x145: {  	s13 =	sor.u32 $0x380, s9;
	v36 =	vadd.s32 $0x3, v26;
	[tilespmem:s17+$0x0] =	vst v30;
	v30 =	vadd.s32 $0x2, v5;
	v23 =	vld.idx.msk [tilespmem:v23+s11+$0x0], $0xffff;
	v25 =	vor.u32 v25, v33;
	s6 =	sor.u32 s31, s5;
	s5 =	sor.u32 s30, s5  }
0x146: {  	s29 =	smov.u32 s1;
	v33 =	vand.u32 $0xFFFFFF80, v36;
	v36 =	vand.u32 $0x7F, v36;
	s31 =	smov.u32 s4;
	s4 =	smov.u32 s21;
	v35 =	vld.idx.msk [tilespmem:v35+s11+$0x0], $0xffff;
	v37 =	vand.u32 $0xFFFFFF80, v30;
	[tilespmem:s5+$0x0] =	vst v31  }
0x147: {  	s1 =	smov.u32 s20;
	s30 =	smov.u32 s0;
	v31 =	vadd.s32 v10, v33;
	v30 =	vand.u32 $0x7F, v30;
	s5 =	sor.u32 $0x17800, s29;
	v33 =	vadd.s32 v8, v37;
	v37 =	vld.idx.msk [tilespmem:v6+s11+$0x0], $0xffff;
	v6 =	vmovc v27  }
0x148: {  	s0 =	smov.u32 s18;
	v27 =	vor.u32 v36, v31;
	v31 =	vadd.s32 $0x4, v26;
	s9 =	sor.u32 s31, s5;
	s5 =	sor.u32 s30, s5;
	v30 =	vor.u32 v30, v33  }
0x149: {  	v33 =	vand.u32 $0xFFFFFF80, v31;
	v31 =	vand.u32 $0x7F, v31;
	[tilespmem:s5+$0x0] =	vst v24;
	v24 =	vadd.s32 $0x12, v2  }
0x14a: {  	v33 =	vadd.s32 v10, v33;
	[tilespmem:s16+$0x0] =	vst v34;
	v34 =	vadd.s32 $0x5, v26;
	v25 =	vld.idx.msk [tilespmem:v25+s11+$0x0], $0xffff;
	v36 =	vand.u32 $0xFFFFFF80, v24  }
0x14b: {  	v33 =	vor.u32 v31, v33;
	v29 =	vld.idx.msk [tilespmem:v29+s11+$0x0], $0xffff;
	[tilespmem:s19+$0x0] =	vst v23;
	v23 =	vand.u32 $0x7F, v24;
	v24 =	vadd.s32 v3, v36  }
0x14c: {  	v31 =	vand.u32 $0xFFFFFF80, v34;
	[tilespmem:s17+$0x80] =	vst v35;
	v35 =	vadd.s32 $0x3, v5;
	v36 =	vld.idx.msk [tilespmem:v22+s11+$0x0], $0xffff;
	v22 =	vor.u32 v23, v24  }
0x14d: {  	v23 =	vand.u32 $0x7F, v34;
	v24 =	vadd.s32 v10, v31;
	v30 =	vld.idx.msk [tilespmem:v30+s11+$0x0], $0xffff;
	v31 =	vand.u32 $0xFFFFFF80, v35;
	[tilespmem:s23+$0x0] =	vst v37  }
0x14e: {  	s5 =	sor.u32 $0x17880, s29;
	v23 =	vor.u32 v23, v24;
	v24 =	vand.u32 $0x7F, v35;
	v31 =	vadd.s32 v8, v31;
	v34 =	vld.idx.msk [tilespmem:v4+s11+$0x0], $0xffff;
	v4 =	vmovc v28  }
0x14f: {  	s18 =	sor.u32 s31, s5;
	s5 =	sor.u32 s30, s5;
	v35 =	vadd.s32 $0x7, v26;
	v28 =	vadd.s32 $0x6, v26;
	v24 =	vor.u32 v24, v31  }
0x150: {  	v31 =	vand.u32 $0xFFFFFF80, v28;
	v28 =	vand.u32 $0x7F, v28;
	[tilespmem:s5+$0x0] =	vst v25;
	v25 =	vadd.s32 $0x13, v2  }
0x151: {  	[tilespmem:s16+$0x80] =	vst v29;
	v29 =	vadd.s32 v10, v31;
	v31 =	vand.u32 $0xFFFFFF80, v35;
	v37 =	vld.idx.msk [tilespmem:v22+s11+$0x0], $0xffff;
	v38 =	vand.u32 $0xFFFFFF80, v25  }
0x152: {  	v25 =	vand.u32 $0x7F, v25;
	v32 =	vld.idx.msk [tilespmem:v32+s11+$0x0], $0xffff;
	v22 =	vor.u32 v28, v29;
	[tilespmem:s9+$0x0] =	vst v36;
	v28 =	vadd.s32 v3, v38  }
0x153: {  	v29 =	vadd.s32 v10, v31;
	[tilespmem:s17+$0x100] =	vst v30;
	v30 =	vadd.s32 $0x4, v5;
	v36 =	vld.idx.msk [tilespmem:v21+s11+$0x0], $0xffff;
	v25 =	vor.u32 v25, v28  }
0x154: {  	v21 =	vand.u32 $0x7F, v35;
	v28 =	vadd.s32 $0x8, v26;
	v24 =	vld.idx.msk [tilespmem:v24+s11+$0x0], $0xffff;
	v31 =	vand.u32 $0xFFFFFF80, v30;
	[tilespmem:s6+$0x0] =	vst v34  }
0x155: {  	s5 =	sor.u32 $0x17900, s29;
	v21 =	vor.u32 v21, v29;
	v29 =	vand.u32 $0x7F, v30;
	v30 =	vadd.s32 v8, v31  }
0x156: {  	s6 =	sor.u32 s31, s5;
	s5 =	sor.u32 s30, s5;
	v31 =	vand.u32 $0xFFFFFF80, v28;
	v28 =	vand.u32 $0x7F, v28;
	v29 =	vor.u32 v29, v30  }
0x157: {  	v35 =	vadd.s32 $0x14, v2;
	v34 =	vadd.s32 $0x9, v26;
	v30 =	vadd.s32 v10, v31;
	[tilespmem:s5+$0x0] =	vst v37  }
0x158: {  	v31 =	vor.u32 v28, v30;
	v28 =	vand.u32 $0xFFFFFF80, v34;
	v30 =	vand.u32 $0xFFFFFF80, v35;
	[tilespmem:s16+$0x100] =	vst v32;
	v25 =	vld.idx.msk [tilespmem:v25+s11+$0x0], $0xffff  }
0x159: {  	v28 =	vadd.s32 v10, v28;
	v32 =	vand.u32 $0x7F, v35;
	v30 =	vadd.s32 v3, v30;
	v27 =	vld.idx.msk [tilespmem:v27+s11+$0x0], $0xffff;
	[tilespmem:s18+$0x0] =	vst v36  }
0x15a: {  	v34 =	vand.u32 $0x7F, v34;
	v32 =	vor.u32 v32, v30;
	[tilespmem:s17+$0x180] =	vst v24;
	v24 =	vadd.s32 $0x5, v5;
	v20 =	vld.idx.msk [tilespmem:v20+s11+$0x0], $0xffff  }
0x15b: {  	v30 =	vor.u32 v34, v28;
	v28 =	vadd.s32 $0xA, v26;
	v34 =	vld.idx.msk [tilespmem:v29+s11+$0x0], $0xffff;
	v29 =	vand.u32 $0xFFFFFF80, v24  }
0x15c: {  	s5 =	sor.u32 $0x17980, s29;
	v35 =	vand.u32 $0xFFFFFF80, v28;
	v24 =	vand.u32 $0x7F, v24;
	v29 =	vadd.s32 v8, v29  }
0x15d: {  	s9 =	sor.u32 s31, s5;
	s5 =	sor.u32 s30, s5;
	v28 =	vand.u32 $0x7F, v28;
	v35 =	vadd.s32 v10, v35;
	v24 =	vor.u32 v24, v29  }
0x15e: {  	v29 =	vor.u32 v28, v35;
	v28 =	vadd.s32 $0xB, v26;
	[tilespmem:s5+$0x0] =	vst v25;
	v25 =	vadd.s32 $0x15, v2  }
0x15f: {  	[tilespmem:s16+$0x180] =	vst v27;
	v27 =	vand.u32 $0xFFFFFF80, v28;
	v28 =	vand.u32 $0x7F, v28;
	v32 =	vld.idx.msk [tilespmem:v32+s11+$0x0], $0xffff;
	v35 =	vand.u32 $0xFFFFFF80, v25  }
0x160: {  	v33 =	vld.idx.msk [tilespmem:v33+s11+$0x0], $0xffff;
	v27 =	vadd.s32 v10, v27;
	[tilespmem:s6+$0x0] =	vst v20;
	v20 =	vand.u32 $0x7F, v25;
	v25 =	vadd.s32 v3, v35  }
0x161: {  	v28 =	vor.u32 v28, v27;
	[tilespmem:s17+$0x200] =	vst v34;
	v27 =	vadd.s32 $0x6, v5;
	v19 =	vld.idx.msk [tilespmem:v19+s11+$0x0], $0xffff;
	v20 =	vor.u32 v20, v25  }
0x162: {  	v25 =	vadd.s32 $0xC, v26;
	v34 =	vadd.s32 $0xD, v26;
	v24 =	vld.idx.msk [tilespmem:v24+s11+$0x0], $0xffff;
	v35 =	vand.u32 $0xFFFFFF80, v27  }
0x163: {  	s5 =	sor.u32 $0x17A00, s29;
	v36 =	vand.u32 $0xFFFFFF80, v25;
	v27 =	vand.u32 $0x7F, v27;
	v35 =	vadd.s32 v8, v35  }
0x164: {  	s6 =	sor.u32 s31, s5;
	s5 =	sor.u32 s30, s5;
	v25 =	vand.u32 $0x7F, v25;
	v36 =	vadd.s32 v10, v36;
	v35 =	vor.u32 v27, v35  }
0x165: {  	v27 =	vor.u32 v25, v36;
	v25 =	vand.u32 $0xFFFFFF80, v34;
	[tilespmem:s5+$0x0] =	vst v32;
	v32 =	vadd.s32 $0x16, v2  }
0x166: {  	v25 =	vadd.s32 v10, v25;
	[tilespmem:s16+$0x200] =	vst v33;
	v33 =	vand.u32 $0x7F, v34;
	v20 =	vld.idx.msk [tilespmem:v20+s11+$0x0], $0xffff;
	v34 =	vand.u32 $0xFFFFFF80, v32  }
0x167: {  	v23 =	vld.idx.msk [tilespmem:v23+s11+$0x0], $0xffff;
	v25 =	vor.u32 v33, v25;
	[tilespmem:s9+$0x0] =	vst v19;
	v19 =	vand.u32 $0x7F, v32;
	v32 =	vadd.s32 v3, v34  }
0x168: {  	v33 =	vadd.s32 $0xE, v26;
	[tilespmem:s17+$0x280] =	vst v24;
	v24 =	vadd.s32 $0x7, v5;
	v18 =	vld.idx.msk [tilespmem:v18+s11+$0x0], $0xffff;
	v19 =	vor.u32 v19, v32  }
0x169: {  	s24 =	sadd.s32 $0x2, s24;
	v32 =	vand.u32 $0xFFFFFF80, v33;
	v33 =	vand.u32 $0x7F, v33;
	v34 =	vld.idx.msk [tilespmem:v35+s11+$0x0], $0xffff;
	v35 =	vand.u32 $0xFFFFFF80, v24  }
0x16a: {  	s5 =	sand.u32 $0x7, s24;
	s9 =	sor.u32 $0x17A80, s29;
	v32 =	vadd.s32 v10, v32;
	v36 =	vand.u32 $0x7F, v24;
	v35 =	vadd.s32 v8, v35  }
0x16b: {  	s5 =	sshll.u32 s5, $0x4;
	s17 =	sor.u32 s31, s9;
	s9 =	sor.u32 s30, s9;
	v24 =	vor.u32 v33, v32;
	v32 =	vadd.s32 $0xF, v26;
	v33 =	vor.u32 v36, v35  }
0x16c: {  	s5 =	sadd.s32 s8, s5;
	v35 =	vand.u32 $0xFFFFFF80, v32;
	v32 =	vand.u32 $0x7F, v32;
	[tilespmem:s9+$0x0] =	vst v20;
	v20 =	vadd.s32 $0x17, v2  }
0x16d: {  	s5 =	sadd.s32 $0x10, s5;
	[tilespmem:s16+$0x280] =	vst v23;
	v23 =	vadd.s32 v10, v35;
	v35 =	vadd.s32 $0x10, v26;
	v19 =	vld.idx.msk [tilespmem:v19+s11+$0x0], $0xffff;
	v36 =	vand.u32 $0xFFFFFF80, v20  }
0x16e: {  	s5 =	sor.u32 $0x300, s5;
	v37 =	vld.idx.msk [tilespmem:v22+s11+$0x0], $0xffff;
	v23 =	vor.u32 v32, v23;
	[tilespmem:s6+$0x0] =	vst v18;
	v18 =	vand.u32 $0x7F, v20;
	v20 =	vadd.s32 v3, v36  }
0x16f: {  	v22 =	vand.u32 $0xFFFFFF80, v35;
	v32 =	vadd.s32 $0x8, v5;
	[tilespmem:s5+$0x16800] =	vst v34;
	v17 =	vld.idx.msk [tilespmem:v17+s11+$0x0], $0xffff;
	v18 =	vor.u32 v18, v20  }
0x170: {  	v20 =	vand.u32 $0x7F, v35;
	v22 =	vadd.s32 v10, v22;
	v34 =	vand.u32 $0xFFFFFF80, v32;
	v33 =	vld.idx.msk [tilespmem:v33+s11+$0x0], $0xffff  }
0x171: {  	s5 =	sor.u32 $0x17B00, s29;
	v22 =	vor.u32 v20, v22;
	v20 =	vand.u32 $0x7F, v32;
	v32 =	vadd.s32 v8, v34  }
0x172: {  	v35 =	vadd.s32 $0x12, v26;
	v34 =	vadd.s32 $0x11, v26;
	s6 =	sor.u32 s31, s5;
	s5 =	sor.u32 s30, s5;
	v20 =	vor.u32 v20, v32  }
0x173: {  	v32 =	vand.u32 $0xFFFFFF80, v34;
	v34 =	vand.u32 $0x7F, v34;
	[tilespmem:s5+$0x0] =	vst v19;
	v19 =	vadd.s32 $0x18, v2  }
0x174: {  	v36 =	vand.u32 $0xFFFFFF80, v35;
	v32 =	vadd.s32 v10, v32;
	s5 =	sor.u32 s12, s8;
	[tilespmem:s14+$0x16800] =	vst v37;
	v18 =	vld.idx.msk [tilespmem:v18+s11+$0x0], $0xffff;
	v37 =	vand.u32 $0xFFFFFF80, v19  }
0x175: {  	s5 =	sor.u32 $0x380, s5;
	v38 =	vld.idx.msk [tilespmem:v21+s11+$0x0], $0xffff;
	v21 =	vor.u32 v34, v32;
	[tilespmem:s17+$0x0] =	vst v17;
	v17 =	vand.u32 $0x7F, v19;
	v19 =	vadd.s32 v3, v37  }
0x176: {  	v32 =	vadd.s32 v10, v36;
	[tilespmem:s5+$0x16800] =	vst v33;
	v33 =	vadd.s32 $0x9, v5;
	v16 =	vld.idx.msk [tilespmem:v16+s11+$0x0], $0xffff;
	v17 =	vor.u32 v17, v19  }
0x177: {  	v34 =	vadd.s32 $0x13, v26;
	v19 =	vand.u32 $0x7F, v35;
	v35 =	vld.idx.msk [tilespmem:v20+s11+$0x0], $0xffff;
	v36 =	vand.u32 $0xFFFFFF80, v33  }
0x178: {  	s5 =	sor.u32 $0x17B80, s29;
	v20 =	vor.u32 v19, v32;
	v19 =	vand.u32 $0x7F, v33;
	v32 =	vadd.s32 v8, v36  }
0x179: {  	v33 =	vand.u32 $0xFFFFFF80, v34;
	v34 =	vand.u32 $0x7F, v34;
	s9 =	sor.u32 s31, s5;
	s5 =	sor.u32 s30, s5;
	v32 =	vor.u32 v19, v32  }
0x17a: {  	v19 =	vadd.s32 v10, v33;
	v33 =	vadd.s32 $0x14, v26;
	[tilespmem:s5+$0x0] =	vst v18;
	v18 =	vadd.s32 $0x19, v2  }
0x17b: {  	s5 =	sor.u32 $0x17000, s1;
	v19 =	vor.u32 v34, v19;
	v34 =	vand.u32 $0xFFFFFF80, v33;
	[tilespmem:s13+$0x16800] =	vst v38;
	v36 =	vld.idx.msk [tilespmem:v17+s11+$0x0], $0xffff;
	v17 =	vand.u32 $0xFFFFFF80, v18  }
0x17c: {  	s12 =	sor.u32 s4, s5;
	v34 =	vadd.s32 v10, v34;
	s5 =	sor.u32 s0, s5;
	v31 =	vld.idx.msk [tilespmem:v31+s11+$0x0], $0xffff;
	[tilespmem:s6+$0x0] =	vst v16;
	v16 =	vand.u32 $0x7F, v18;
	v17 =	vadd.s32 v3, v17  }
0x17d: {  	v18 =	vand.u32 $0x7F, v33;
	v33 =	vadd.s32 $0xA, v5;
	[tilespmem:s5+$0x0] =	vst v35;
	v15 =	vld.idx.msk [tilespmem:v15+s11+$0x0], $0xffff;
	v16 =	vor.u32 v16, v17  }
0x17e: {  	v18 =	vor.u32 v18, v34;
	v17 =	vadd.s32 $0x15, v26;
	v34 =	vand.u32 $0xFFFFFF80, v33;
	v32 =	vld.idx.msk [tilespmem:v32+s11+$0x0], $0xffff  }
0x17f: {  	v33 =	vand.u32 $0x7F, v33;
	s5 =	sor.u32 $0x18000, s29;
	v35 =	vand.u32 $0xFFFFFF80, v17;
	v34 =	vadd.s32 v8, v34  }
0x180: {  	v17 =	vand.u32 $0x7F, v17;
	s6 =	sor.u32 s31, s5;
	s5 =	sor.u32 s30, s5;
	v35 =	vadd.s32 v10, v35;
	v33 =	vor.u32 v33, v34  }
0x181: {  	v34 =	vadd.s32 $0x16, v26;
	v17 =	vor.u32 v17, v35;
	v35 =	vadd.s32 $0x1A, v2;
	[tilespmem:s5+$0x0] =	vst v36  }
0x182: {  	s5 =	sor.u32 $0x17080, s1;
	[tilespmem:s12+$0x0] =	vst v31;
	v31 =	vand.u32 $0xFFFFFF80, v34;
	v34 =	vand.u32 $0x7F, v34;
	v36 =	vld.idx.msk [tilespmem:v16+s11+$0x0], $0xffff;
	v16 =	vand.u32 $0xFFFFFF80, v35  }
0x183: {  	s12 =	sor.u32 s4, s5;
	s5 =	sor.u32 s0, s5;
	v30 =	vld.idx.msk [tilespmem:v30+s11+$0x0], $0xffff;
	v31 =	vadd.s32 v10, v31;
	[tilespmem:s9+$0x0] =	vst v15;
	v15 =	vand.u32 $0x7F, v35;
	v35 =	vadd.s32 v3, v16  }
0x184: {  	v16 =	vor.u32 v34, v31;
	[tilespmem:s5+$0x0] =	vst v32;
	v31 =	vadd.s32 $0xB, v5;
	v32 =	vld.idx.msk [tilespmem:v14+s11+$0x0], $0xffff;
	v14 =	vor.u32 v15, v35  }
0x185: {  	v15 =	vadd.s32 $0x17, v26;
	v34 =	vadd.s32 $0x18, v26;
	v33 =	vld.idx.msk [tilespmem:v33+s11+$0x0], $0xffff;
	v35 =	vand.u32 $0xFFFFFF80, v31  }
0x186: {  	s5 =	sor.u32 $0x18080, s29;
	v37 =	vand.u32 $0xFFFFFF80, v15;
	v31 =	vand.u32 $0x7F, v31;
	v35 =	vadd.s32 v8, v35  }
0x187: {  	v15 =	vand.u32 $0x7F, v15;
	s9 =	sor.u32 s31, s5;
	s5 =	sor.u32 s30, s5;
	v37 =	vadd.s32 v10, v37;
	v31 =	vor.u32 v31, v35  }
0x188: {  	v15 =	vor.u32 v15, v37;
	v35 =	vand.u32 $0xFFFFFF80, v34;
	[tilespmem:s5+$0x0] =	vst v36;
	v36 =	vadd.s32 $0x1B, v2  }
0x189: {  	s5 =	sor.u32 $0x17100, s1;
	[tilespmem:s12+$0x0] =	vst v30;
	v30 =	vand.u32 $0x7F, v34;
	v34 =	vadd.s32 v10, v35;
	v35 =	vld.idx.msk [tilespmem:v14+s11+$0x0], $0xffff;
	v37 =	vand.u32 $0xFFFFFF80, v36  }
0x18a: {  	s12 =	sor.u32 s4, s5;
	s5 =	sor.u32 s0, s5;
	v29 =	vld.idx.msk [tilespmem:v29+s11+$0x0], $0xffff;
	v14 =	vor.u32 v30, v34;
	[tilespmem:s6+$0x0] =	vst v32;
	v30 =	vand.u32 $0x7F, v36;
	v32 =	vadd.s32 v3, v37  }
0x18b: {  	v34 =	vadd.s32 $0x19, v26;
	[tilespmem:s5+$0x0] =	vst v33;
	v33 =	vadd.s32 $0xC, v5;
	v36 =	vld.idx.msk [tilespmem:v12+s11+$0x0], $0xffff;
	v30 =	vor.u32 v30, v32  }
0x18c: {  	v12 =	vand.u32 $0xFFFFFF80, v34;
	v32 =	vand.u32 $0x7F, v34;
	v31 =	vld.idx.msk [tilespmem:v31+s11+$0x0], $0xffff;
	v34 =	vand.u32 $0xFFFFFF80, v33  }
0x18d: {  	s5 =	sor.u32 $0x18100, s29;
	v12 =	vadd.s32 v10, v12;
	v33 =	vand.u32 $0x7F, v33;
	v34 =	vadd.s32 v8, v34  }
0x18e: {  	s6 =	sor.u32 s31, s5;
	s5 =	sor.u32 s30, s5;
	v12 =	vor.u32 v32, v12;
	v32 =	vadd.s32 $0x1A, v26;
	v33 =	vor.u32 v33, v34  }
0x18f: {  	v34 =	vand.u32 $0xFFFFFF80, v32;
	v32 =	vand.u32 $0x7F, v32;
	[tilespmem:s5+$0x0] =	vst v35;
	v35 =	vadd.s32 $0x1C, v2  }
0x190: {  	s5 =	sor.u32 $0x17180, s1;
	[tilespmem:s12+$0x0] =	vst v29;
	v29 =	vadd.s32 v10, v34;
	v34 =	vadd.s32 $0x1B, v26;
	v30 =	vld.idx.msk [tilespmem:v30+s11+$0x0], $0xffff;
	v37 =	vand.u32 $0xFFFFFF80, v35  }
0x191: {  	s13 =	sor.u32 s4, s5;
	s5 =	sor.u32 s0, s5;
	v28 =	vld.idx.msk [tilespmem:v28+s11+$0x0], $0xffff;
	v29 =	vor.u32 v32, v29;
	[tilespmem:s9+$0x0] =	vst v36;
	v32 =	vand.u32 $0x7F, v35;
	v35 =	vadd.s32 v3, v37  }
0x192: {  	v36 =	vand.u32 $0xFFFFFF80, v34;
	[tilespmem:s5+$0x0] =	vst v31;
	v31 =	vadd.s32 $0xD, v5;
	v37 =	vld.idx.msk [tilespmem:v11+s11+$0x0], $0xffff;
	v32 =	vor.u32 v32, v35;
	v11 =	vmovc v29  }
0x193: {  	v29 =	vand.u32 $0x7F, v34;
	v34 =	vadd.s32 v10, v36;
	v33 =	vld.idx.msk [tilespmem:v33+s11+$0x0], $0xffff;
	v35 =	vand.u32 $0xFFFFFF80, v31  }
0x194: {  	s5 =	sor.u32 $0x18180, s29;
	v29 =	vor.u32 v29, v34;
	v31 =	vand.u32 $0x7F, v31;
	v34 =	vadd.s32 v8, v35  }
0x195: {  	v36 =	vadd.s32 $0x1D, v26;
	s12 =	sor.u32 s31, s5;
	s5 =	sor.u32 s30, s5;
	v35 =	vadd.s32 $0x1C, v26;
	v31 =	vor.u32 v31, v34  }
0x196: {  	v38 =	vadd.s32 $0x1D, v2;
	v34 =	vand.u32 $0xFFFFFF80, v35;
	v35 =	vand.u32 $0x7F, v35;
	[tilespmem:s5+$0x0] =	vst v30  }
0x197: {  	s5 =	sor.u32 $0x17200, s1;
	[tilespmem:s13+$0x0] =	vst v28;
	v28 =	vadd.s32 v10, v34;
	v34 =	vand.u32 $0xFFFFFF80, v36;
	v39 =	vld.idx.msk [tilespmem:v32+s11+$0x0], $0xffff;
	v32 =	vand.u32 $0xFFFFFF80, v38  }
0x198: {  	s9 =	sor.u32 s4, s5;
	s5 =	sor.u32 s0, s5;
	v27 =	vld.idx.msk [tilespmem:v27+s11+$0x0], $0xffff;
	v30 =	vor.u32 v35, v28;
	[tilespmem:s6+$0x0] =	vst v37;
	v28 =	vand.u32 $0x7F, v38;
	v35 =	vadd.s32 v3, v32  }
0x199: {  	v34 =	vadd.s32 v10, v34;
	[tilespmem:s5+$0x0] =	vst v33;
	v33 =	vadd.s32 $0xE, v5;
	v32 =	vld.idx.msk [tilespmem:v13+s11+$0x0], $0xffff;
	v37 =	vor.u32 v28, v35  }
.Ltmp2:
0x19a: {  	v28 =	vand.u32 $0x7F, v36;
	v35 =	vadd.s32 $0x1E, v26;
	v13 =	vmovc v29;
	v36 =	vld.idx.msk [tilespmem:v31+s11+$0x0], $0xffff;
	v31 =	vand.u32 $0xFFFFFF80, v33;
	(pc) =	sbr.rel @p1 .LBB2_7-.Ltmp2, $4  }
0x19b: {  	s5 =	sor.u32 $0x18200, s29;
	v29 =	vor.u32 v28, v34;
	v28 =	vand.u32 $0x7F, v33;
	v31 =	vadd.s32 v8, v31  }
0x19c: {  	v33 =	vand.u32 $0xFFFFFF80, v35;
	v34 =	vand.u32 $0x7F, v35;
	s13 =	sor.u32 s31, s5;
	s5 =	sor.u32 s30, s5;
	v35 =	vor.u32 v28, v31  }
0x19d: {  	v31 =	vadd.s32 v10, v33;
	v28 =	vadd.s32 $0x1F, v26;
	v33 =	vadd.s32 $0x1E, v2;
	[tilespmem:s5+$0x0] =	vst v39  }
0x19e: {  	s10 =	sadd.s32 $0x20, s10;
	s5 =	sor.u32 $0x17280, s1;
	v26 =	vand.u32 $0xFFFFFF80, v28;
	[tilespmem:s9+$0x0] =	vst v27;
	v27 =	vor.u32 v34, v31;
	v31 =	vld.idx.msk [tilespmem:v37+s11+$0x0], $0xffff;
	v34 =	vand.u32 $0xFFFFFF80, v33  }
0x19f: {  	_ =	sdelay $0x3  }
0x1a0: {  	v25 =	vld.idx.msk [tilespmem:v25+s11+$0x0], $0xffff;
	_ =	sdelay $0x2  }
0x1a1: {  	s6 =	sor.u32 s0, s5;
	v37 =	vadd.s32 $0xF, v5  }
0x1a2: {  	s14 =	sor.u32 s4, s5;
	[tilespmem:s6+$0x0] =	vst v36;
	v62 =	vand.u32 $0xFFFFFF80, v37  }
0x1a3: {  	v40 =	vand.u32 $0x7F, v37;
	v63 =	vld.idx.msk [tilespmem:v35+s11+$0x0], $0xffff;
	v36 =	vadd.s32 v8, v62;
	[tilespmem:s14+$0x0] =	vst v25  }
0x1a4: {  	v35 =	vor.u32 v40, v36;
	v24 =	vld.idx.msk [tilespmem:v24+s11+$0x0], $0xffff;
	_ =	sdelay $0x1  }
0x1a5: {  	s16 =	sor.u32 $0x17300, s1  }
0x1a6: {  	v41 =	vadd.s32 $0x10, v5;
	s17 =	sor.u32 s0, s16  }
0x1a7: {  	s5 =	sor.u32 s4, s16;
	v42 =	vand.u32 $0xFFFFFF80, v41;
	[tilespmem:s17+$0x0] =	vst v63  }
0x1a8: {  	v36 =	vand.u32 $0x7F, v41;
	v25 =	vadd.s32 v8, v42;
	v35 =	vld.idx.msk [tilespmem:v35+s11+$0x0], $0xffff;
	[tilespmem:s5+$0x0] =	vst v24  }
0x1a9: {  	v43 =	vor.u32 v36, v25;
	v23 =	vld.idx.msk [tilespmem:v23+s11+$0x0], $0xffff;
	_ =	sdelay $0x1  }
0x1aa: {  	s18 =	sor.u32 $0x17380, s1  }
0x1ab: {  	v44 =	vadd.s32 $0x11, v5;
	s19 =	sor.u32 s0, s18  }
0x1ac: {  	v45 =	vand.u32 $0xFFFFFF80, v44;
	s5 =	sor.u32 s4, s18;
	[tilespmem:s19+$0x0] =	vst v35  }
0x1ad: {  	v25 =	vand.u32 $0x7F, v44;
	v35 =	vadd.s32 v8, v45;
	v24 =	vld.idx.msk [tilespmem:v43+s11+$0x0], $0xffff;
	[tilespmem:s5+$0x0] =	vst v23  }
0x1ae: {  	v46 =	vor.u32 v25, v35;
	v22 =	vld.idx.msk [tilespmem:v22+s11+$0x0], $0xffff;
	_ =	sdelay $0x1  }
0x1af: {  	s20 =	sor.u32 $0x17800, s1  }
0x1b0: {  	v47 =	vadd.s32 $0x12, v5;
	s21 =	sor.u32 s0, s20  }
0x1b1: {  	v48 =	vand.u32 $0xFFFFFF80, v47;
	s5 =	sor.u32 s4, s20;
	[tilespmem:s21+$0x0] =	vst v24  }
0x1b2: {  	v25 =	vand.u32 $0x7F, v47;
	v24 =	vadd.s32 v8, v48;
	v23 =	vld.idx.msk [tilespmem:v46+s11+$0x0], $0xffff;
	[tilespmem:s5+$0x0] =	vst v22  }
0x1b3: {  	v49 =	vor.u32 v25, v24;
	v21 =	vld.idx.msk [tilespmem:v21+s11+$0x0], $0xffff;
	_ =	sdelay $0x1  }
0x1b4: {  	s23 =	sor.u32 $0x17880, s1  }
0x1b5: {  	v50 =	vadd.s32 $0x13, v5;
	s24 =	sor.u32 s0, s23  }
0x1b6: {  	v51 =	vand.u32 $0xFFFFFF80, v50;
	s5 =	sor.u32 s4, s23;
	[tilespmem:s24+$0x0] =	vst v23  }
0x1b7: {  	v24 =	vand.u32 $0x7F, v50;
	v23 =	vadd.s32 v8, v51;
	v22 =	vld.idx.msk [tilespmem:v49+s11+$0x0], $0xffff;
	[tilespmem:s5+$0x0] =	vst v21  }
0x1b8: {  	v52 =	vor.u32 v24, v23;
	v20 =	vld.idx.msk [tilespmem:v20+s11+$0x0], $0xffff;
	_ =	sdelay $0x1  }
0x1b9: {  	s25 =	sor.u32 $0x17900, s1  }
0x1ba: {  	v53 =	vadd.s32 $0x14, v5;
	s26 =	sor.u32 s0, s25  }
0x1bb: {  	v54 =	vand.u32 $0xFFFFFF80, v53;
	s5 =	sor.u32 s4, s25;
	[tilespmem:s26+$0x0] =	vst v22  }
0x1bc: {  	v23 =	vand.u32 $0x7F, v53;
	v22 =	vadd.s32 v8, v54;
	v21 =	vld.idx.msk [tilespmem:v52+s11+$0x0], $0xffff;
	[tilespmem:s5+$0x0] =	vst v20  }
0x1bd: {  	v55 =	vor.u32 v23, v22;
	v19 =	vld.idx.msk [tilespmem:v19+s11+$0x0], $0xffff;
	_ =	sdelay $0x1  }
0x1be: {  	s6 =	sor.u32 $0x17980, s1  }
0x1bf: {  	v56 =	vadd.s32 $0x15, v5;
	s7 =	sor.u32 s0, s6  }
0x1c0: {  	v57 =	vand.u32 $0xFFFFFF80, v56;
	s5 =	sor.u32 s4, s6;
	[tilespmem:s7+$0x0] =	vst v21  }
0x1c1: {  	v22 =	vand.u32 $0x7F, v56;
	v21 =	vadd.s32 v8, v57;
	v20 =	vld.idx.msk [tilespmem:v55+s11+$0x0], $0xffff;
	[tilespmem:s5+$0x0] =	vst v19  }
0x1c2: {  	v58 =	vor.u32 v22, v21;
	v18 =	vld.idx.msk [tilespmem:v18+s11+$0x0], $0xffff;
	_ =	sdelay $0x1  }
0x1c3: {  	s8 =	sor.u32 $0x17A00, s1  }
0x1c4: {  	v59 =	vadd.s32 $0x16, v5;
	s9 =	sor.u32 s0, s8  }
0x1c5: {  	v60 =	vand.u32 $0xFFFFFF80, v59;
	s5 =	sor.u32 s4, s8;
	[tilespmem:s9+$0x0] =	vst v20  }
0x1c6: {  	v21 =	vand.u32 $0x7F, v59;
	v20 =	vadd.s32 v8, v60;
	v19 =	vld.idx.msk [tilespmem:v58+s11+$0x0], $0xffff;
	[tilespmem:s5+$0x0] =	vst v18  }
0x1c7: {  	v61 =	vor.u32 v21, v20;
	v17 =	vld.idx.msk [tilespmem:v17+s11+$0x0], $0xffff;
	_ =	sdelay $0x1  }
0x1c8: {  	s10 =	sor.u32 $0x17A80, s1  }
0x1c9: {  	v62 =	vadd.s32 $0x17, v5;
	s14 =	sor.u32 s0, s10  }
0x1ca: {  	v63 =	vand.u32 $0xFFFFFF80, v62;
	s5 =	sor.u32 s4, s10;
	[tilespmem:s14+$0x0] =	vst v19  }
0x1cb: {  	v20 =	vand.u32 $0x7F, v62;
	v19 =	vadd.s32 v8, v63;
	v18 =	vld.idx.msk [tilespmem:v61+s11+$0x0], $0xffff;
	[tilespmem:s5+$0x0] =	vst v17  }
0x1cc: {  	v23 =	vor.u32 v20, v19;
	v16 =	vld.idx.msk [tilespmem:v16+s11+$0x0], $0xffff;
	_ =	sdelay $0x1  }
0x1cd: {  	s16 =	sor.u32 $0x17B00, s1  }
0x1ce: {  	s17 =	sor.u32 s0, s16;
	v24 =	vadd.s32 $0x18, v5  }
0x1cf: {  	v25 =	vand.u32 $0xFFFFFF80, v24;
	s5 =	sor.u32 s4, s16;
	[tilespmem:s17+$0x0] =	vst v18  }
0x1d0: {  	v19 =	vand.u32 $0x7F, v24;
	v18 =	vadd.s32 v8, v25;
	v17 =	vld.idx.msk [tilespmem:v23+s11+$0x0], $0xffff;
	[tilespmem:s5+$0x0] =	vst v16  }
0x1d1: {  	v35 =	vor.u32 v19, v18;
	v15 =	vld.idx.msk [tilespmem:v15+s11+$0x0], $0xffff;
	_ =	sdelay $0x1  }
0x1d2: {  	s18 =	sor.u32 $0x17B80, s1  }
0x1d3: {  	v36 =	vadd.s32 $0x19, v5;
	s19 =	sor.u32 s0, s18  }
0x1d4: {  	v37 =	vand.u32 $0xFFFFFF80, v36;
	s5 =	sor.u32 s4, s18;
	[tilespmem:s19+$0x0] =	vst v17  }
0x1d5: {  	v18 =	vand.u32 $0x7F, v36;
	v17 =	vadd.s32 v8, v37;
	v16 =	vld.idx.msk [tilespmem:v35+s11+$0x0], $0xffff;
	[tilespmem:s5+$0x0] =	vst v15  }
0x1d6: {  	v38 =	vor.u32 v18, v17;
	v14 =	vld.idx.msk [tilespmem:v14+s11+$0x0], $0xffff;
	_ =	sdelay $0x1  }
0x1d7: {  	s20 =	sor.u32 $0x18000, s1  }
0x1d8: {  	v39 =	vadd.s32 $0x1A, v5;
	s21 =	sor.u32 s0, s20  }
0x1d9: {  	v40 =	vand.u32 $0xFFFFFF80, v39;
	s5 =	sor.u32 s4, s20;
	[tilespmem:s21+$0x0] =	vst v16  }
0x1da: {  	v17 =	vand.u32 $0x7F, v39;
	v16 =	vadd.s32 v8, v40;
	v15 =	vld.idx.msk [tilespmem:v38+s11+$0x0], $0xffff;
	[tilespmem:s5+$0x0] =	vst v14  }
0x1db: {  	v41 =	vor.u32 v17, v16;
	v12 =	vld.idx.msk [tilespmem:v12+s11+$0x0], $0xffff;
	_ =	sdelay $0x1  }
0x1dc: {  	s23 =	sor.u32 $0x18080, s1  }
0x1dd: {  	v42 =	vadd.s32 $0x1B, v5;
	s24 =	sor.u32 s0, s23  }
0x1de: {  	v43 =	vand.u32 $0xFFFFFF80, v42;
	s5 =	sor.u32 s4, s23;
	[tilespmem:s24+$0x0] =	vst v15  }
0x1df: {  	v16 =	vand.u32 $0x7F, v42;
	v15 =	vadd.s32 v8, v43;
	v14 =	vld.idx.msk [tilespmem:v41+s11+$0x0], $0xffff;
	[tilespmem:s5+$0x0] =	vst v12  }
0x1e0: {  	v44 =	vor.u32 v16, v15;
	v11 =	vld.idx.msk [tilespmem:v11+s11+$0x0], $0xffff;
	_ =	sdelay $0x1  }
0x1e1: {  	s25 =	sor.u32 $0x18100, s1  }
0x1e2: {  	v45 =	vadd.s32 $0x1C, v5;
	s26 =	sor.u32 s0, s25  }
0x1e3: {  	v46 =	vand.u32 $0xFFFFFF80, v45;
	s5 =	sor.u32 s4, s25;
	[tilespmem:s26+$0x0] =	vst v14  }
0x1e4: {  	v15 =	vand.u32 $0x7F, v45;
	v14 =	vadd.s32 v8, v46;
	v12 =	vld.idx.msk [tilespmem:v44+s11+$0x0], $0xffff;
	[tilespmem:s5+$0x0] =	vst v11  }
0x1e5: {  	v47 =	vor.u32 v15, v14;
	v13 =	vld.idx.msk [tilespmem:v13+s11+$0x0], $0xffff;
	_ =	sdelay $0x1  }
0x1e6: {  	s7 =	sor.u32 $0x18180, s1  }
0x1e7: {  	[tilespmem:s12+$0x0] =	vst v32;
	v48 =	vadd.s32 $0x1D, v5;
	s8 =	sor.u32 s0, s7  }
0x1e8: {  	v9 =	vld.idx.msk [tilespmem:v9+s11+$0x0], $0xffff;
	v49 =	vand.u32 $0xFFFFFF80, v48;
	s5 =	sor.u32 s4, s7;
	[tilespmem:s8+$0x0] =	vst v12  }
0x1e9: {  	v14 =	vand.u32 $0x7F, v48;
	v12 =	vadd.s32 v8, v49;
	v11 =	vld.idx.msk [tilespmem:v47+s11+$0x0], $0xffff;
	[tilespmem:s5+$0x0] =	vst v13  }
0x1ea: {  	v12 =	vor.u32 v14, v12;
	v13 =	vld.idx.msk [tilespmem:v30+s11+$0x0], $0xffff;
	_ =	sdelay $0x1  }
0x1eb: {  	s9 =	sor.u32 $0x18200, s1  }
0x1ec: {  	[tilespmem:s13+$0x0] =	vst v9;
	v50 =	vand.u32 $0x7F, v33;
	v51 =	vadd.s32 v3, v34;
	v52 =	vadd.s32 $0x1E, v5;
	s10 =	sor.u32 s0, s9  }
0x1ed: {  	v7 =	vld.idx.msk [tilespmem:v7+s11+$0x0], $0xffff;
	v53 =	vand.u32 $0xFFFFFF80, v52;
	v14 =	vor.u32 v50, v51;
	s5 =	sor.u32 s4, s9;
	[tilespmem:s10+$0x0] =	vst v11  }
0x1ee: {  	v9 =	vand.u32 $0x7F, v52;
	v11 =	vadd.s32 v8, v53;
	v12 =	vld.idx.msk [tilespmem:v12+s11+$0x0], $0xffff;
	[tilespmem:s5+$0x0] =	vst v13  }
0x1ef: {  	s12 =	sor.u32 $0x18280, s29;
	v9 =	vor.u32 v9, v11;
	v54 =	vld.idx.msk [tilespmem:v29+s11+$0x0], $0xffff  }
0x1f0: {  	v2 =	vadd.s32 $0x1F, v2;
	s13 =	sor.u32 s30, s12  }
0x1f1: {  	[tilespmem:s13+$0x0] =	vst v31;
	v55 =	vand.u32 $0xFFFFFF80, v2;
	s14 =	sor.u32 $0x18280, s1;
	s5 =	sor.u32 s31, s12  }
0x1f2: {  	v56 =	vadd.s32 $0x1F, v5;
	v2 =	vand.u32 $0x7F, v2;
	v3 =	vadd.s32 v3, v55;
	s16 =	sor.u32 s0, s14;
	v14 =	vld.idx.msk [tilespmem:v14+s11+$0x0], $0xffff;
	[tilespmem:s5+$0x0] =	vst v7  }
0x1f3: {  	v57 =	vand.u32 $0xFFFFFF80, v56;
	v2 =	vor.u32 v2, v3;
	s6 =	sor.u32 s4, s14;
	v3 =	vld.idx.msk [tilespmem:v6+s11+$0x0], $0xffff;
	[tilespmem:s16+$0x0] =	vst v12  }
0x1f4: {  	v5 =	vand.u32 $0x7F, v56;
	v6 =	vadd.s32 v8, v57;
	v58 =	vld.idx.msk [tilespmem:v9+s11+$0x0], $0xffff;
	[tilespmem:s6+$0x0] =	vst v54  }
0x1f5: {  	v59 =	vadd.s32 v10, v26;
	v60 =	vand.u32 $0x7F, v28;
	s17 =	sor.u32 $0x18300, s29;
	v5 =	vor.u32 v5, v6;
	v61 =	vld.idx.msk [tilespmem:v27+s11+$0x0], $0xffff  }
0x1f6: {  	s18 =	sor.u32 s30, s17;
	v8 =	vor.u32 v60, v59  }
0x1f7: {  	s19 =	sor.u32 $0x18300, s1;
	s5 =	sor.u32 s31, s17;
	[tilespmem:s18+$0x0] =	vst v14  }
0x1f8: {  	s20 =	sor.u32 s0, s19;
	v2 =	vld.idx.msk [tilespmem:v2+s11+$0x0], $0xffff;
	[tilespmem:s5+$0x0] =	vst v3  }
0x1f9: {  	s6 =	sor.u32 s4, s19;
	v3 =	vld.idx.msk [tilespmem:v4+s11+$0x0], $0xffff;
	[tilespmem:s20+$0x0] =	vst v58  }
0x1fa: {  	v62 =	vld.idx.msk [tilespmem:v5+s11+$0x0], $0xffff;
	[tilespmem:s6+$0x0] =	vst v61  }
0x1fb: {  	s21 =	sor.u32 $0x18380, s29;
	v63 =	vld.idx.msk [tilespmem:v8+s11+$0x0], $0xffff  }
0x1fc: {  	s23 =	sor.u32 s30, s21  }
0x1fd: {  	s24 =	sor.u32 $0x18380, s1;
	s5 =	sor.u32 s31, s21;
	[tilespmem:s23+$0x0] =	vst v2  }
0x1fe: {  	p1 =	seq.s32 s28, $0x31;
	s25 =	sor.u32 s0, s24;
	[tilespmem:s5+$0x0] =	vst v3  }
.Ltmp3:
0x1ff: {  	s1 =	sor.u32 s4, s24;
	[tilespmem:s25+$0x0] =	vst v62;
	(pc) =	sbr.rel @p1 .LBB2_12-.Ltmp3, $4  }
0x200: {  	[tilespmem:s1+$0x0] =	vst v63  }
0x201: {  	s29 =	sshll.u32 s28, $0x10;
	s30 =	simm.s32 $0x20000;
	s0 =	rddreg [dreg:$0x4]  }
0x202: {  	s26 =	simm.s32 $0x800;
	s31 =	simm.s32 $0x16800;
	s0 =	sadd.s32 s29, s0  }
0x203: {  	[hbm4b:s0+s26] =	stream.strided.scatter [tilespmem:s31], [sflag:$0x3], $0x2000, s30, s26, $0x38;
	[tilespmem:$0x1A800] =	vst v63  }
0x204: {  	s0 =	simm.s32 $0x10  }
0x205: {  	s1 =	simm.s32 $0x0;
	v2 =	vmov s0  }
0x206: {  	s21 =	sadd.s32 $0x1, s28;
	v4 =	vmov s1;
	v3 =	vmul.u32 $0x32, v2  }
0x207: {  	v2 =	vmov s21;
	v4 =	vmul.u32 $0x32, v4  }
0x208: {  	v3 =	vadd.s32 v2, v3  }
0x209: {  	s24 =	simm.s32 $0x30;
	v4 =	vadd.s32 v2, v4;
	v3 =	vbroadcast v3, $0x0  }
0x20a: {  	s23 =	simm.s32 $0x20;
	v6 =	vmov s24;
	v4 =	vbroadcast v4, $0x0  }
0x20b: {  	v5 =	vmov s23;
	v6 =	vmul.u32 $0x32, v6;
	v3 =	vadd.s32 v0, v3  }
0x20c: {  	v5 =	vmul.u32 $0x32, v5;
	v4 =	vadd.s32 v0, v4  }
0x20d: {  	v6 =	vadd.s32 v2, v6  }
0x20e: {  	v5 =	vadd.s32 v2, v5;
	v6 =	vbroadcast v6, $0x0  }
0x20f: {  	s25 =	simm.s32 $0x50;
	s30 =	simm.s32 $0x40;
	v5 =	vbroadcast v5, $0x0  }
0x210: {  	s31 =	simm.s32 $0x70;
	v7 =	vmov s25;
	v9 =	vmov s30;
	v6 =	vadd.s32 v0, v6;
	v3 =	vld.idx.msk [tilespmem:v3+s2+$0x0], $0xffff  }
0x211: {  	s26 =	simm.s32 $0x60;
	v10 =	vmov s31;
	v8 =	vadd.s32 v0, v5;
	v11 =	vld.idx.msk [tilespmem:v4+s2+$0x0], $0xffff;
	v4 =	vmul.u32 $0x32, v9  }
0x212: {  	v7 =	vmul.u32 $0x32, v7;
	v5 =	vmov s26;
	v9 =	vmul.u32 $0x32, v10  }
0x213: {  	v5 =	vmul.u32 $0x32, v5;
	v4 =	vadd.s32 v2, v4  }
0x214: {  	v7 =	vadd.s32 v2, v7;
	v12 =	vbroadcast v4, $0x0;
	v4 =	vadd.s32 v2, v9  }
0x215: {  	s5 =	simm.s32 $0x6420;
	v5 =	vadd.s32 v2, v5;
	v13 =	vbroadcast v4, $0x0;
	v4 =	vld.idx.msk [tilespmem:v6+s2+$0x0], $0xffff;
	v9 =	vshrl.u32 v3, $0x2  }
0x216: {  	v7 =	vbroadcast v7, $0x0;
	v10 =	vbroadcast v5, $0x0;
	[tilespmem:s5+$0xFFFFFFF0] =	vst v9;
	v9 =	vld.idx.msk [tilespmem:v8+s2+$0x0], $0xffff;
	_ =	sdelay $0x1  }
0x217: {  	v5 =	vadd.s32 v0, v7;
	v6 =	vadd.s32 v0, v10  }
0x218: {  	s6 =	simm.s32 $0x4;
	s7 =	simm.s32 $0x80;
	v7 =	vadd.s32 v0, v12;
	v63 =	vshrl.u32 v11, $0x2;
	v11 =	vshll.u32 v11, $0x5  }
0x219: {  	s4 =	simm.s32 $0x6460;
	s1 =	simm.s32 $0x6620;
	s0 =	simm.s32 $0x6660;
	v3 =	vshll.u32 v3, $0x5;
	v8 =	vadd.s32 v0, v13;
	[tilespmem:s5+$0xFFFFFFE0] =	vst v63;
	v10 =	vand.u32 $0x60, v11  }
.LBB2_10:
0x21a: {  	s8 =	sadd.s32 $0x10, s7;
	s9 =	sadd.s32 $0x20, s7;
	s10 =	sadd.s32 $0x30, s7;
	v11 =	vshrl.u32 v9, $0x2;
	v12 =	vshll.u32 v9, $0x5;
	v9 =	vshll.u32 v4, $0x5  }
0x21b: {  	s6 =	sadd.s32 $0x4, s6;
	v4 =	vshrl.u32 v4, $0x2;
	v13 =	vmov s8;
	v14 =	vmov s9;
	[tilespmem:s5+$0x0] =	vst v11  }
0x21c: {  	p1 =	slt.u32 s6, $0xC;
	v11 =	vmul.u32 $0x32, v13;
	v13 =	vmul.u32 $0x32, v14;
	v14 =	vld.idx.msk [tilespmem:v5+s2+$0x0], $0xffff;
	[tilespmem:s5+$0x10] =	vst v4;
	v4 =	vand.u32 $0x60, v9;
	s5 =	smov.u32 s4  }
0x21d: {  	v3 =	vand.u32 $0x60, v3;
	v5 =	vmov s7;
	v9 =	vmov s10;
	v15 =	vld.idx.msk [tilespmem:v7+s2+$0x0], $0xffff;
	[tilespmem:s1+$0x10] =	vst v4  }
0x21e: {  	v5 =	vmul.u32 $0x32, v5;
	v7 =	vadd.s32 v2, v11;
	v11 =	vmul.u32 $0x32, v9;
	v4 =	vld.idx.msk [tilespmem:v8+s2+$0x0], $0xffff;
	[tilespmem:s1+$0xFFFFFFE0] =	vst v10  }
0x21f: {  	v8 =	vadd.s32 v2, v13;
	v7 =	vbroadcast v7, $0x0;
	v9 =	vld.idx.msk [tilespmem:v6+s2+$0x0], $0xffff;
	[tilespmem:s1+$0xFFFFFFF0] =	vst v3;
	v3 =	vand.u32 $0x60, v12  }
.Ltmp4:
0x220: {  	v5 =	vadd.s32 v2, v5;
	v6 =	vbroadcast v8, $0x0;
	[tilespmem:s1+$0x0] =	vst v3;
	s1 =	smov.u32 s0;
	(pc) =	sbr.rel @p1 .LBB2_10-.Ltmp4, $4  }
0x221: {  	v8 =	vbroadcast v5, $0x0;
	v3 =	vadd.s32 v2, v11;
	v5 =	vadd.s32 v0, v7  }
0x222: {  	v10 =	vbroadcast v3, $0x0;
	v11 =	vshrl.u32 v14, $0x2;
	v3 =	vshll.u32 v14, $0x5  }
0x223: {  	v7 =	vadd.s32 v0, v8;
	v12 =	vshrl.u32 v15, $0x2;
	v13 =	vshll.u32 v15, $0x5;
	[tilespmem:s4+$0xFFFFFFF0] =	vst v11  }
0x224: {  	s7 =	sadd.s32 $0x40, s7;
	s0 =	sadd.s32 $0x40, s0;
	v6 =	vadd.s32 v0, v6;
	v8 =	vadd.s32 v0, v10;
	v10 =	vand.u32 $0x60, v13;
	s4 =	sadd.s32 $0x40, s4;
	[tilespmem:s5+$0xFFFFFFE0] =	vst v12  }
0x225: {  	_ =	sdelay $0x3  }
0x226: {  	v2 =	vshrl.u32 v9, $0x2;
	v58 =	vld.idx.msk [tilespmem:v5+s2+$0x0], $0xffff;
	[tilespmem:s1+$0xFFFFFFE0] =	vst v10  }
0x227: {  	v11 =	vshll.u32 v4, $0x5;
	v59 =	vld.idx.msk [tilespmem:v7+s2+$0x0], $0xffff;
	[tilespmem:s5+$0x0] =	vst v2;
	v2 =	vshrl.u32 v4, $0x2  }
0x228: {  	[tilespmem:s5+$0x10] =	vst v2;
	v2 =	vand.u32 $0x60, v11  }
0x229: {  	v60 =	vshll.u32 v9, $0x5;
	v3 =	vand.u32 $0x60, v3;
	[tilespmem:s1+$0x10] =	vst v2;
	v2 =	vld.idx.msk [tilespmem:v6+s2+$0x0], $0xffff  }
0x22a: {  	v61 =	vld.idx.msk [tilespmem:v8+s2+$0x0], $0xffff;
	[tilespmem:s1+$0xFFFFFFF0] =	vst v3;
	v3 =	vand.u32 $0x60, v60  }
0x22b: {  	[tilespmem:s1+$0x0] =	vst v3;
	v3 =	vshrl.u32 v58, $0x2  }
0x22c: {  	v62 =	vshrl.u32 v59, $0x2;
	v5 =	vshll.u32 v59, $0x5;
	[tilespmem:s4+$0xFFFFFFF0] =	vst v3  }
0x22d: {  	[tilespmem:s4+$0xFFFFFFE0] =	vst v62;
	v5 =	vand.u32 $0x60, v5  }
0x22e: {  	[tilespmem:s0+$0xFFFFFFE0] =	vst v5;
	v3 =	vshrl.u32 v2, $0x2  }
0x22f: {  	v2 =	vshll.u32 v2, $0x5;
	[tilespmem:s4+$0x0] =	vst v3;
	v3 =	vshrl.u32 v61, $0x2  }
0x230: {  	v63 =	vshll.u32 v61, $0x5;
	v2 =	vand.u32 $0x60, v2;
	[tilespmem:s4+$0x10] =	vst v3  }
0x231: {  	v4 =	vshll.u32 v58, $0x5;
	v3 =	vand.u32 $0x60, v63;
	[tilespmem:s0+$0x0] =	vst v2  }
0x232: {  	[tilespmem:s0+$0x10] =	vst v3;
	v3 =	vand.u32 $0x60, v4  }
0x233: {  	s25 =	simm.s32 $0x80;
	s26 =	simm.s32 $0x6400;
	[tilespmem:s0+$0xFFFFFFF0] =	vst v3  }
0x234: {  	[tilespmem:s11], [sflag:$0x1] =	stream.indirect.gather [hbm4b:s3+s25], $0x80, s26, s25, $0xb8;
	[tilespmem:$0x1A800] =	vst v63  }
0x235: {  	s30 =	simm.s32 $0x6480;
	s31 =	simm.s32 $0xA800  }
0x236: {  	[tilespmem:s31], [sflag:$0x1] =	stream.indirect.gather [hbm4b:s3+s25], $0x80, s30, s25, $0xb8;
	[tilespmem:$0x1A800] =	vst v63  }
.LBB2_12:
0x237: {  	_ =	swait.ge [sflag:s22], $0x4000  }
0x238: {  	[sflag:s22] =	ssyncset.done $0x0  }
0x239: {  	[sflag:s22] =	ssyncadd.s32 $0xFFFFC000  }
0x23a: {  	_ =	swait.ge [sflag:s22], $0x4000  }
0x23b: {  	[sflag:s22] =	ssyncset.done $0x0  }
0x23c: {  	s0 =	simm.s32 @!p0 $0x4;
	[sflag:s22] =	ssyncadd.s32 $0xFFFFC000  }
0x23d: {  	_ =	swait.ge @!p0 [sflag:s0], $0x2000  }
0x23e: {  	[sflag:s0] =	ssyncset.done @!p0 $0x0  }
0x23f: {  	s12 =	simm.s32 $0x6710;
	[sflag:s0] =	ssyncadd.s32 @!p0 $0xFFFFE000  }
0x240: {  	v2 =	vld [tilespmem:s12+$0x0];
	_ =	sdelay $0x1  }
0x241: {  	s4 =	simm.s32 $0x10  }
0x242: {  	s13 =	simm.s32 $0x0;
	v3 =	vmov s4;
	v4 =	vld [tilespmem:s12+$0xFFFFFFF0]  }
0x243: {  	v5 =	vmov s13;
	v3 =	vshll.u32 v3, $0x7  }
0x244: {  	v5 =	vshll.u32 v5, $0x7;
	v3 =	vor.u32 v1, v3;
	v6 =	vand.u32 $0xFFFFFF80, v2  }
0x245: {  	v8 =	vor.u32 v1, v5;
	v7 =	vand.u32 $0x7F, v2;
	v5 =	vadd.s32 v3, v6  }
0x246: {  	v5 =	vor.u32 v7, v5  }
0x247: {  	v9 =	vand.u32 $0xFFFFFF80, v4;
	v10 =	vadd.s32 $0x2, v4  }
0x248: {  	v6 =	vand.u32 $0x7F, v4;
	v9 =	vadd.s32 v8, v9;
	v13 =	vand.u32 $0xFFFFFF80, v10  }
0x249: {  	v6 =	vor.u32 v6, v9;
	v7 =	vadd.s32 $0x1, v2;
	v9 =	vadd.s32 $0x1, v4  }
0x24a: {  	v10 =	vand.u32 $0x7F, v10;
	v11 =	vand.u32 $0xFFFFFF80, v7;
	v12 =	vand.u32 $0xFFFFFF80, v9  }
0x24b: {  	v7 =	vand.u32 $0x7F, v7;
	v9 =	vand.u32 $0x7F, v9;
	v11 =	vadd.s32 v3, v11;
	v5 =	vld.idx.msk [tilespmem:v5+s15+$0x0], $0xffff  }
0x24c: {  	v12 =	vadd.s32 v8, v12;
	v7 =	vor.u32 v7, v11;
	v11 =	vadd.s32 v8, v13  }
0x24d: {  	s30 =	sand.u32 $0x400, s13;
	v12 =	vor.u32 v9, v12;
	v9 =	vadd.s32 $0x3, v4;
	v10 =	vor.u32 v10, v11  }
0x24e: {  	s31 =	sand.u32 $0x70, s4;
	s5 =	sor.u32 $0x18800, s30;
	v11 =	vadd.s32 $0x2, v2;
	v13 =	vand.u32 $0xFFFFFF80, v9;
	v9 =	vand.u32 $0x7F, v9  }
0x24f: {  	s8 =	sor.u32 s31, s5;
	v14 =	vand.u32 $0xFFFFFF80, v11;
	v13 =	vadd.s32 v8, v13;
	v11 =	vand.u32 $0x7F, v11  }
0x250: {  	v14 =	vadd.s32 v3, v14;
	v13 =	vor.u32 v9, v13;
	v9 =	vadd.s32 $0x4, v4;
	[tilespmem:s8+$0x0] =	vst v5  }
0x251: {  	v15 =	vadd.s32 $0x5, v4;
	v14 =	vor.u32 v11, v14;
	v11 =	vand.u32 $0xFFFFFF80, v9;
	v7 =	vld.idx.msk [tilespmem:v7+s15+$0x0], $0xffff  }
0x252: {  	v5 =	vand.u32 $0x7F, v9;
	v9 =	vadd.s32 v8, v11;
	v11 =	vand.u32 $0xFFFFFF80, v15  }
0x253: {  	v16 =	vadd.s32 $0x3, v2;
	v15 =	vand.u32 $0x7F, v15;
	v11 =	vadd.s32 v8, v11  }
0x254: {  	v6 =	vld.idx.msk [tilespmem:v6+s15+$0x0], $0xffff;
	v17 =	vor.u32 v5, v9;
	v5 =	vand.u32 $0xFFFFFF80, v16;
	v9 =	vand.u32 $0x7F, v16  }
0x255: {  	v15 =	vor.u32 v15, v11;
	v5 =	vadd.s32 v3, v5;
	v11 =	vadd.s32 $0x6, v4  }
0x256: {  	v16 =	vadd.s32 $0x7, v4;
	v18 =	vor.u32 v9, v5;
	v5 =	vand.u32 $0xFFFFFF80, v11;
	[tilespmem:s8+$0x80] =	vst v7  }
0x257: {  	s1 =	sand.u32 $0x60, s13;
	v19 =	vand.u32 $0xFFFFFF80, v16;
	v9 =	vand.u32 $0x7F, v11;
	v5 =	vadd.s32 v8, v5;
	v14 =	vld.idx.msk [tilespmem:v14+s15+$0x0], $0xffff  }
0x258: {  	s7 =	sor.u32 s1, s5;
	v11 =	vor.u32 v9, v5;
	v5 =	vadd.s32 v8, v19;
	v9 =	vand.u32 $0x7F, v16  }
0x259: {  	[tilespmem:s7+$0x0] =	vst v6;
	v16 =	vadd.s32 $0x8, v4;
	v7 =	vadd.s32 $0x4, v2;
	v9 =	vor.u32 v9, v5  }
0x25a: {  	v12 =	vld.idx.msk [tilespmem:v12+s15+$0x0], $0xffff;
	v6 =	vand.u32 $0xFFFFFF80, v16;
	v16 =	vand.u32 $0x7F, v16;
	v19 =	vand.u32 $0xFFFFFF80, v7  }
0x25b: {  	v5 =	vand.u32 $0x7F, v7;
	v7 =	vadd.s32 v3, v19;
	v19 =	vadd.s32 $0x9, v4  }
0x25c: {  	v20 =	vor.u32 v5, v7;
	v5 =	vadd.s32 v8, v6;
	v6 =	vand.u32 $0xFFFFFF80, v19;
	[tilespmem:s8+$0x100] =	vst v14  }
0x25d: {  	v7 =	vor.u32 v16, v5;
	v5 =	vadd.s32 v8, v6;
	v6 =	vand.u32 $0x7F, v19;
	v16 =	vld.idx.msk [tilespmem:v18+s15+$0x0], $0xffff  }
0x25e: {  	v5 =	vor.u32 v6, v5;
	v6 =	vadd.s32 $0xA, v4;
	v14 =	vadd.s32 $0x5, v2  }
0x25f: {  	v21 =	vadd.s32 $0xB, v4;
	[tilespmem:s7+$0x80] =	vst v12;
	v19 =	vand.u32 $0xFFFFFF80, v6;
	v18 =	vand.u32 $0xFFFFFF80, v14  }
0x260: {  	v14 =	vand.u32 $0x7F, v14;
	v12 =	vadd.s32 v8, v19;
	v19 =	vld.idx.msk [tilespmem:v10+s15+$0x0], $0xffff;
	v18 =	vadd.s32 v3, v18  }
0x261: {  	v6 =	vand.u32 $0x7F, v6;
	v14 =	vor.u32 v14, v18;
	v18 =	vand.u32 $0xFFFFFF80, v21  }
0x262: {  	v10 =	vand.u32 $0x7F, v21;
	v6 =	vor.u32 v6, v12;
	v12 =	vadd.s32 v8, v18;
	[tilespmem:s8+$0x180] =	vst v16  }
0x263: {  	v18 =	vadd.s32 $0xC, v4;
	v10 =	vor.u32 v10, v12;
	v12 =	vadd.s32 $0x6, v2;
	v20 =	vld.idx.msk [tilespmem:v20+s15+$0x0], $0xffff  }
0x264: {  	v22 =	vand.u32 $0xFFFFFF80, v18;
	v18 =	vand.u32 $0x7F, v18;
	v21 =	vand.u32 $0xFFFFFF80, v12  }
0x265: {  	v16 =	vadd.s32 $0xD, v4;
	v12 =	vand.u32 $0x7F, v12;
	[tilespmem:s7+$0x100] =	vst v19;
	v21 =	vadd.s32 v3, v21  }
0x266: {  	v22 =	vadd.s32 v8, v22;
	v13 =	vld.idx.msk [tilespmem:v13+s15+$0x0], $0xffff;
	v12 =	vor.u32 v12, v21;
	v21 =	vand.u32 $0xFFFFFF80, v16  }
0x267: {  	v24 =	vor.u32 v18, v22;
	v16 =	vand.u32 $0x7F, v16;
	v18 =	vadd.s32 v8, v21  }
0x268: {  	v23 =	vor.u32 v16, v18;
	v16 =	vadd.s32 $0xE, v4;
	v18 =	vadd.s32 $0x7, v2;
	[tilespmem:s8+$0x200] =	vst v20  }
0x269: {  	v19 =	vand.u32 $0xFFFFFF80, v16;
	v16 =	vand.u32 $0x7F, v16;
	v21 =	vand.u32 $0xFFFFFF80, v18;
	v14 =	vld.idx.msk [tilespmem:v14+s15+$0x0], $0xffff  }
0x26a: {  	v18 =	vand.u32 $0x7F, v18;
	v19 =	vadd.s32 v8, v19;
	v20 =	vadd.s32 $0xF, v4  }
0x26b: {  	v21 =	vadd.s32 v3, v21;
	[tilespmem:s7+$0x180] =	vst v13;
	v22 =	vor.u32 v16, v19;
	v16 =	vand.u32 $0xFFFFFF80, v20  }
0x26c: {  	v19 =	vand.u32 $0x7F, v20;
	v20 =	vadd.s32 $0x10, v4;
	v17 =	vld.idx.msk [tilespmem:v17+s15+$0x0], $0xffff;
	v16 =	vadd.s32 v8, v16  }
0x26d: {  	v13 =	vor.u32 v18, v21;
	v21 =	vor.u32 v19, v16;
	v16 =	vand.u32 $0xFFFFFF80, v20  }
0x26e: {  	v18 =	vadd.s32 $0x8, v2;
	v19 =	vand.u32 $0x7F, v20;
	v16 =	vadd.s32 v8, v16;
	[tilespmem:s8+$0x280] =	vst v14  }
0x26f: {  	s14 =	sand.u32 $0x7, s13;
	v25 =	vand.u32 $0xFFFFFF80, v18;
	v20 =	vor.u32 v19, v16;
	v16 =	vadd.s32 $0x11, v4;
	v12 =	vld.idx.msk [tilespmem:v12+s15+$0x0], $0xffff  }
0x270: {  	s5 =	sshll.u32 s14, $0x4;
	v14 =	vand.u32 $0x7F, v18;
	v18 =	vadd.s32 v3, v25;
	v19 =	vand.u32 $0xFFFFFF80, v16  }
0x271: {  	s5 =	sadd.s32 $0x0, s5;
	v25 =	vadd.s32 $0x12, v4;
	v16 =	vand.u32 $0x7F, v16;
	[tilespmem:s7+$0x200] =	vst v17;
	v17 =	vadd.s32 $0x9, v2  }
0x272: {  	s5 =	sadd.s32 $0x10, s5;
	v19 =	vadd.s32 v8, v19;
	v14 =	vor.u32 v14, v18;
	v18 =	vand.u32 $0xFFFFFF80, v25  }
0x273: {  	s5 =	sor.u32 $0x300, s5;
	v15 =	vld.idx.msk [tilespmem:v15+s15+$0x0], $0xffff;
	v19 =	vor.u32 v16, v19;
	v16 =	vadd.s32 v8, v18;
	v18 =	vand.u32 $0x7F, v25  }
0x274: {  	v26 =	vand.u32 $0xFFFFFF80, v17;
	v25 =	vadd.s32 $0x13, v4;
	v18 =	vor.u32 v18, v16;
	[tilespmem:s5+$0x18800] =	vst v12  }
0x275: {  	v16 =	vand.u32 $0x7F, v17;
	v17 =	vadd.s32 v3, v26;
	v26 =	vand.u32 $0xFFFFFF80, v25;
	v13 =	vld.idx.msk [tilespmem:v13+s15+$0x0], $0xffff  }
0x276: {  	v12 =	vand.u32 $0x7F, v25;
	v25 =	vadd.s32 v8, v26;
	v26 =	vadd.s32 $0x14, v4  }
0x277: {  	v27 =	vor.u32 v16, v17;
	v17 =	vor.u32 v12, v25;
	v12 =	vand.u32 $0xFFFFFF80, v26  }
0x278: {  	s4 =	sor.u32 s4, s13;
	v28 =	vadd.s32 $0x16, v4;
	[tilespmem:s7+$0x280] =	vst v15;
	v16 =	vand.u32 $0x7F, v26;
	v12 =	vadd.s32 v8, v12  }
0x279: {  	s4 =	sor.u32 $0x380, s4;
	v31 =	vadd.s32 $0x1A, v4;
	v11 =	vld.idx.msk [tilespmem:v11+s15+$0x0], $0xffff;
	v16 =	vor.u32 v16, v12;
	v12 =	vadd.s32 $0x15, v4  }
0x27a: {  	s16 =	sand.u32 $0x3, s13;
	v45 =	vadd.s32 $0x10, v2;
	v29 =	vand.u32 $0xFFFFFF80, v28;
	v26 =	vand.u32 $0xFFFFFF80, v12;
	[tilespmem:s4+$0x18800] =	vst v13  }
0x27b: {  	s5 =	sshll.u32 s16, $0x5;
	v13 =	vadd.s32 v8, v26;
	v26 =	vand.u32 $0x7F, v28;
	v28 =	vadd.s32 v8, v29;
	v29 =	vld.idx.msk [tilespmem:v14+s15+$0x0], $0xffff  }
0x27c: {  	v52 =	vadd.s32 $0x11, v2;
	v46 =	vand.u32 $0x7F, v45;
	v25 =	vadd.s32 $0xA, v2;
	s17 =	sadd.s32 $0x0, s5  }
0x27d: {  	v54 =	vand.u32 $0xFFFFFF80, v52;
	v55 =	vand.u32 $0x7F, v52;
	v15 =	vand.u32 $0xFFFFFF80, v25;
	s4 =	sor.u32 $0x300, s17  }
0x27e: {  	s18 =	sor.u32 $0x19000, s30;
	v25 =	vand.u32 $0x7F, v25;
	v15 =	vadd.s32 v3, v15;
	v12 =	vand.u32 $0x7F, v12;
	[tilespmem:s4+$0x18800] =	vst v11  }
0x27f: {  	s19 =	sor.u32 s31, s18;
	v56 =	vadd.s32 v3, v54;
	v25 =	vor.u32 v25, v15;
	v15 =	vor.u32 v12, v13;
	v9 =	vld.idx.msk [tilespmem:v9+s15+$0x0], $0xffff  }
0x280: {  	v14 =	vor.u32 v26, v28;
	v12 =	vadd.s32 $0xB, v2;
	v13 =	vadd.s32 $0x17, v4;
	[tilespmem:s19+$0x0] =	vst v29  }
0x281: {  	v26 =	vadd.s32 $0x18, v4;
	v11 =	vand.u32 $0xFFFFFF80, v12;
	v28 =	vand.u32 $0xFFFFFF80, v13;
	v27 =	vld.idx.msk [tilespmem:v27+s15+$0x0], $0xffff  }
0x282: {  	s0 =	sor.u32 s13, s13;
	v12 =	vand.u32 $0x7F, v12;
	v13 =	vand.u32 $0x7F, v13;
	v11 =	vadd.s32 v3, v11  }
0x283: {  	s0 =	sor.u32 $0x380, s0;
	v28 =	vadd.s32 v8, v28;
	v30 =	vor.u32 v12, v11;
	v11 =	vand.u32 $0xFFFFFF80, v26  }
0x284: {  	s20 =	sor.u32 $0x19080, s30;
	v13 =	vor.u32 v13, v28;
	v12 =	vand.u32 $0x7F, v26;
	v11 =	vadd.s32 v8, v11;
	[tilespmem:s0+$0x18800] =	vst v9  }
0x285: {  	s21 =	sor.u32 s31, s20;
	v26 =	vadd.s32 $0x19, v4;
	v12 =	vor.u32 v12, v11;
	v11 =	vadd.s32 $0xC, v2;
	v7 =	vld.idx.msk [tilespmem:v7+s15+$0x0], $0xffff  }
0x286: {  	v28 =	vand.u32 $0xFFFFFF80, v26;
	v26 =	vand.u32 $0x7F, v26;
	v29 =	vand.u32 $0xFFFFFF80, v11;
	[tilespmem:s21+$0x0] =	vst v27  }
0x287: {  	v28 =	vadd.s32 v8, v28;
	v9 =	vand.u32 $0x7F, v11;
	v29 =	vadd.s32 v3, v29;
	v25 =	vld.idx.msk [tilespmem:v25+s15+$0x0], $0xffff  }
0x288: {  	v11 =	vor.u32 v26, v28;
	v29 =	vor.u32 v9, v29;
	v9 =	vand.u32 $0xFFFFFF80, v31  }
0x289: {  	s4 =	sor.u32 s1, s18;
	v26 =	vand.u32 $0x7F, v31;
	v28 =	vadd.s32 $0x1B, v4;
	v9 =	vadd.s32 v8, v9  }
0x28a: {  	s23 =	sor.u32 $0x19100, s30;
	v31 =	vadd.s32 $0xD, v2;
	v27 =	vor.u32 v26, v9;
	v9 =	vand.u32 $0xFFFFFF80, v28;
	[tilespmem:s4+$0x0] =	vst v7  }
0x28b: {  	s24 =	sor.u32 s31, s23;
	v26 =	vand.u32 $0x7F, v28;
	v28 =	vand.u32 $0xFFFFFF80, v31;
	v9 =	vadd.s32 v8, v9;
	v5 =	vld.idx.msk [tilespmem:v5+s15+$0x0], $0xffff  }
0x28c: {  	v7 =	vadd.s32 v3, v28;
	v28 =	vadd.s32 $0x1D, v4;
	v26 =	vor.u32 v26, v9;
	[tilespmem:s24+$0x0] =	vst v25  }
0x28d: {  	v9 =	vand.u32 $0x7F, v31;
	v31 =	vadd.s32 $0x1C, v4;
	v33 =	vand.u32 $0xFFFFFF80, v28;
	v30 =	vld.idx.msk [tilespmem:v30+s15+$0x0], $0xffff  }
0x28e: {  	v28 =	vand.u32 $0x7F, v28;
	v32 =	vand.u32 $0xFFFFFF80, v31;
	v31 =	vand.u32 $0x7F, v31  }
0x28f: {  	s0 =	sor.u32 s1, s20;
	v34 =	vor.u32 v9, v7;
	v7 =	vadd.s32 v8, v33;
	v32 =	vadd.s32 v8, v32  }
0x290: {  	s26 =	sor.u32 $0x19180, s30;
	v7 =	vor.u32 v28, v7;
	v9 =	vor.u32 v31, v32;
	v31 =	vadd.s32 $0x1E, v4;
	[tilespmem:s0+$0x0] =	vst v5  }
0x291: {  	s25 =	simm.s32 $0x6730;
	s6 =	sor.u32 s31, s26;
	v4 =	vadd.s32 $0x1F, v4;
	v25 =	vadd.s32 $0xE, v2;
	v38 =	vand.u32 $0xFFFFFF80, v31;
	v35 =	vld.idx.msk [tilespmem:v6+s15+$0x0], $0xffff  }
0x292: {  	v31 =	vand.u32 $0x7F, v31;
	v39 =	vand.u32 $0xFFFFFF80, v4;
	v4 =	vand.u32 $0x7F, v4;
	v5 =	vld [tilespmem:s25+$0x0];
	[tilespmem:s6+$0x0] =	vst v30  }
0x293: {  	v37 =	vand.u32 $0xFFFFFF80, v25;
	v25 =	vand.u32 $0x7F, v25;
	v32 =	vadd.s32 v8, v38;
	v29 =	vld.idx.msk [tilespmem:v29+s15+$0x0], $0xffff  }
0x294: {  	v8 =	vadd.s32 v8, v39;
	v6 =	vor.u32 v31, v32;
	v31 =	vadd.s32 $0xF, v2  }
0x295: {  	s4 =	sor.u32 s1, s23;
	v28 =	vadd.s32 v3, v37;
	v4 =	vor.u32 v4, v8;
	v8 =	vand.u32 $0xFFFFFF80, v31  }
0x296: {  	s10 =	simm.s32 $0x30;
	s8 =	simm.s32 $0x20;
	s7 =	sor.u32 $0x19200, s30;
	v25 =	vor.u32 v25, v28;
	v28 =	vld [tilespmem:s25+$0xFFFFFFF0];
	v31 =	vand.u32 $0x7F, v31;
	v41 =	vadd.s32 v3, v8;
	[tilespmem:s4+$0x0] =	vst v35  }
0x297: {  	v40 =	vmov s8;
	s9 =	sor.u32 s31, s7;
	v31 =	vor.u32 v31, v41;
	v30 =	vmov s10;
	v36 =	vld.idx.msk [tilespmem:v10+s15+$0x0], $0xffff  }
0x298: {  	v42 =	vand.u32 $0xFFFFFF80, v5;
	v43 =	vand.u32 $0x7F, v5;
	v47 =	vadd.s32 $0x1, v5;
	[tilespmem:s9+$0x0] =	vst v29  }
0x299: {  	v58 =	vadd.s32 $0x2, v5;
	v8 =	vshll.u32 v30, $0x7;
	v30 =	vshll.u32 v40, $0x7;
	v34 =	vld.idx.msk [tilespmem:v34+s15+$0x0], $0xffff  }
0x29a: {  	v38 =	vand.u32 $0xFFFFFF80, v47;
	v35 =	vand.u32 $0x7F, v47;
	v40 =	vor.u32 v55, v56  }
0x29b: {  	s0 =	sor.u32 s1, s26;
	v61 =	vand.u32 $0xFFFFFF80, v58;
	v62 =	vand.u32 $0x7F, v58;
	v8 =	vor.u32 v1, v8  }
0x29c: {  	s12 =	sor.u32 $0x19280, s30;
	v44 =	vand.u32 $0xFFFFFF80, v28;
	v37 =	vand.u32 $0x7F, v28;
	v10 =	vor.u32 v1, v30;
	[tilespmem:s0+$0x0] =	vst v36  }
0x29d: {  	s13 =	sor.u32 s31, s12;
	v30 =	vand.u32 $0xFFFFFF80, v45;
	v48 =	vadd.s32 $0x1, v28;
	v49 =	vadd.s32 $0x2, v28;
	v24 =	vld.idx.msk [tilespmem:v24+s15+$0x0], $0xffff  }
0x29e: {  	v57 =	vadd.s32 $0x3, v28;
	v45 =	vadd.s32 $0x12, v2;
	v54 =	vadd.s32 $0x6, v28;
	[tilespmem:s13+$0x0] =	vst v34  }
0x29f: {  	v55 =	vadd.s32 $0x7, v28;
	v32 =	vadd.s32 v8, v42;
	v30 =	vadd.s32 v3, v30;
	v25 =	vld.idx.msk [tilespmem:v25+s15+$0x0], $0xffff  }
0x2a0: {  	v39 =	vand.u32 $0xFFFFFF80, v48;
	v38 =	vadd.s32 v8, v38;
	v33 =	vand.u32 $0x7F, v48  }
0x2a1: {  	s4 =	sor.u32 s1, s7;
	v51 =	vand.u32 $0xFFFFFF80, v49;
	v53 =	vand.u32 $0x7F, v49;
	v59 =	vand.u32 $0xFFFFFF80, v57  }
0x2a2: {  	s14 =	sor.u32 $0x19300, s30;
	v60 =	vand.u32 $0x7F, v57;
	v41 =	vand.u32 $0xFFFFFF80, v45;
	v42 =	vadd.s32 $0x3, v5;
	[tilespmem:s4+$0x0] =	vst v24  }
0x2a3: {  	s16 =	sor.u32 s31, s14;
	v56 =	vand.u32 $0xFFFFFF80, v54;
	v57 =	vand.u32 $0xFFFFFF80, v55;
	v32 =	vor.u32 v43, v32;
	v63 =	vld.idx.msk [tilespmem:v23+s15+$0x0], $0xffff  }
0x2a4: {  	v30 =	vor.u32 v46, v30;
	v50 =	vadd.s32 v10, v39;
	v38 =	vor.u32 v35, v38;
	[tilespmem:s16+$0x0] =	vst v25  }
0x2a5: {  	v35 =	vadd.s32 v10, v51;
	v46 =	vadd.s32 $0x5, v28;
	v47 =	vadd.s32 v3, v41;
	v31 =	vld.idx.msk [tilespmem:v31+s15+$0x0], $0xffff  }
0x2a6: {  	v51 =	vand.u32 $0xFFFFFF80, v42;
	v43 =	vadd.s32 $0x13, v2;
	v29 =	vadd.s32 v10, v44  }
0x2a7: {  	v33 =	vor.u32 v33, v50;
	v39 =	vor.u32 v53, v35;
	v29 =	vor.u32 v37, v29;
	s0 =	sor.u32 s1, s12  }
0x2a8: {  	s17 =	sor.u32 $0x19380, s30;
	v48 =	vand.u32 $0xFFFFFF80, v46;
	v49 =	vand.u32 $0x7F, v46;
	v53 =	vand.u32 $0x7F, v42;
	[tilespmem:s0+$0x0] =	vst v63  }
0x2a9: {  	s18 =	sor.u32 s31, s17;
	v35 =	vand.u32 $0x7F, v54;
	v42 =	vadd.s32 v10, v56;
	v58 =	vand.u32 $0x7F, v43;
	v52 =	vld.idx.msk [tilespmem:v22+s15+$0x0], $0xffff  }
0x2aa: {  	v46 =	vadd.s32 $0x14, v2;
	v54 =	vadd.s32 $0x16, v2;
	v50 =	vadd.s32 v10, v48;
	v32 =	vld.idx.msk [tilespmem:v32+s15+$0x0], $0xffff;
	[tilespmem:s18+$0x0] =	vst v31  }
0x2ab: {  	s24 =	simm.s32 $0x100;
	v35 =	vor.u32 v35, v42;
	v48 =	vadd.s32 $0x5, v5;
	v36 =	vadd.s32 v8, v61;
	v30 =	vld.idx.msk [tilespmem:v30+s15+$0x0], $0xffff  }
0x2ac: {  	v36 =	vor.u32 v62, v36;
	v29 =	vld.idx.msk [tilespmem:v29+s15+$0x0], $0xffff;
	v34 =	vadd.s32 v10, v57;
	v24 =	vadd.s32 v10, v59;
	s0 =	sand.u32 $0x400, s24  }
0x2ad: {  	s19 =	sor.u32 s1, s14;
	v57 =	vadd.s32 $0x7, v5;
	s4 =	sand.u32 $0x70, s10;
	v59 =	vadd.s32 $0x4, v5;
	v24 =	vor.u32 v60, v24;
	s9 =	sor.u32 $0x18800, s0  }
0x2ae: {  	s20 =	sor.u32 $0x19800, s30;
	v23 =	vadd.s32 $0x4, v28;
	v60 =	vadd.s32 $0x8, v28;
	v61 =	vand.u32 $0xFFFFFF80, v59;
	s13 =	sor.u32 s4, s9;
	[tilespmem:s19+$0x0] =	vst v52  }
0x2af: {  	s14 =	sor.u32 s31, s20;
	s7 =	sand.u32 $0x60, s8;
	v25 =	vand.u32 $0xFFFFFF80, v23;
	v23 =	vand.u32 $0x7F, v23;
	[tilespmem:s13+$0x0] =	vst v32;
	v31 =	vadd.s32 v8, v51;
	v21 =	vld.idx.msk [tilespmem:v21+s15+$0x0], $0xffff  }
0x2b0: {  	v25 =	vadd.s32 v10, v25;
	s12 =	sor.u32 s7, s9;
	v38 =	vld.idx.msk [tilespmem:v38+s15+$0x0], $0xffff;
	v44 =	vor.u32 v53, v31;
	v31 =	vand.u32 $0xFFFFFF80, v43;
	[tilespmem:s14+$0x0] =	vst v30  }
0x2b1: {  	v23 =	vor.u32 v23, v25;
	v25 =	vand.u32 $0x7F, v45;
	[tilespmem:s12+$0x0] =	vst v29;
	v31 =	vadd.s32 v3, v31;
	v29 =	vld.idx.msk [tilespmem:v40+s15+$0x0], $0xffff  }
0x2b2: {  	v25 =	vor.u32 v25, v47;
	v42 =	vor.u32 v58, v31;
	v31 =	vand.u32 $0x7F, v55  }
0x2b3: {  	s5 =	sor.u32 s1, s17;
	v34 =	vor.u32 v31, v34;
	v31 =	vadd.s32 v8, v61;
	v30 =	vand.u32 $0x7F, v59  }
0x2b4: {  	s21 =	sor.u32 $0x19880, s30;
	v62 =	vand.u32 $0xFFFFFF80, v60;
	v22 =	vor.u32 v49, v50;
	v63 =	vor.u32 v30, v31;
	v30 =	vld.idx.msk [tilespmem:v33+s15+$0x0], $0xffff;
	[tilespmem:s5+$0x0] =	vst v21  }
0x2b5: {  	s23 =	sor.u32 s31, s21;
	v45 =	vadd.s32 $0x9, v28;
	v50 =	vadd.s32 $0x6, v5;
	v47 =	vand.u32 $0xFFFFFF80, v46;
	[tilespmem:s13+$0x80] =	vst v38;
	v20 =	vld.idx.msk [tilespmem:v20+s15+$0x0], $0xffff  }
0x2b6: {  	v37 =	vand.u32 $0x7F, v45;
	v32 =	vand.u32 $0x7F, v60;
	v36 =	vld.idx.msk [tilespmem:v36+s15+$0x0], $0xffff;
	v31 =	vadd.s32 v10, v62;
	[tilespmem:s23+$0x0] =	vst v29  }
0x2b7: {  	v60 =	vadd.s32 $0x10, v28;
	v33 =	vor.u32 v32, v31;
	v31 =	vand.u32 $0xFFFFFF80, v45;
	v25 =	vld.idx.msk [tilespmem:v25+s15+$0x0], $0xffff  }
0x2b8: {  	v32 =	vadd.s32 v3, v47;
	v21 =	vadd.s32 v10, v31;
	v31 =	vand.u32 $0x7F, v46  }
0x2b9: {  	s6 =	sor.u32 s1, s20;
	v41 =	vor.u32 v31, v32;
	v32 =	vor.u32 v37, v21;
	v21 =	vadd.s32 $0xA, v28;
	[tilespmem:s12+$0x80] =	vst v30  }
0x2ba: {  	s25 =	sor.u32 $0x19900, s30;
	v31 =	vand.u32 $0x7F, v48;
	v29 =	vand.u32 $0xFFFFFF80, v48;
	v30 =	vand.u32 $0xFFFFFF80, v21;
	v49 =	vld.idx.msk [tilespmem:v39+s15+$0x0], $0xffff;
	[tilespmem:s6+$0x0] =	vst v20  }
0x2bb: {  	s26 =	sor.u32 s31, s25;
	[tilespmem:s13+$0x100] =	vst v36;
	v21 =	vand.u32 $0x7F, v21;
	v29 =	vadd.s32 v8, v29;
	v30 =	vadd.s32 v10, v30;
	v19 =	vld.idx.msk [tilespmem:v19+s15+$0x0], $0xffff  }
0x2bc: {  	v38 =	vor.u32 v31, v29;
	v31 =	vor.u32 v21, v30;
	v21 =	vadd.s32 $0xB, v28;
	[tilespmem:s26+$0x0] =	vst v25;
	v25 =	vld.idx.msk [tilespmem:v44+s15+$0x0], $0xffff  }
0x2bd: {  	v52 =	vadd.s32 $0xC, v28;
	v29 =	vadd.s32 $0x15, v2;
	v20 =	vand.u32 $0xFFFFFF80, v21  }
0x2be: {  	v21 =	vand.u32 $0x7F, v21;
	v30 =	vand.u32 $0xFFFFFF80, v29;
	v20 =	vadd.s32 v10, v20  }
0x2bf: {  	v59 =	vadd.s32 $0x17, v2;
	s5 =	sor.u32 s1, s21;
	v51 =	vadd.s32 v3, v30;
	v30 =	vor.u32 v21, v20;
	[tilespmem:s12+$0x100] =	vst v49;
	v21 =	vld.idx.msk [tilespmem:v42+s15+$0x0], $0xffff  }
0x2c0: {  	v53 =	vadd.s32 $0xD, v28;
	v55 =	vand.u32 $0xFFFFFF80, v54;
	v61 =	vand.u32 $0xFFFFFF80, v59;
	v24 =	vld.idx.msk [tilespmem:v24+s15+$0x0], $0xffff;
	[tilespmem:s5+$0x0] =	vst v19  }
0x2c1: {  	v58 =	vand.u32 $0xFFFFFF80, v57;
	v62 =	vadd.s32 v3, v61;
	v47 =	vadd.s32 $0x11, v28;
	v18 =	vld.idx.msk [tilespmem:v18+s15+$0x0], $0xffff;
	[tilespmem:s13+$0x180] =	vst v25  }
0x2c2: {  	s14 =	sor.u32 $0x19980, s30;
	v61 =	vadd.s32 $0xA, v5;
	v36 =	vand.u32 $0x7F, v50;
	v37 =	vand.u32 $0x7F, v52;
	v40 =	vld.idx.msk [tilespmem:v63+s15+$0x0], $0xffff  }
0x2c3: {  	s16 =	sor.u32 s31, s14;
	v48 =	vadd.s32 $0x12, v28;
	v29 =	vand.u32 $0x7F, v29;
	v19 =	vand.u32 $0xFFFFFF80, v53  }
0x2c4: {  	v20 =	vand.u32 $0xFFFFFF80, v50;
	v19 =	vadd.s32 v10, v19;
	v25 =	vand.u32 $0x7F, v53;
	[tilespmem:s16+$0x0] =	vst v21  }
0x2c5: {  	s6 =	sor.u32 s1, s25;
	v25 =	vor.u32 v25, v19;
	v19 =	vand.u32 $0x7F, v54;
	v21 =	vadd.s32 v3, v55;
	[tilespmem:s12+$0x180] =	vst v24;
	v56 =	vld.idx.msk [tilespmem:v41+s15+$0x0], $0xffff  }
0x2c6: {  	v39 =	vor.u32 v29, v51;
	v29 =	vand.u32 $0xFFFFFF80, v52;
	v19 =	vor.u32 v19, v21;
	v21 =	vld.idx.msk [tilespmem:v23+s15+$0x0], $0xffff;
	[tilespmem:s6+$0x0] =	vst v18  }
0x2c7: {  	v50 =	vadd.s32 $0x18, v2;
	v51 =	vand.u32 $0xFFFFFF80, v48;
	v20 =	vadd.s32 v8, v20;
	v17 =	vld.idx.msk [tilespmem:v17+s15+$0x0], $0xffff;
	[tilespmem:s13+$0x200] =	vst v40  }
0x2c8: {  	s17 =	sor.u32 $0x19A00, s30;
	v29 =	vadd.s32 v10, v29;
	v44 =	vadd.s32 $0x8, v5;
	v49 =	vand.u32 $0x7F, v47;
	v38 =	vld.idx.msk [tilespmem:v38+s15+$0x0], $0xffff  }
0x2c9: {  	s18 =	sor.u32 s31, s17;
	v52 =	vand.u32 $0xFFFFFF80, v50;
	v20 =	vor.u32 v36, v20;
	v29 =	vor.u32 v37, v29  }
0x2ca: {  	v37 =	vand.u32 $0x7F, v57;
	v36 =	vand.u32 $0x7F, v60;
	v45 =	vand.u32 $0xFFFFFF80, v44;
	[tilespmem:s18+$0x0] =	vst v56  }
0x2cb: {  	s5 =	sor.u32 s1, s14;
	v46 =	vadd.s32 v8, v45;
	v53 =	vand.u32 $0x7F, v50;
	v24 =	vadd.s32 $0xE, v28;
	[tilespmem:s12+$0x200] =	vst v21;
	v21 =	vld.idx.msk [tilespmem:v39+s15+$0x0], $0xffff  }
0x2cc: {  	v54 =	vadd.s32 v3, v52;
	v55 =	vadd.s32 $0x9, v5;
	v52 =	vadd.s32 $0x1B, v2;
	v63 =	vld.idx.msk [tilespmem:v22+s15+$0x0], $0xffff;
	[tilespmem:s5+$0x0] =	vst v17  }
0x2cd: {  	s25 =	simm.s32 $0x2;
	v23 =	vand.u32 $0xFFFFFF80, v24;
	v24 =	vand.u32 $0x7F, v24;
	v41 =	vadd.s32 v8, v58;
	v16 =	vld.idx.msk [tilespmem:v16+s15+$0x0], $0xffff;
	[tilespmem:s13+$0x280] =	vst v38  }
0x2ce: {  	s19 =	sor.u32 $0x19A80, s30;
	s21 =	sand.u32 $0x7, s25;
	v18 =	vadd.s32 $0xF, v28;
	v57 =	vand.u32 $0xFFFFFF80, v55;
	v23 =	vadd.s32 v10, v23;
	v20 =	vld.idx.msk [tilespmem:v20+s15+$0x0], $0xffff  }
0x2cf: {  	s20 =	sor.u32 s31, s19;
	s23 =	sshll.u32 s21, $0x4;
	v37 =	vor.u32 v37, v41;
	v24 =	vor.u32 v24, v23;
	v23 =	vand.u32 $0xFFFFFF80, v18  }
0x2d0: {  	s9 =	sadd.s32 $0x100, s23;
	v58 =	vadd.s32 $0x14, v28;
	v18 =	vand.u32 $0x7F, v18;
	v23 =	vadd.s32 v10, v23;
	[tilespmem:s20+$0x0] =	vst v21  }
0x2d1: {  	s9 =	sadd.s32 $0x10, s9;
	s6 =	sor.u32 s1, s17;
	v23 =	vor.u32 v18, v23;
	v18 =	vand.u32 $0x7F, v59;
	v40 =	vadd.s32 v10, v51;
	[tilespmem:s12+$0x280] =	vst v63;
	v19 =	vld.idx.msk [tilespmem:v19+s15+$0x0], $0xffff  }
0x2d2: {  	s26 =	simm.s32 $0x1;
	s9 =	sor.u32 $0x300, s9;
	v59 =	vadd.s32 $0x19, v2;
	v18 =	vor.u32 v18, v62;
	v56 =	vadd.s32 $0x13, v28;
	v35 =	vld.idx.msk [tilespmem:v35+s15+$0x0], $0xffff;
	[tilespmem:s6+$0x0] =	vst v16  }
0x2d3: {  	v62 =	vand.u32 $0xFFFFFF80, v61;
	v22 =	vand.u32 $0xFFFFFF80, v60;
	v17 =	vand.u32 $0x7F, v44;
	s13 =	sand.u32 $0x3, s26;
	v15 =	vld.idx.msk [tilespmem:v15+s15+$0x0], $0xffff;
	[tilespmem:s9+$0x18800] =	vst v20  }
0x2d4: {  	s14 =	sor.u32 $0x19B00, s30;
	v39 =	vadd.s32 v8, v57;
	v60 =	vand.u32 $0xFFFFFF80, v59;
	v42 =	vadd.s32 v8, v62;
	s12 =	sshll.u32 s13, $0x5;
	v37 =	vld.idx.msk [tilespmem:v37+s15+$0x0], $0xffff  }
0x2d5: {  	s17 =	sor.u32 s31, s14;
	v57 =	vadd.s32 $0xC, v5;
	v17 =	vor.u32 v17, v46;
	v16 =	vand.u32 $0x7F, v48;
	s16 =	sadd.s32 $0x100, s12  }
0x2d6: {  	v22 =	vadd.s32 v10, v22;
	v20 =	vor.u32 v16, v40;
	v16 =	vand.u32 $0x7F, v55;
	s9 =	sor.u32 $0x300, s16;
	[tilespmem:s17+$0x0] =	vst v19  }
0x2d7: {  	s18 =	sor.u32 s10, s24;
	s5 =	sor.u32 s1, s19;
	v62 =	vadd.s32 $0x1C, v2;
	v22 =	vor.u32 v36, v22;
	v39 =	vor.u32 v16, v39;
	[tilespmem:s9+$0x18800] =	vst v35;
	v16 =	vld.idx.msk [tilespmem:v18+s15+$0x0], $0xffff  }
0x2d8: {  	v36 =	vor.u32 v53, v54;
	v53 =	vand.u32 $0xFFFFFF80, v52;
	v21 =	vand.u32 $0xFFFFFF80, v47;
	s9 =	sor.u32 $0x380, s18;
	v34 =	vld.idx.msk [tilespmem:v34+s15+$0x0], $0xffff;
	[tilespmem:s5+$0x0] =	vst v15  }
0x2d9: {  	v38 =	vand.u32 $0x7F, v56;
	v21 =	vadd.s32 v10, v21;
	v48 =	vadd.s32 $0x18, v28;
	v14 =	vld.idx.msk [tilespmem:v14+s15+$0x0], $0xffff;
	[tilespmem:s9+$0x18800] =	vst v37  }
0x2da: {  	s19 =	sor.u32 $0x19B80, s30;
	v21 =	vor.u32 v49, v21;
	v40 =	vand.u32 $0x7F, v59;
	v19 =	vand.u32 $0xFFFFFF80, v56;
	v63 =	vld.idx.msk [tilespmem:v17+s15+$0x0], $0xffff  }
0x2db: {  	s21 =	sor.u32 s31, s19;
	s20 =	sor.u32 s8, s24;
	v59 =	vand.u32 $0xFFFFFF80, v57;
	v56 =	vadd.s32 $0x19, v28;
	v18 =	vadd.s32 v10, v19  }
0x2dc: {  	s10 =	sor.u32 $0x380, s20;
	v15 =	vand.u32 $0x7F, v58;
	v19 =	vor.u32 v38, v18;
	v18 =	vand.u32 $0xFFFFFF80, v58;
	[tilespmem:s21+$0x0] =	vst v16  }
0x2dd: {  	s23 =	sor.u32 $0x19000, s0;
	s6 =	sor.u32 s1, s14;
	v38 =	vadd.s32 v3, v60;
	v60 =	vadd.s32 $0x1A, v28;
	v18 =	vadd.s32 v10, v18;
	[tilespmem:s10+$0x18800] =	vst v34;
	v43 =	vld.idx.msk [tilespmem:v36+s15+$0x0], $0xffff  }
0x2de: {  	v38 =	vor.u32 v40, v38;
	v18 =	vor.u32 v15, v18;
	v15 =	vadd.s32 $0x15, v28;
	s10 =	sor.u32 s4, s23;
	v33 =	vld.idx.msk [tilespmem:v33+s15+$0x0], $0xffff;
	[tilespmem:s6+$0x0] =	vst v14  }
0x2df: {  	v16 =	vand.u32 $0xFFFFFF80, v15;
	v17 =	vand.u32 $0x7F, v61;
	v15 =	vand.u32 $0x7F, v15;
	v13 =	vld.idx.msk [tilespmem:v13+s15+$0x0], $0xffff;
	[tilespmem:s10+$0x0] =	vst v63  }
0x2e0: {  	s12 =	sor.u32 $0x1A000, s30;
	v61 =	vand.u32 $0xFFFFFF80, v60;
	v16 =	vadd.s32 v10, v16;
	v35 =	vor.u32 v17, v42;
	v47 =	vld.idx.msk [tilespmem:v39+s15+$0x0], $0xffff  }
0x2e1: {  	s13 =	sor.u32 s31, s12;
	v17 =	vor.u32 v15, v16;
	v15 =	vadd.s32 $0x16, v28;
	v16 =	vadd.s32 $0x1A, v2  }
0x2e2: {  	s9 =	sor.u32 s7, s23;
	v44 =	vand.u32 $0xFFFFFF80, v15;
	v15 =	vand.u32 $0x7F, v15;
	v45 =	vand.u32 $0xFFFFFF80, v16;
	[tilespmem:s13+$0x0] =	vst v43  }
0x2e3: {  	s14 =	sor.u32 $0x19080, s0;
	s5 =	sor.u32 s1, s19;
	v46 =	vand.u32 $0x7F, v16;
	v14 =	vadd.s32 v10, v44;
	v37 =	vadd.s32 v3, v45;
	[tilespmem:s9+$0x0] =	vst v33;
	v50 =	vld.idx.msk [tilespmem:v38+s15+$0x0], $0xffff  }
0x2e4: {  	s16 =	sor.u32 s4, s14;
	v16 =	vor.u32 v15, v14;
	v14 =	vadd.s32 $0xB, v5;
	v36 =	vor.u32 v46, v37;
	v32 =	vld.idx.msk [tilespmem:v32+s15+$0x0], $0xffff;
	[tilespmem:s5+$0x0] =	vst v13  }
0x2e5: {  	v42 =	vadd.s32 $0x1B, v28;
	v44 =	vand.u32 $0x7F, v62;
	v49 =	vand.u32 $0xFFFFFF80, v14;
	v54 =	vld.idx.msk [tilespmem:v12+s15+$0x0], $0xffff;
	[tilespmem:s16+$0x0] =	vst v47  }
0x2e6: {  	s17 =	sor.u32 $0x1A080, s30;
	v15 =	vadd.s32 $0x17, v28;
	v14 =	vand.u32 $0x7F, v14;
	v39 =	vadd.s32 v8, v49;
	v55 =	vld.idx.msk [tilespmem:v35+s15+$0x0], $0xffff  }
0x2e7: {  	s18 =	sor.u32 s31, s17;
	v46 =	vadd.s32 $0xD, v5;
	v39 =	vor.u32 v14, v39;
	v14 =	vand.u32 $0xFFFFFF80, v48  }
0x2e8: {  	s6 =	sor.u32 s7, s14;
	v51 =	vand.u32 $0xFFFFFF80, v15;
	v13 =	vand.u32 $0x7F, v48;
	v14 =	vadd.s32 v10, v14;
	[tilespmem:s18+$0x0] =	vst v50  }
0x2e9: {  	s20 =	sor.u32 $0x19100, s0;
	s19 =	sor.u32 s1, s12;
	v12 =	vand.u32 $0x7F, v52;
	v14 =	vor.u32 v13, v14;
	v13 =	vadd.s32 v3, v53;
	[tilespmem:s6+$0x0] =	vst v32;
	v58 =	vld.idx.msk [tilespmem:v36+s15+$0x0], $0xffff  }
0x2ea: {  	s21 =	sor.u32 s4, s20;
	v15 =	vand.u32 $0x7F, v15;
	v43 =	vand.u32 $0xFFFFFF80, v62;
	v13 =	vor.u32 v12, v13;
	v31 =	vld.idx.msk [tilespmem:v31+s15+$0x0], $0xffff;
	[tilespmem:s19+$0x0] =	vst v54  }
0x2eb: {  	v33 =	vand.u32 $0x7F, v56;
	v38 =	vadd.s32 v10, v51;
	v45 =	vadd.s32 v3, v43;
	v63 =	vld.idx.msk [tilespmem:v11+s15+$0x0], $0xffff;
	[tilespmem:s21+$0x0] =	vst v55  }
0x2ec: {  	s23 =	sor.u32 $0x1A100, s30;
	v49 =	vand.u32 $0x7F, v46;
	v35 =	vand.u32 $0x7F, v57;
	v36 =	vadd.s32 v8, v59;
	v39 =	vld.idx.msk [tilespmem:v39+s15+$0x0], $0xffff  }
0x2ed: {  	s12 =	sor.u32 s31, s23;
	v51 =	vadd.s32 $0x1D, v28;
	v15 =	vor.u32 v15, v38;
	v35 =	vor.u32 v35, v36  }
0x2ee: {  	s9 =	sor.u32 s7, s20;
	v48 =	vand.u32 $0xFFFFFF80, v46;
	v53 =	vadd.s32 $0x1D, v2;
	v12 =	vand.u32 $0xFFFFFF80, v56;
	[tilespmem:s12+$0x0] =	vst v58  }
0x2ef: {  	s13 =	sor.u32 $0x19180, s0;
	s5 =	sor.u32 s1, s17;
	v47 =	vand.u32 $0x7F, v42;
	v12 =	vadd.s32 v10, v12;
	v32 =	vor.u32 v44, v45;
	[tilespmem:s9+$0x0] =	vst v31;
	v31 =	vld.idx.msk [tilespmem:v13+s15+$0x0], $0xffff  }
0x2f0: {  	s14 =	sor.u32 s4, s13;
	v50 =	vadd.s32 $0x1C, v28;
	v12 =	vor.u32 v33, v12;
	v33 =	vand.u32 $0x7F, v60;
	v30 =	vld.idx.msk [tilespmem:v30+s15+$0x0], $0xffff;
	[tilespmem:s5+$0x0] =	vst v63  }
0x2f1: {  	v52 =	vand.u32 $0xFFFFFF80, v50;
	v34 =	vand.u32 $0x7F, v50;
	v54 =	vand.u32 $0xFFFFFF80, v51;
	v27 =	vld.idx.msk [tilespmem:v27+s15+$0x0], $0xffff;
	[tilespmem:s14+$0x0] =	vst v39  }
0x2f2: {  	s16 =	sor.u32 $0x1A180, s30;
	v59 =	vadd.s32 $0xE, v5;
	v11 =	vadd.s32 v10, v61;
	v36 =	vadd.s32 v8, v48;
	v35 =	vld.idx.msk [tilespmem:v35+s15+$0x0], $0xffff  }
0x2f3: {  	s17 =	sor.u32 s31, s16;
	v60 =	vand.u32 $0x7F, v51;
	v11 =	vor.u32 v33, v11;
	v33 =	vor.u32 v49, v36  }
0x2f4: {  	v61 =	vadd.s32 $0x1E, v28;
	v55 =	vand.u32 $0xFFFFFF80, v53;
	s9 =	sor.u32 s7, s13;
	[tilespmem:s17+$0x0] =	vst v31;
	v31 =	vadd.s32 v10, v52  }
0x2f5: {  	s6 =	sor.u32 s1, s23;
	s18 =	sor.u32 $0x19200, s0;
	v57 =	vadd.s32 v3, v55;
	[tilespmem:s9+$0x0] =	vst v30;
	v56 =	vld.idx.msk [tilespmem:v32+s15+$0x0], $0xffff;
	v30 =	vor.u32 v34, v31;
	v31 =	vand.u32 $0x7F, v53  }
0x2f6: {  	s19 =	sor.u32 s4, s18;
	v62 =	vand.u32 $0xFFFFFF80, v59;
	v13 =	vand.u32 $0xFFFFFF80, v42;
	v58 =	vld.idx.msk [tilespmem:v29+s15+$0x0], $0xffff;
	[tilespmem:s6+$0x0] =	vst v27;
	v31 =	vor.u32 v31, v57  }
0x2f7: {  	v28 =	vadd.s32 $0x1F, v28;
	v37 =	vand.u32 $0x7F, v61;
	v13 =	vadd.s32 v10, v13;
	v32 =	vld.idx.msk [tilespmem:v26+s15+$0x0], $0xffff;
	[tilespmem:s19+$0x0] =	vst v35  }
0x2f8: {  	s20 =	sor.u32 $0x1A200, s30;
	v63 =	vadd.s32 v8, v62;
	v13 =	vor.u32 v47, v13;
	v27 =	vand.u32 $0x7F, v59;
	v36 =	vld.idx.msk [tilespmem:v33+s15+$0x0], $0xffff  }
0x2f9: {  	s21 =	sor.u32 s31, s20;
	v29 =	vadd.s32 v10, v54;
	v26 =	vand.u32 $0xFFFFFF80, v61;
	v35 =	vor.u32 v27, v63  }
0x2fa: {  	s10 =	simm.s32 $0x2;
	s23 =	sor.u32 s7, s18;
	s13 =	sor.u32 s1, s16;
	v29 =	vor.u32 v60, v29;
	v26 =	vadd.s32 v10, v26;
	[tilespmem:s21+$0x0] =	vst v56;
	v33 =	vadd.s32 $0x1E, v2  }
0x2fb: {  	s12 =	simm.s32 $0x6750;
	s5 =	sor.u32 $0x19280, s0;
	s14 =	sor.u32 s1, s20;
	v27 =	vor.u32 v37, v26;
	v26 =	vand.u32 $0xFFFFFF80, v28;
	[tilespmem:s23+$0x0] =	vst v58;
	v31 =	vld.idx.msk [tilespmem:v31+s15+$0x0], $0xffff;
	v34 =	vand.u32 $0xFFFFFF80, v33  }
.LBB2_13:
0x2fc: {  	v37 =	vld [tilespmem:s12+$0x0];
	s10 =	sadd.s32 $0x2, s10;
	s6 =	sor.u32 s7, s5;
	v10 =	vadd.s32 v10, v26;
	s5 =	sor.u32 s4, s5;
	[tilespmem:s13+$0x0] =	vst v32;
	v32 =	vand.u32 $0x7F, v33;
	v33 =	vadd.s32 v3, v34  }
0x2fd: {  	v28 =	vand.u32 $0x7F, v28;
	v34 =	vadd.s32 $0xF, v5;
	s8 =	sadd.s32 $0x20, s8;
	v26 =	vld [tilespmem:s12+$0xFFFFFFF0];
	p0 =	slt.u32 s10, $0xE;
	[tilespmem:s5+$0x0] =	vst v36;
	v32 =	vor.u32 v32, v33  }
0x2fe: {  	v33 =	vmov s8;
	s23 =	sand.u32 $0x60, s8;
	s13 =	sadd.s32 $0x10, s8;
	v28 =	vor.u32 v28, v10;
	v10 =	vld.idx.msk [tilespmem:v35+s15+$0x0], $0xffff;
	v35 =	vand.u32 $0xFFFFFF80, v34  }
0x2ff: {  	s9 =	sor.u32 $0x1A280, s30;
	v36 =	vmov s13;
	v34 =	vand.u32 $0x7F, v34;
	v25 =	vld.idx.msk [tilespmem:v25+s15+$0x0], $0xffff;
	v35 =	vadd.s32 v8, v35  }
0x300: {  	s5 =	sor.u32 s1, s9;
	s9 =	sor.u32 s31, s9;
	v33 =	vshll.u32 v33, $0x7;
	v36 =	vshll.u32 v36, $0x7;
	v34 =	vor.u32 v34, v35;
	v35 =	vld.idx.msk [tilespmem:v9+s15+$0x0], $0xffff;
	v9 =	vmovc v30  }
0x301: {  	v36 =	vor.u32 v1, v36;
	v30 =	vand.u32 $0xFFFFFF80, v37;
	[tilespmem:s9+$0x0] =	vst v31;
	v31 =	vadd.s32 $0x1F, v2;
	v2 =	vmovc v5;
	v5 =	vmovc v37  }
0x302: {  	s9 =	sor.u32 $0x19300, s0;
	v37 =	vand.u32 $0x7F, v5;
	v30 =	vadd.s32 v36, v30;
	v32 =	vld.idx.msk [tilespmem:v32+s15+$0x0], $0xffff;
	v38 =	vand.u32 $0xFFFFFF80, v31  }
0x303: {  	s17 =	sor.u32 s7, s9;
	s9 =	sor.u32 s4, s9;
	v31 =	vand.u32 $0x7F, v31;
	v30 =	vor.u32 v37, v30;
	v37 =	vadd.s32 v3, v38;
	v3 =	vmovc v8;
	v8 =	vmovc v36  }
0x304: {  	v36 =	vand.u32 $0xFFFFFF80, v26;
	v38 =	vadd.s32 $0x10, v2;
	[tilespmem:s9+$0x0] =	vst v10;
	v31 =	vor.u32 v31, v37  }
0x305: {  	v37 =	vand.u32 $0x7F, v26;
	v10 =	vor.u32 v1, v33;
	v33 =	vand.u32 $0xFFFFFF80, v38;
	[tilespmem:s6+$0x0] =	vst v25;
	v25 =	vld.idx.msk [tilespmem:v34+s15+$0x0], $0xffff  }
0x306: {  	s9 =	sor.u32 $0x1A300, s30;
	v34 =	vadd.s32 v10, v36;
	v36 =	vand.u32 $0x7F, v38;
	v33 =	vadd.s32 v3, v33;
	v24 =	vld.idx.msk [tilespmem:v24+s15+$0x0], $0xffff;
	[tilespmem:s14+$0x0] =	vst v35  }
0x307: {  	s26 =	sadd.s32 $0x1, s26;
	s6 =	sor.u32 s1, s9;
	s9 =	sor.u32 s31, s9;
	v34 =	vor.u32 v37, v34;
	v35 =	vadd.s32 $0x1, v5;
	v33 =	vor.u32 v36, v33;
	v36 =	vld.idx.msk [tilespmem:v7+s15+$0x0], $0xffff;
	v7 =	vmovc v29  }
0x308: {  	s14 =	sand.u32 $0x3, s26;
	v37 =	vadd.s32 $0x2, v26;
	v29 =	vadd.s32 $0x1, v26;
	v38 =	vand.u32 $0xFFFFFF80, v35;
	v30 =	vld.idx.msk [tilespmem:v30+s15+$0x0], $0xffff;
	[tilespmem:s9+$0x0] =	vst v32  }
0x309: {  	v35 =	vand.u32 $0x7F, v35;
	s9 =	sshll.u32 s14, $0x5;
	v32 =	vand.u32 $0xFFFFFF80, v29;
	v38 =	vadd.s32 v8, v38;
	s14 =	sor.u32 $0x19380, s0;
	v31 =	vld.idx.msk [tilespmem:v31+s15+$0x0], $0xffff  }
0x30a: {  	s24 =	sadd.s32 $0x100, s24;
	v29 =	vand.u32 $0x7F, v29;
	v32 =	vadd.s32 v10, v32;
	v35 =	vor.u32 v35, v38;
	s19 =	sor.u32 s7, s14;
	s14 =	sor.u32 s4, s14  }
0x30b: {  	s18 =	sand.u32 $0x400, s24;
	s20 =	sor.u32 s8, s24;
	s9 =	sadd.s32 s9, s24;
	v29 =	vor.u32 v29, v32;
	v32 =	vand.u32 $0xFFFFFF80, v37;
	[tilespmem:s14+$0x0] =	vst v25;
	v25 =	vadd.s32 $0x11, v2  }
0x30c: {  	v37 =	vand.u32 $0x7F, v37;
	s16 =	sor.u32 $0x300, s9;
	s9 =	sand.u32 $0x70, s13;
	s14 =	sor.u32 $0x18800, s18;
	v32 =	vadd.s32 v10, v32;
	[tilespmem:s17+$0x0] =	vst v24;
	v24 =	vld.idx.msk [tilespmem:v33+s15+$0x0], $0xffff;
	v33 =	vand.u32 $0xFFFFFF80, v25  }
0x30d: {  	s30 =	sor.u32 $0x1A380, s30;
	s17 =	sor.u32 s23, s14;
	v32 =	vor.u32 v37, v32;
	s21 =	sor.u32 s9, s14;
	v25 =	vand.u32 $0x7F, v25;
	v34 =	vld.idx.msk [tilespmem:v34+s15+$0x0], $0xffff;
	v33 =	vadd.s32 v3, v33;
	[tilespmem:s5+$0x0] =	vst v36  }
0x30e: {  	s14 =	sor.u32 $0x380, s20;
	v36 =	vadd.s32 $0x3, v26;
	s5 =	sor.u32 s1, s30;
	s1 =	sor.u32 s31, s30;
	[tilespmem:s21+$0x0] =	vst v30;
	v30 =	vadd.s32 $0x2, v5;
	v23 =	vld.idx.msk [tilespmem:v23+s15+$0x0], $0xffff;
	v25 =	vor.u32 v25, v33  }
0x30f: {  	s30 =	smov.u32 s0;
	v33 =	vand.u32 $0xFFFFFF80, v36;
	v36 =	vand.u32 $0x7F, v36;
	v35 =	vld.idx.msk [tilespmem:v35+s15+$0x0], $0xffff;
	v37 =	vand.u32 $0xFFFFFF80, v30;
	[tilespmem:s1+$0x0] =	vst v31;
	s1 =	smov.u32 s7;
	s7 =	smov.u32 s23  }
0x310: {  	s0 =	smov.u32 s18;
	s31 =	smov.u32 s4;
	s20 =	sor.u32 $0x19800, s30;
	v31 =	vadd.s32 v10, v33;
	v30 =	vand.u32 $0x7F, v30;
	v33 =	vadd.s32 v8, v37;
	v37 =	vld.idx.msk [tilespmem:v6+s15+$0x0], $0xffff;
	v6 =	vmovc v27  }
0x311: {  	s4 =	smov.u32 s9;
	v27 =	vor.u32 v36, v31;
	v31 =	vadd.s32 $0x4, v26;
	s18 =	sor.u32 s1, s20;
	s20 =	sor.u32 s31, s20;
	v30 =	vor.u32 v30, v33  }
0x312: {  	v33 =	vand.u32 $0xFFFFFF80, v31;
	v31 =	vand.u32 $0x7F, v31;
	[tilespmem:s20+$0x0] =	vst v24;
	v24 =	vadd.s32 $0x12, v2  }
0x313: {  	v33 =	vadd.s32 v10, v33;
	[tilespmem:s17+$0x0] =	vst v34;
	v34 =	vadd.s32 $0x5, v26;
	v25 =	vld.idx.msk [tilespmem:v25+s15+$0x0], $0xffff;
	v36 =	vand.u32 $0xFFFFFF80, v24  }
0x314: {  	v33 =	vor.u32 v31, v33;
	v29 =	vld.idx.msk [tilespmem:v29+s15+$0x0], $0xffff;
	[tilespmem:s19+$0x0] =	vst v23;
	v23 =	vand.u32 $0x7F, v24;
	v24 =	vadd.s32 v3, v36  }
0x315: {  	v31 =	vand.u32 $0xFFFFFF80, v34;
	[tilespmem:s21+$0x80] =	vst v35;
	v35 =	vadd.s32 $0x3, v5;
	v36 =	vld.idx.msk [tilespmem:v22+s15+$0x0], $0xffff;
	v22 =	vor.u32 v23, v24  }
0x316: {  	v23 =	vand.u32 $0x7F, v34;
	v24 =	vadd.s32 v10, v31;
	v30 =	vld.idx.msk [tilespmem:v30+s15+$0x0], $0xffff;
	v31 =	vand.u32 $0xFFFFFF80, v35;
	[tilespmem:s6+$0x0] =	vst v37  }
0x317: {  	v23 =	vor.u32 v23, v24;
	v24 =	vand.u32 $0x7F, v35;
	s6 =	sor.u32 $0x19880, s30;
	v31 =	vadd.s32 v8, v31;
	v34 =	vld.idx.msk [tilespmem:v4+s15+$0x0], $0xffff;
	v4 =	vmovc v28  }
0x318: {  	v35 =	vadd.s32 $0x7, v26;
	v28 =	vadd.s32 $0x6, v26;
	s9 =	sor.u32 s1, s6;
	s6 =	sor.u32 s31, s6;
	v24 =	vor.u32 v24, v31  }
0x319: {  	v31 =	vand.u32 $0xFFFFFF80, v28;
	v28 =	vand.u32 $0x7F, v28;
	[tilespmem:s6+$0x0] =	vst v25;
	v25 =	vadd.s32 $0x13, v2  }
0x31a: {  	[tilespmem:s17+$0x80] =	vst v29;
	v29 =	vadd.s32 v10, v31;
	v31 =	vand.u32 $0xFFFFFF80, v35;
	v37 =	vld.idx.msk [tilespmem:v22+s15+$0x0], $0xffff;
	v38 =	vand.u32 $0xFFFFFF80, v25  }
0x31b: {  	v25 =	vand.u32 $0x7F, v25;
	v32 =	vld.idx.msk [tilespmem:v32+s15+$0x0], $0xffff;
	v22 =	vor.u32 v28, v29;
	[tilespmem:s18+$0x0] =	vst v36;
	v28 =	vadd.s32 v3, v38  }
0x31c: {  	v29 =	vadd.s32 v10, v31;
	[tilespmem:s21+$0x100] =	vst v30;
	v30 =	vadd.s32 $0x4, v5;
	v36 =	vld.idx.msk [tilespmem:v21+s15+$0x0], $0xffff;
	v25 =	vor.u32 v25, v28  }
0x31d: {  	v21 =	vand.u32 $0x7F, v35;
	v28 =	vadd.s32 $0x8, v26;
	v24 =	vld.idx.msk [tilespmem:v24+s15+$0x0], $0xffff;
	v31 =	vand.u32 $0xFFFFFF80, v30;
	[tilespmem:s5+$0x0] =	vst v34  }
0x31e: {  	v21 =	vor.u32 v21, v29;
	v29 =	vand.u32 $0x7F, v30;
	s5 =	sor.u32 $0x19900, s30;
	v30 =	vadd.s32 v8, v31  }
0x31f: {  	v31 =	vand.u32 $0xFFFFFF80, v28;
	v28 =	vand.u32 $0x7F, v28;
	s6 =	sor.u32 s1, s5;
	s5 =	sor.u32 s31, s5;
	v29 =	vor.u32 v29, v30  }
0x320: {  	v35 =	vadd.s32 $0x14, v2;
	v34 =	vadd.s32 $0x9, v26;
	v30 =	vadd.s32 v10, v31;
	[tilespmem:s5+$0x0] =	vst v37  }
0x321: {  	v31 =	vor.u32 v28, v30;
	v28 =	vand.u32 $0xFFFFFF80, v34;
	v30 =	vand.u32 $0xFFFFFF80, v35;
	[tilespmem:s17+$0x100] =	vst v32;
	v25 =	vld.idx.msk [tilespmem:v25+s15+$0x0], $0xffff  }
0x322: {  	v28 =	vadd.s32 v10, v28;
	v32 =	vand.u32 $0x7F, v35;
	v30 =	vadd.s32 v3, v30;
	v27 =	vld.idx.msk [tilespmem:v27+s15+$0x0], $0xffff;
	[tilespmem:s9+$0x0] =	vst v36  }
0x323: {  	v34 =	vand.u32 $0x7F, v34;
	v32 =	vor.u32 v32, v30;
	[tilespmem:s21+$0x180] =	vst v24;
	v24 =	vadd.s32 $0x5, v5;
	v20 =	vld.idx.msk [tilespmem:v20+s15+$0x0], $0xffff  }
0x324: {  	v30 =	vor.u32 v34, v28;
	v28 =	vadd.s32 $0xA, v26;
	v34 =	vld.idx.msk [tilespmem:v29+s15+$0x0], $0xffff;
	v29 =	vand.u32 $0xFFFFFF80, v24  }
0x325: {  	s5 =	sor.u32 $0x19980, s30;
	v35 =	vand.u32 $0xFFFFFF80, v28;
	v24 =	vand.u32 $0x7F, v24;
	v29 =	vadd.s32 v8, v29  }
0x326: {  	s9 =	sor.u32 s1, s5;
	s5 =	sor.u32 s31, s5;
	v28 =	vand.u32 $0x7F, v28;
	v35 =	vadd.s32 v10, v35;
	v24 =	vor.u32 v24, v29  }
0x327: {  	v29 =	vor.u32 v28, v35;
	v28 =	vadd.s32 $0xB, v26;
	[tilespmem:s5+$0x0] =	vst v25;
	v25 =	vadd.s32 $0x15, v2  }
0x328: {  	[tilespmem:s17+$0x180] =	vst v27;
	v27 =	vand.u32 $0xFFFFFF80, v28;
	v28 =	vand.u32 $0x7F, v28;
	v32 =	vld.idx.msk [tilespmem:v32+s15+$0x0], $0xffff;
	v35 =	vand.u32 $0xFFFFFF80, v25  }
0x329: {  	v33 =	vld.idx.msk [tilespmem:v33+s15+$0x0], $0xffff;
	v27 =	vadd.s32 v10, v27;
	[tilespmem:s6+$0x0] =	vst v20;
	v20 =	vand.u32 $0x7F, v25;
	v25 =	vadd.s32 v3, v35  }
0x32a: {  	v28 =	vor.u32 v28, v27;
	[tilespmem:s21+$0x200] =	vst v34;
	v27 =	vadd.s32 $0x6, v5;
	v19 =	vld.idx.msk [tilespmem:v19+s15+$0x0], $0xffff;
	v20 =	vor.u32 v20, v25  }
0x32b: {  	v25 =	vadd.s32 $0xC, v26;
	v34 =	vadd.s32 $0xD, v26;
	v24 =	vld.idx.msk [tilespmem:v24+s15+$0x0], $0xffff;
	v35 =	vand.u32 $0xFFFFFF80, v27  }
0x32c: {  	s5 =	sor.u32 $0x19A00, s30;
	v36 =	vand.u32 $0xFFFFFF80, v25;
	v27 =	vand.u32 $0x7F, v27;
	v35 =	vadd.s32 v8, v35  }
0x32d: {  	s6 =	sor.u32 s1, s5;
	s5 =	sor.u32 s31, s5;
	v25 =	vand.u32 $0x7F, v25;
	v36 =	vadd.s32 v10, v36;
	v35 =	vor.u32 v27, v35  }
0x32e: {  	v27 =	vor.u32 v25, v36;
	v25 =	vand.u32 $0xFFFFFF80, v34;
	[tilespmem:s5+$0x0] =	vst v32;
	v32 =	vadd.s32 $0x16, v2  }
0x32f: {  	v25 =	vadd.s32 v10, v25;
	[tilespmem:s17+$0x200] =	vst v33;
	v33 =	vand.u32 $0x7F, v34;
	v20 =	vld.idx.msk [tilespmem:v20+s15+$0x0], $0xffff;
	v34 =	vand.u32 $0xFFFFFF80, v32  }
0x330: {  	v23 =	vld.idx.msk [tilespmem:v23+s15+$0x0], $0xffff;
	v25 =	vor.u32 v33, v25;
	[tilespmem:s9+$0x0] =	vst v19;
	v19 =	vand.u32 $0x7F, v32;
	v32 =	vadd.s32 v3, v34  }
0x331: {  	v33 =	vadd.s32 $0xE, v26;
	[tilespmem:s21+$0x280] =	vst v24;
	v24 =	vadd.s32 $0x7, v5;
	v18 =	vld.idx.msk [tilespmem:v18+s15+$0x0], $0xffff;
	v19 =	vor.u32 v19, v32  }
0x332: {  	s25 =	sadd.s32 $0x2, s25;
	v32 =	vand.u32 $0xFFFFFF80, v33;
	v33 =	vand.u32 $0x7F, v33;
	v34 =	vld.idx.msk [tilespmem:v35+s15+$0x0], $0xffff;
	v35 =	vand.u32 $0xFFFFFF80, v24  }
0x333: {  	s5 =	sand.u32 $0x7, s25;
	s9 =	sor.u32 $0x19A80, s30;
	v32 =	vadd.s32 v10, v32;
	v36 =	vand.u32 $0x7F, v24;
	v35 =	vadd.s32 v8, v35  }
0x334: {  	s5 =	sshll.u32 s5, $0x4;
	s18 =	sor.u32 s1, s9;
	s9 =	sor.u32 s31, s9;
	v24 =	vor.u32 v33, v32;
	v32 =	vadd.s32 $0xF, v26;
	v33 =	vor.u32 v36, v35  }
0x335: {  	s5 =	sadd.s32 s24, s5;
	v35 =	vand.u32 $0xFFFFFF80, v32;
	v32 =	vand.u32 $0x7F, v32;
	[tilespmem:s9+$0x0] =	vst v20;
	v20 =	vadd.s32 $0x17, v2  }
0x336: {  	s5 =	sadd.s32 $0x10, s5;
	[tilespmem:s17+$0x280] =	vst v23;
	v23 =	vadd.s32 v10, v35;
	v35 =	vadd.s32 $0x10, v26;
	v19 =	vld.idx.msk [tilespmem:v19+s15+$0x0], $0xffff;
	v36 =	vand.u32 $0xFFFFFF80, v20  }
0x337: {  	s5 =	sor.u32 $0x300, s5;
	v37 =	vld.idx.msk [tilespmem:v22+s15+$0x0], $0xffff;
	v23 =	vor.u32 v32, v23;
	[tilespmem:s6+$0x0] =	vst v18;
	v18 =	vand.u32 $0x7F, v20;
	v20 =	vadd.s32 v3, v36  }
0x338: {  	v22 =	vand.u32 $0xFFFFFF80, v35;
	v32 =	vadd.s32 $0x8, v5;
	[tilespmem:s5+$0x18800] =	vst v34;
	v17 =	vld.idx.msk [tilespmem:v17+s15+$0x0], $0xffff;
	v18 =	vor.u32 v18, v20  }
0x339: {  	v20 =	vand.u32 $0x7F, v35;
	v22 =	vadd.s32 v10, v22;
	v34 =	vand.u32 $0xFFFFFF80, v32;
	v33 =	vld.idx.msk [tilespmem:v33+s15+$0x0], $0xffff  }
0x33a: {  	s5 =	sor.u32 $0x19B00, s30;
	v22 =	vor.u32 v20, v22;
	v20 =	vand.u32 $0x7F, v32;
	v32 =	vadd.s32 v8, v34  }
0x33b: {  	v35 =	vadd.s32 $0x12, v26;
	v34 =	vadd.s32 $0x11, v26;
	s6 =	sor.u32 s1, s5;
	s5 =	sor.u32 s31, s5;
	v20 =	vor.u32 v20, v32  }
0x33c: {  	v32 =	vand.u32 $0xFFFFFF80, v34;
	v34 =	vand.u32 $0x7F, v34;
	[tilespmem:s5+$0x0] =	vst v19;
	v19 =	vadd.s32 $0x18, v2  }
0x33d: {  	v36 =	vand.u32 $0xFFFFFF80, v35;
	v32 =	vadd.s32 v10, v32;
	s5 =	sor.u32 s13, s24;
	[tilespmem:s16+$0x18800] =	vst v37;
	v18 =	vld.idx.msk [tilespmem:v18+s15+$0x0], $0xffff;
	v37 =	vand.u32 $0xFFFFFF80, v19  }
0x33e: {  	s5 =	sor.u32 $0x380, s5;
	v38 =	vld.idx.msk [tilespmem:v21+s15+$0x0], $0xffff;
	v21 =	vor.u32 v34, v32;
	[tilespmem:s18+$0x0] =	vst v17;
	v17 =	vand.u32 $0x7F, v19;
	v19 =	vadd.s32 v3, v37  }
0x33f: {  	v32 =	vadd.s32 v10, v36;
	[tilespmem:s5+$0x18800] =	vst v33;
	v33 =	vadd.s32 $0x9, v5;
	v16 =	vld.idx.msk [tilespmem:v16+s15+$0x0], $0xffff;
	v17 =	vor.u32 v17, v19  }
0x340: {  	v34 =	vadd.s32 $0x13, v26;
	v19 =	vand.u32 $0x7F, v35;
	v35 =	vld.idx.msk [tilespmem:v20+s15+$0x0], $0xffff;
	v36 =	vand.u32 $0xFFFFFF80, v33  }
0x341: {  	s5 =	sor.u32 $0x19B80, s30;
	v20 =	vor.u32 v19, v32;
	v19 =	vand.u32 $0x7F, v33;
	v32 =	vadd.s32 v8, v36  }
0x342: {  	v33 =	vand.u32 $0xFFFFFF80, v34;
	v34 =	vand.u32 $0x7F, v34;
	s9 =	sor.u32 s1, s5;
	s5 =	sor.u32 s31, s5;
	v32 =	vor.u32 v19, v32  }
0x343: {  	v19 =	vadd.s32 v10, v33;
	v33 =	vadd.s32 $0x14, v26;
	[tilespmem:s5+$0x0] =	vst v18;
	v18 =	vadd.s32 $0x19, v2  }
0x344: {  	s5 =	sor.u32 $0x19000, s0;
	v19 =	vor.u32 v34, v19;
	v34 =	vand.u32 $0xFFFFFF80, v33;
	[tilespmem:s14+$0x18800] =	vst v38;
	v36 =	vld.idx.msk [tilespmem:v17+s15+$0x0], $0xffff;
	v17 =	vand.u32 $0xFFFFFF80, v18  }
0x345: {  	s13 =	sor.u32 s7, s5;
	v34 =	vadd.s32 v10, v34;
	s5 =	sor.u32 s4, s5;
	v31 =	vld.idx.msk [tilespmem:v31+s15+$0x0], $0xffff;
	[tilespmem:s6+$0x0] =	vst v16;
	v16 =	vand.u32 $0x7F, v18;
	v17 =	vadd.s32 v3, v17  }
0x346: {  	v18 =	vand.u32 $0x7F, v33;
	v33 =	vadd.s32 $0xA, v5;
	[tilespmem:s5+$0x0] =	vst v35;
	v15 =	vld.idx.msk [tilespmem:v15+s15+$0x0], $0xffff;
	v16 =	vor.u32 v16, v17  }
0x347: {  	v18 =	vor.u32 v18, v34;
	v17 =	vadd.s32 $0x15, v26;
	v34 =	vand.u32 $0xFFFFFF80, v33;
	v32 =	vld.idx.msk [tilespmem:v32+s15+$0x0], $0xffff  }
0x348: {  	v33 =	vand.u32 $0x7F, v33;
	s5 =	sor.u32 $0x1A000, s30;
	v35 =	vand.u32 $0xFFFFFF80, v17;
	v34 =	vadd.s32 v8, v34  }
0x349: {  	v17 =	vand.u32 $0x7F, v17;
	s6 =	sor.u32 s1, s5;
	s5 =	sor.u32 s31, s5;
	v35 =	vadd.s32 v10, v35;
	v33 =	vor.u32 v33, v34  }
0x34a: {  	v34 =	vadd.s32 $0x16, v26;
	v17 =	vor.u32 v17, v35;
	v35 =	vadd.s32 $0x1A, v2;
	[tilespmem:s5+$0x0] =	vst v36  }
0x34b: {  	s5 =	sor.u32 $0x19080, s0;
	[tilespmem:s13+$0x0] =	vst v31;
	v31 =	vand.u32 $0xFFFFFF80, v34;
	v34 =	vand.u32 $0x7F, v34;
	v36 =	vld.idx.msk [tilespmem:v16+s15+$0x0], $0xffff;
	v16 =	vand.u32 $0xFFFFFF80, v35  }
0x34c: {  	s13 =	sor.u32 s7, s5;
	s5 =	sor.u32 s4, s5;
	v30 =	vld.idx.msk [tilespmem:v30+s15+$0x0], $0xffff;
	v31 =	vadd.s32 v10, v31;
	[tilespmem:s9+$0x0] =	vst v15;
	v15 =	vand.u32 $0x7F, v35;
	v35 =	vadd.s32 v3, v16  }
0x34d: {  	v16 =	vor.u32 v34, v31;
	[tilespmem:s5+$0x0] =	vst v32;
	v31 =	vadd.s32 $0xB, v5;
	v32 =	vld.idx.msk [tilespmem:v14+s15+$0x0], $0xffff;
	v14 =	vor.u32 v15, v35  }
0x34e: {  	v15 =	vadd.s32 $0x17, v26;
	v34 =	vadd.s32 $0x18, v26;
	v33 =	vld.idx.msk [tilespmem:v33+s15+$0x0], $0xffff;
	v35 =	vand.u32 $0xFFFFFF80, v31  }
0x34f: {  	s5 =	sor.u32 $0x1A080, s30;
	v37 =	vand.u32 $0xFFFFFF80, v15;
	v31 =	vand.u32 $0x7F, v31;
	v35 =	vadd.s32 v8, v35  }
0x350: {  	v15 =	vand.u32 $0x7F, v15;
	s9 =	sor.u32 s1, s5;
	s5 =	sor.u32 s31, s5;
	v37 =	vadd.s32 v10, v37;
	v31 =	vor.u32 v31, v35  }
0x351: {  	v15 =	vor.u32 v15, v37;
	v35 =	vand.u32 $0xFFFFFF80, v34;
	[tilespmem:s5+$0x0] =	vst v36;
	v36 =	vadd.s32 $0x1B, v2  }
0x352: {  	s5 =	sor.u32 $0x19100, s0;
	[tilespmem:s13+$0x0] =	vst v30;
	v30 =	vand.u32 $0x7F, v34;
	v34 =	vadd.s32 v10, v35;
	v35 =	vld.idx.msk [tilespmem:v14+s15+$0x0], $0xffff;
	v37 =	vand.u32 $0xFFFFFF80, v36  }
0x353: {  	s13 =	sor.u32 s7, s5;
	s5 =	sor.u32 s4, s5;
	v29 =	vld.idx.msk [tilespmem:v29+s15+$0x0], $0xffff;
	v14 =	vor.u32 v30, v34;
	[tilespmem:s6+$0x0] =	vst v32;
	v30 =	vand.u32 $0x7F, v36;
	v32 =	vadd.s32 v3, v37  }
0x354: {  	v34 =	vadd.s32 $0x19, v26;
	[tilespmem:s5+$0x0] =	vst v33;
	v33 =	vadd.s32 $0xC, v5;
	v36 =	vld.idx.msk [tilespmem:v12+s15+$0x0], $0xffff;
	v30 =	vor.u32 v30, v32  }
0x355: {  	v12 =	vand.u32 $0xFFFFFF80, v34;
	v32 =	vand.u32 $0x7F, v34;
	v31 =	vld.idx.msk [tilespmem:v31+s15+$0x0], $0xffff;
	v34 =	vand.u32 $0xFFFFFF80, v33  }
0x356: {  	s5 =	sor.u32 $0x1A100, s30;
	v12 =	vadd.s32 v10, v12;
	v33 =	vand.u32 $0x7F, v33;
	v34 =	vadd.s32 v8, v34  }
0x357: {  	s6 =	sor.u32 s1, s5;
	s5 =	sor.u32 s31, s5;
	v12 =	vor.u32 v32, v12;
	v32 =	vadd.s32 $0x1A, v26;
	v33 =	vor.u32 v33, v34  }
0x358: {  	v34 =	vand.u32 $0xFFFFFF80, v32;
	v32 =	vand.u32 $0x7F, v32;
	[tilespmem:s5+$0x0] =	vst v35;
	v35 =	vadd.s32 $0x1C, v2  }
0x359: {  	s5 =	sor.u32 $0x19180, s0;
	[tilespmem:s13+$0x0] =	vst v29;
	v29 =	vadd.s32 v10, v34;
	v34 =	vadd.s32 $0x1B, v26;
	v30 =	vld.idx.msk [tilespmem:v30+s15+$0x0], $0xffff;
	v37 =	vand.u32 $0xFFFFFF80, v35  }
0x35a: {  	s14 =	sor.u32 s7, s5;
	s5 =	sor.u32 s4, s5;
	v28 =	vld.idx.msk [tilespmem:v28+s15+$0x0], $0xffff;
	v29 =	vor.u32 v32, v29;
	[tilespmem:s9+$0x0] =	vst v36;
	v32 =	vand.u32 $0x7F, v35;
	v35 =	vadd.s32 v3, v37  }
0x35b: {  	v36 =	vand.u32 $0xFFFFFF80, v34;
	[tilespmem:s5+$0x0] =	vst v31;
	v31 =	vadd.s32 $0xD, v5;
	v37 =	vld.idx.msk [tilespmem:v11+s15+$0x0], $0xffff;
	v32 =	vor.u32 v32, v35;
	v11 =	vmovc v29  }
0x35c: {  	v29 =	vand.u32 $0x7F, v34;
	v34 =	vadd.s32 v10, v36;
	v33 =	vld.idx.msk [tilespmem:v33+s15+$0x0], $0xffff;
	v35 =	vand.u32 $0xFFFFFF80, v31  }
0x35d: {  	s5 =	sor.u32 $0x1A180, s30;
	v29 =	vor.u32 v29, v34;
	v31 =	vand.u32 $0x7F, v31;
	v34 =	vadd.s32 v8, v35  }
0x35e: {  	v36 =	vadd.s32 $0x1D, v26;
	s13 =	sor.u32 s1, s5;
	s5 =	sor.u32 s31, s5;
	v35 =	vadd.s32 $0x1C, v26;
	v31 =	vor.u32 v31, v34  }
0x35f: {  	v38 =	vadd.s32 $0x1D, v2;
	v34 =	vand.u32 $0xFFFFFF80, v35;
	v35 =	vand.u32 $0x7F, v35;
	[tilespmem:s5+$0x0] =	vst v30  }
0x360: {  	s5 =	sor.u32 $0x19200, s0;
	[tilespmem:s14+$0x0] =	vst v28;
	v28 =	vadd.s32 v10, v34;
	v34 =	vand.u32 $0xFFFFFF80, v36;
	v39 =	vld.idx.msk [tilespmem:v32+s15+$0x0], $0xffff;
	v32 =	vand.u32 $0xFFFFFF80, v38  }
0x361: {  	s9 =	sor.u32 s7, s5;
	s5 =	sor.u32 s4, s5;
	v27 =	vld.idx.msk [tilespmem:v27+s15+$0x0], $0xffff;
	v30 =	vor.u32 v35, v28;
	[tilespmem:s6+$0x0] =	vst v37;
	v28 =	vand.u32 $0x7F, v38;
	v35 =	vadd.s32 v3, v32  }
0x362: {  	v34 =	vadd.s32 v10, v34;
	[tilespmem:s5+$0x0] =	vst v33;
	v33 =	vadd.s32 $0xE, v5;
	v32 =	vld.idx.msk [tilespmem:v13+s15+$0x0], $0xffff;
	v37 =	vor.u32 v28, v35  }
.Ltmp5:
0x363: {  	v28 =	vand.u32 $0x7F, v36;
	v35 =	vadd.s32 $0x1E, v26;
	v13 =	vmovc v29;
	v36 =	vld.idx.msk [tilespmem:v31+s15+$0x0], $0xffff;
	v31 =	vand.u32 $0xFFFFFF80, v33;
	(pc) =	sbr.rel @p0 .LBB2_13-.Ltmp5, $4  }
0x364: {  	s5 =	sor.u32 $0x1A200, s30;
	v29 =	vor.u32 v28, v34;
	v28 =	vand.u32 $0x7F, v33;
	v31 =	vadd.s32 v8, v31  }
0x365: {  	v33 =	vand.u32 $0xFFFFFF80, v35;
	v34 =	vand.u32 $0x7F, v35;
	s14 =	sor.u32 s1, s5;
	s5 =	sor.u32 s31, s5;
	v35 =	vor.u32 v28, v31  }
0x366: {  	v31 =	vadd.s32 v10, v33;
	v28 =	vadd.s32 $0x1F, v26;
	v33 =	vadd.s32 $0x1E, v2;
	[tilespmem:s5+$0x0] =	vst v39  }
0x367: {  	s12 =	sadd.s32 $0x20, s12;
	s5 =	sor.u32 $0x19280, s0;
	v26 =	vand.u32 $0xFFFFFF80, v28;
	[tilespmem:s9+$0x0] =	vst v27;
	v27 =	vor.u32 v34, v31;
	v31 =	vld.idx.msk [tilespmem:v37+s15+$0x0], $0xffff;
	v34 =	vand.u32 $0xFFFFFF80, v33  }
0x368: {  	_ =	sdelay $0x3  }
0x369: {  	v25 =	vld.idx.msk [tilespmem:v25+s15+$0x0], $0xffff;
	_ =	sdelay $0x2  }
0x36a: {  	s6 =	sor.u32 s4, s5;
	v37 =	vadd.s32 $0xF, v5  }
0x36b: {  	s9 =	sor.u32 s7, s5;
	[tilespmem:s6+$0x0] =	vst v36;
	v62 =	vand.u32 $0xFFFFFF80, v37  }
0x36c: {  	v40 =	vand.u32 $0x7F, v37;
	v63 =	vld.idx.msk [tilespmem:v35+s15+$0x0], $0xffff;
	v36 =	vadd.s32 v8, v62;
	[tilespmem:s9+$0x0] =	vst v25  }
0x36d: {  	v35 =	vor.u32 v40, v36;
	v24 =	vld.idx.msk [tilespmem:v24+s15+$0x0], $0xffff;
	_ =	sdelay $0x1  }
0x36e: {  	s10 =	sor.u32 $0x19300, s0  }
0x36f: {  	v41 =	vadd.s32 $0x10, v5;
	s12 =	sor.u32 s4, s10  }
0x370: {  	s5 =	sor.u32 s7, s10;
	v42 =	vand.u32 $0xFFFFFF80, v41;
	[tilespmem:s12+$0x0] =	vst v63  }
0x371: {  	v36 =	vand.u32 $0x7F, v41;
	v25 =	vadd.s32 v8, v42;
	v35 =	vld.idx.msk [tilespmem:v35+s15+$0x0], $0xffff;
	[tilespmem:s5+$0x0] =	vst v24  }
0x372: {  	v43 =	vor.u32 v36, v25;
	v23 =	vld.idx.msk [tilespmem:v23+s15+$0x0], $0xffff;
	_ =	sdelay $0x1  }
0x373: {  	s16 =	sor.u32 $0x19380, s0  }
0x374: {  	v44 =	vadd.s32 $0x11, v5;
	s17 =	sor.u32 s4, s16  }
0x375: {  	v45 =	vand.u32 $0xFFFFFF80, v44;
	s5 =	sor.u32 s7, s16;
	[tilespmem:s17+$0x0] =	vst v35  }
0x376: {  	v25 =	vand.u32 $0x7F, v44;
	v35 =	vadd.s32 v8, v45;
	v24 =	vld.idx.msk [tilespmem:v43+s15+$0x0], $0xffff;
	[tilespmem:s5+$0x0] =	vst v23  }
0x377: {  	v46 =	vor.u32 v25, v35;
	v22 =	vld.idx.msk [tilespmem:v22+s15+$0x0], $0xffff;
	_ =	sdelay $0x1  }
0x378: {  	s18 =	sor.u32 $0x19800, s0  }
0x379: {  	v47 =	vadd.s32 $0x12, v5;
	s19 =	sor.u32 s4, s18  }
0x37a: {  	v48 =	vand.u32 $0xFFFFFF80, v47;
	s5 =	sor.u32 s7, s18;
	[tilespmem:s19+$0x0] =	vst v24  }
0x37b: {  	v25 =	vand.u32 $0x7F, v47;
	v24 =	vadd.s32 v8, v48;
	v23 =	vld.idx.msk [tilespmem:v46+s15+$0x0], $0xffff;
	[tilespmem:s5+$0x0] =	vst v22  }
0x37c: {  	v49 =	vor.u32 v25, v24;
	v21 =	vld.idx.msk [tilespmem:v21+s15+$0x0], $0xffff;
	_ =	sdelay $0x1  }
0x37d: {  	s20 =	sor.u32 $0x19880, s0  }
0x37e: {  	v50 =	vadd.s32 $0x13, v5;
	s21 =	sor.u32 s4, s20  }
0x37f: {  	v51 =	vand.u32 $0xFFFFFF80, v50;
	s5 =	sor.u32 s7, s20;
	[tilespmem:s21+$0x0] =	vst v23  }
0x380: {  	v24 =	vand.u32 $0x7F, v50;
	v23 =	vadd.s32 v8, v51;
	v22 =	vld.idx.msk [tilespmem:v49+s15+$0x0], $0xffff;
	[tilespmem:s5+$0x0] =	vst v21  }
0x381: {  	v52 =	vor.u32 v24, v23;
	v20 =	vld.idx.msk [tilespmem:v20+s15+$0x0], $0xffff;
	_ =	sdelay $0x1  }
0x382: {  	s23 =	sor.u32 $0x19900, s0  }
0x383: {  	v53 =	vadd.s32 $0x14, v5;
	s24 =	sor.u32 s4, s23  }
0x384: {  	v54 =	vand.u32 $0xFFFFFF80, v53;
	s5 =	sor.u32 s7, s23;
	[tilespmem:s24+$0x0] =	vst v22  }
0x385: {  	v23 =	vand.u32 $0x7F, v53;
	v22 =	vadd.s32 v8, v54;
	v21 =	vld.idx.msk [tilespmem:v52+s15+$0x0], $0xffff;
	[tilespmem:s5+$0x0] =	vst v20  }
0x386: {  	v55 =	vor.u32 v23, v22;
	v19 =	vld.idx.msk [tilespmem:v19+s15+$0x0], $0xffff;
	_ =	sdelay $0x1  }
0x387: {  	s25 =	sor.u32 $0x19980, s0  }
0x388: {  	v56 =	vadd.s32 $0x15, v5;
	s26 =	sor.u32 s4, s25  }
0x389: {  	v57 =	vand.u32 $0xFFFFFF80, v56;
	s5 =	sor.u32 s7, s25;
	[tilespmem:s26+$0x0] =	vst v21  }
0x38a: {  	v22 =	vand.u32 $0x7F, v56;
	v21 =	vadd.s32 v8, v57;
	v20 =	vld.idx.msk [tilespmem:v55+s15+$0x0], $0xffff;
	[tilespmem:s5+$0x0] =	vst v19  }
0x38b: {  	v58 =	vor.u32 v22, v21;
	v18 =	vld.idx.msk [tilespmem:v18+s15+$0x0], $0xffff;
	_ =	sdelay $0x1  }
0x38c: {  	s8 =	sor.u32 $0x19A00, s0  }
0x38d: {  	v59 =	vadd.s32 $0x16, v5;
	s9 =	sor.u32 s4, s8  }
0x38e: {  	v60 =	vand.u32 $0xFFFFFF80, v59;
	s5 =	sor.u32 s7, s8;
	[tilespmem:s9+$0x0] =	vst v20  }
0x38f: {  	v21 =	vand.u32 $0x7F, v59;
	v20 =	vadd.s32 v8, v60;
	v19 =	vld.idx.msk [tilespmem:v58+s15+$0x0], $0xffff;
	[tilespmem:s5+$0x0] =	vst v18  }
0x390: {  	v61 =	vor.u32 v21, v20;
	v17 =	vld.idx.msk [tilespmem:v17+s15+$0x0], $0xffff;
	_ =	sdelay $0x1  }
0x391: {  	s10 =	sor.u32 $0x19A80, s0  }
0x392: {  	v62 =	vadd.s32 $0x17, v5;
	s12 =	sor.u32 s4, s10  }
0x393: {  	v63 =	vand.u32 $0xFFFFFF80, v62;
	s5 =	sor.u32 s7, s10;
	[tilespmem:s12+$0x0] =	vst v19  }
0x394: {  	v20 =	vand.u32 $0x7F, v62;
	v19 =	vadd.s32 v8, v63;
	v18 =	vld.idx.msk [tilespmem:v61+s15+$0x0], $0xffff;
	[tilespmem:s5+$0x0] =	vst v17  }
0x395: {  	v23 =	vor.u32 v20, v19;
	v16 =	vld.idx.msk [tilespmem:v16+s15+$0x0], $0xffff;
	_ =	sdelay $0x1  }
0x396: {  	s16 =	sor.u32 $0x19B00, s0  }
0x397: {  	s17 =	sor.u32 s4, s16;
	v24 =	vadd.s32 $0x18, v5  }
0x398: {  	v25 =	vand.u32 $0xFFFFFF80, v24;
	s5 =	sor.u32 s7, s16;
	[tilespmem:s17+$0x0] =	vst v18  }
0x399: {  	v19 =	vand.u32 $0x7F, v24;
	v18 =	vadd.s32 v8, v25;
	v17 =	vld.idx.msk [tilespmem:v23+s15+$0x0], $0xffff;
	[tilespmem:s5+$0x0] =	vst v16  }
0x39a: {  	v35 =	vor.u32 v19, v18;
	v15 =	vld.idx.msk [tilespmem:v15+s15+$0x0], $0xffff;
	_ =	sdelay $0x1  }
0x39b: {  	s18 =	sor.u32 $0x19B80, s0  }
0x39c: {  	v36 =	vadd.s32 $0x19, v5;
	s19 =	sor.u32 s4, s18  }
0x39d: {  	v37 =	vand.u32 $0xFFFFFF80, v36;
	s5 =	sor.u32 s7, s18;
	[tilespmem:s19+$0x0] =	vst v17  }
0x39e: {  	v18 =	vand.u32 $0x7F, v36;
	v17 =	vadd.s32 v8, v37;
	v16 =	vld.idx.msk [tilespmem:v35+s15+$0x0], $0xffff;
	[tilespmem:s5+$0x0] =	vst v15  }
0x39f: {  	v38 =	vor.u32 v18, v17;
	v14 =	vld.idx.msk [tilespmem:v14+s15+$0x0], $0xffff;
	_ =	sdelay $0x1  }
0x3a0: {  	s20 =	sor.u32 $0x1A000, s0  }
0x3a1: {  	v39 =	vadd.s32 $0x1A, v5;
	s21 =	sor.u32 s4, s20  }
0x3a2: {  	v40 =	vand.u32 $0xFFFFFF80, v39;
	s5 =	sor.u32 s7, s20;
	[tilespmem:s21+$0x0] =	vst v16  }
0x3a3: {  	v17 =	vand.u32 $0x7F, v39;
	v16 =	vadd.s32 v8, v40;
	v15 =	vld.idx.msk [tilespmem:v38+s15+$0x0], $0xffff;
	[tilespmem:s5+$0x0] =	vst v14  }
0x3a4: {  	v41 =	vor.u32 v17, v16;
	v12 =	vld.idx.msk [tilespmem:v12+s15+$0x0], $0xffff;
	_ =	sdelay $0x1  }
0x3a5: {  	s23 =	sor.u32 $0x1A080, s0  }
0x3a6: {  	v42 =	vadd.s32 $0x1B, v5;
	s24 =	sor.u32 s4, s23  }
0x3a7: {  	v43 =	vand.u32 $0xFFFFFF80, v42;
	s5 =	sor.u32 s7, s23;
	[tilespmem:s24+$0x0] =	vst v15  }
0x3a8: {  	v16 =	vand.u32 $0x7F, v42;
	v15 =	vadd.s32 v8, v43;
	v14 =	vld.idx.msk [tilespmem:v41+s15+$0x0], $0xffff;
	[tilespmem:s5+$0x0] =	vst v12  }
0x3a9: {  	v44 =	vor.u32 v16, v15;
	v11 =	vld.idx.msk [tilespmem:v11+s15+$0x0], $0xffff;
	_ =	sdelay $0x1  }
0x3aa: {  	s25 =	sor.u32 $0x1A100, s0  }
0x3ab: {  	v45 =	vadd.s32 $0x1C, v5;
	s26 =	sor.u32 s4, s25  }
0x3ac: {  	v46 =	vand.u32 $0xFFFFFF80, v45;
	s5 =	sor.u32 s7, s25;
	[tilespmem:s26+$0x0] =	vst v14  }
0x3ad: {  	v15 =	vand.u32 $0x7F, v45;
	v14 =	vadd.s32 v8, v46;
	v12 =	vld.idx.msk [tilespmem:v44+s15+$0x0], $0xffff;
	[tilespmem:s5+$0x0] =	vst v11  }
0x3ae: {  	v47 =	vor.u32 v15, v14;
	v13 =	vld.idx.msk [tilespmem:v13+s15+$0x0], $0xffff;
	_ =	sdelay $0x1  }
0x3af: {  	s6 =	sor.u32 $0x1A180, s0  }
0x3b0: {  	[tilespmem:s13+$0x0] =	vst v32;
	v48 =	vadd.s32 $0x1D, v5;
	s8 =	sor.u32 s4, s6  }
0x3b1: {  	v9 =	vld.idx.msk [tilespmem:v9+s15+$0x0], $0xffff;
	v49 =	vand.u32 $0xFFFFFF80, v48;
	s5 =	sor.u32 s7, s6;
	[tilespmem:s8+$0x0] =	vst v12  }
0x3b2: {  	v14 =	vand.u32 $0x7F, v48;
	v12 =	vadd.s32 v8, v49;
	v11 =	vld.idx.msk [tilespmem:v47+s15+$0x0], $0xffff;
	[tilespmem:s5+$0x0] =	vst v13  }
0x3b3: {  	v12 =	vor.u32 v14, v12;
	v13 =	vld.idx.msk [tilespmem:v30+s15+$0x0], $0xffff;
	_ =	sdelay $0x1  }
0x3b4: {  	s9 =	sor.u32 $0x1A200, s0  }
0x3b5: {  	[tilespmem:s14+$0x0] =	vst v9;
	v50 =	vand.u32 $0x7F, v33;
	v51 =	vadd.s32 v3, v34;
	v52 =	vadd.s32 $0x1E, v5;
	s10 =	sor.u32 s4, s9  }
0x3b6: {  	v7 =	vld.idx.msk [tilespmem:v7+s15+$0x0], $0xffff;
	v53 =	vand.u32 $0xFFFFFF80, v52;
	v14 =	vor.u32 v50, v51;
	s5 =	sor.u32 s7, s9;
	[tilespmem:s10+$0x0] =	vst v11  }
0x3b7: {  	v9 =	vand.u32 $0x7F, v52;
	v11 =	vadd.s32 v8, v53;
	v12 =	vld.idx.msk [tilespmem:v12+s15+$0x0], $0xffff;
	[tilespmem:s5+$0x0] =	vst v13  }
0x3b8: {  	s12 =	sor.u32 $0x1A280, s30;
	v9 =	vor.u32 v9, v11;
	v54 =	vld.idx.msk [tilespmem:v29+s15+$0x0], $0xffff  }
0x3b9: {  	v2 =	vadd.s32 $0x1F, v2;
	s13 =	sor.u32 s31, s12  }
0x3ba: {  	s14 =	sor.u32 $0x1A280, s0;
	v55 =	vand.u32 $0xFFFFFF80, v2;
	[tilespmem:s13+$0x0] =	vst v31;
	s5 =	sor.u32 s1, s12  }
0x3bb: {  	v56 =	vadd.s32 $0x1F, v5;
	v2 =	vand.u32 $0x7F, v2;
	v3 =	vadd.s32 v3, v55;
	s16 =	sor.u32 s4, s14;
	v14 =	vld.idx.msk [tilespmem:v14+s15+$0x0], $0xffff;
	[tilespmem:s5+$0x0] =	vst v7  }
0x3bc: {  	v57 =	vand.u32 $0xFFFFFF80, v56;
	v2 =	vor.u32 v2, v3;
	s6 =	sor.u32 s7, s14;
	v3 =	vld.idx.msk [tilespmem:v6+s15+$0x0], $0xffff;
	[tilespmem:s16+$0x0] =	vst v12  }
0x3bd: {  	v5 =	vand.u32 $0x7F, v56;
	v6 =	vadd.s32 v8, v57;
	v58 =	vld.idx.msk [tilespmem:v9+s15+$0x0], $0xffff;
	[tilespmem:s6+$0x0] =	vst v54  }
0x3be: {  	v59 =	vadd.s32 v10, v26;
	v60 =	vand.u32 $0x7F, v28;
	s17 =	sor.u32 $0x1A300, s30;
	v5 =	vor.u32 v5, v6;
	v61 =	vld.idx.msk [tilespmem:v27+s15+$0x0], $0xffff  }
0x3bf: {  	s18 =	sor.u32 s31, s17;
	v8 =	vor.u32 v60, v59  }
0x3c0: {  	s19 =	sor.u32 $0x1A300, s0;
	s5 =	sor.u32 s1, s17;
	[tilespmem:s18+$0x0] =	vst v14  }
0x3c1: {  	s20 =	sor.u32 s4, s19;
	v2 =	vld.idx.msk [tilespmem:v2+s15+$0x0], $0xffff;
	[tilespmem:s5+$0x0] =	vst v3  }
0x3c2: {  	s6 =	sor.u32 s7, s19;
	v3 =	vld.idx.msk [tilespmem:v4+s15+$0x0], $0xffff;
	[tilespmem:s20+$0x0] =	vst v58  }
0x3c3: {  	v62 =	vld.idx.msk [tilespmem:v5+s15+$0x0], $0xffff;
	[tilespmem:s6+$0x0] =	vst v61  }
0x3c4: {  	s21 =	sor.u32 $0x1A380, s30;
	v63 =	vld.idx.msk [tilespmem:v8+s15+$0x0], $0xffff  }
0x3c5: {  	s23 =	sor.u32 s31, s21  }
0x3c6: {  	s28 =	sadd.s32 $0x1, s28;
	s24 =	sor.u32 s1, s21;
	s25 =	sor.u32 $0x1A380, s0;
	[tilespmem:s23+$0x0] =	vst v2  }
0x3c7: {  	p0 =	sne.s32 s28, $0x32;
	s26 =	sor.u32 s4, s25;
	[tilespmem:s24+$0x0] =	vst v3  }
.Ltmp6:
0x3c8: {  	s0 =	sor.u32 s7, s25;
	[tilespmem:s26+$0x0] =	vst v62;
	(pc) =	sbr.rel @p0 .LBB2_4-.Ltmp6, $4  }
0x3c9: {  	[tilespmem:s0+$0x0] =	vst v63  }
0x3ca: {  	s30 =	simm.s32 $0x20000;
	s0 =	rddreg [dreg:$0x5]  }
0x3cb: {  	s31 =	simm.s32 $0x18800;
	s0 =	sadd.s32 s29, s0;
	s29 =	simm.s32 $0x800  }
0x3cc: {  	[hbm4b:s0+s29] =	stream.strided.scatter [tilespmem:s31], [sflag:$0x4], $0x2000, s30, s29, $0x38;
	[tilespmem:$0x1A800] =	vst v63  }
0x3cd: {  	s0 =	simm.s32 $0x3  }
0x3ce: {  	_ =	swait.ge [sflag:s0], $0x2000  }
0x3cf: {  	[sflag:s0] =	ssyncset.done $0x0  }
0x3d0: {  	s1 =	simm.s32 $0x4;
	[sflag:s0] =	ssyncadd.s32 $0xFFFFE000  }
0x3d1: {  	_ =	swait.ge [sflag:s1], $0x2000  }
0x3d2: {  	s4 =	rddreg [dreg:$0x7]  }
0x3d3: {  	s31 =	rddreg [dreg:$0x6];
	s4 =	sadd.s32 $0x1, s4  }
0x3d4: {  	p0 =	sne.s32 s4, s31  }
.Ltmp7:
0x3d5: {  	_ = 	snop;
	(pc) =	sbr.rel @p0 .LBB2_1-.Ltmp7, $3  }
0x3d6: {  	_ =	sdelay $0x1  }
0x3d7: {  	[sflag:s1] =	ssyncset.done $0x0  }
0x3d8: {  	[sflag:s1] =	ssyncadd.s32 $0xFFFFE000  }
0x3d9: {  	_ =	sfence.sel $0x180000  }
0x3da: {  	[bflag:$0x0] =	sbarrier.arrive $0xFFFF  }
0x3db: {  	_ =	strace $0x90000047  }
0x3dc: {  	s0 =	stileid.u32;
	[bflag:$0x2] =	sbarrier.arrive $0xFFFF  }
0x3dd: {  	p0 =	sne.s32 s0, $0x0;
	s0 =	rddreg [dreg:$0x2]  }
0x3de: {  	s0 =	sadd.s32 @!p0 $0x100000, s0  }
0x3df: {  	[sflag:s0] =	ssyncadd.tile.s32 @!p0 $0x1;
	_ =	shalt  }
.Lfunc_end2:
_tile_overlayer_lowered:
.L_overlay_start_2:
0x3e0: {  	(tag) =	ssettag $0x2  }
0x3e1: {  	s0 =	rddreg [dreg:$0x0];
	s2 =	stileid.u32  }
0x3e2: {  	s1 =	rddreg [dreg:$0x1];
	p0 =	sne.s32 s2, $0x0  }
0x3e3: {  	s3 =	rddreg [dreg:$0x2];
	[bflag:$0x3] =	sbarrier.arrive $0xFFFF;
	s2 =	simm.s32 @!p0 $0x1C05  }
0x3e4: {  	[timem:s3], [sflag:s2] =	dma.local @!p0 [hbm:s0], s1  }
0x3e5: {  	s0 =	simm.s32 @!p0 $0x5  }
0x3e6: {  	_ =	swait.ge @!p0 [sflag:s0], s1  }
0x3e7: {  	s1 =	ssub.s32 @!p0 $0x0, s1;
	[sflag:s0] =	ssyncset.done @!p0 $0x0  }
0x3e8: {  	[sflag:s0] =	ssyncadd.s32 @!p0 s1  }
0x3e9: {  	[bflag:$0x3] =	sbarrier.arrive $0xFFFF  }
0x3ea: {  	_ =	shalt  }

</sc_bundles>
